<compile_context>
chip_gen: v7x
topology: tpu7x:2x2x1
jax: 0.10.2.dev20260603
libtpu: 0.0.44.dev20260713+nightly
codegen_flags: <defaults>
</compile_context>

<pallas_src>
import functools

import jax
import jax.numpy as jnp
from jax import lax
from jax.experimental import pallas as pl
from jax.experimental.pallas import tpu as pltpu
from jax.experimental.pallas import tpu_sc as plsc

N = 10000
D = 128
HD = D // 2
E = 320000
NC = 2
NS = 16
NW = NC * NS
CH = 128
EPW = 10240
E_PAD = NW * EPW
STEPS = EPW // CH
NBUF = 3
AGG_ROWS = 10240
ZROWS = AGG_ROWS // NS


def _sc_agg_body(x0_hbm, x1_hbm, eidx_hbm, zeros_hbm, out_hbm,
                 idx_v, rows_v, xsp, aggh, sem_g, sem_s):
    cid = lax.axis_index("c")
    sid = lax.axis_index("s")
    wid = cid * NS + sid

    def gather(i, b):
        return pltpu.async_copy(xsp.at[idx_v.at[0, i]], rows_v.at[b],
                                sem_g)

    def gather_wait(i, b):
        pltpu.make_async_copy(xsp.at[idx_v.at[0, i]], rows_v.at[b],
                              sem_g).wait()

    def scatter(i, b):
        return pltpu.async_copy(rows_v.at[b], aggh.at[idx_v.at[1, i]],
                                sem_s, add=True)

    def scatter_wait(i, b):
        pltpu.make_async_copy(rows_v.at[b], aggh.at[idx_v.at[1, i]],
                              sem_s).wait()

    for h in range(2):
        xh = x0_hbm if h == 0 else x1_hbm
        pltpu.sync_copy(xh.at[pl.ds(sid * ZROWS, ZROWS)],
                        xsp.at[pl.ds(sid * ZROWS, ZROWS)])
        pltpu.sync_copy(zeros_hbm, aggh.at[pl.ds(sid * ZROWS, ZROWS)])
        plsc.subcore_barrier()

        pltpu.sync_copy(eidx_hbm.at[wid], idx_v)
        for j in range(NBUF - 1):
            gather(j, j)
        gather_wait(0, 0)
        scatter(0, 0)
        gather(NBUF - 1, NBUF - 1)

        def step(i, carry):
            b = lax.rem(i, NBUF)
            nb = lax.rem(i + NBUF - 1, NBUF)
            gather_wait(i, b)
            scatter(i, b)
            scatter_wait(i - 1, nb)
            gather(i + NBUF - 1, nb)
            return carry

        lax.fori_loop(1, STEPS - NBUF + 1, step, 0)
        for e in range(STEPS - NBUF + 1, STEPS):
            gather_wait(e, e % NBUF)
            scatter(e, e % NBUF)
            scatter_wait(e - 1, (e - 1) % NBUF)
        scatter_wait(STEPS - 1, (STEPS - 1) % NBUF)

        plsc.subcore_barrier()
        pltpu.sync_copy(aggh.at[pl.ds(sid * ZROWS, ZROWS)],
                        out_hbm.at[cid, h, pl.ds(sid * ZROWS, ZROWS)])
        plsc.subcore_barrier()


_sc_agg = pl.kernel(
    _sc_agg_body,
    out_type=jax.ShapeDtypeStruct((NC, 2, AGG_ROWS, HD), jnp.float32),
    mesh=plsc.VectorSubcoreMesh(core_axis_name="c", subcore_axis_name="s"),
    compiler_params=pltpu.CompilerParams(use_tc_tiling_on_sc=False),
    scratch_types=[
        pltpu.VMEM((2, STEPS, CH), jnp.int32),
        pltpu.VMEM((NBUF, CH, HD), jnp.float32),
        pltpu.VMEM_SHARED((AGG_ROWS, HD), jnp.float32),
        pltpu.VMEM_SHARED((AGG_ROWS, HD), jnp.float32),
        pltpu.SemaphoreType.DMA,
        pltpu.SemaphoreType.DMA,
    ],
)


def _mlp_body(x0_ref, x1_ref, agg_ref, wa_ref, ba_ref, wb_ref, bb_ref,
              *out_refs, split_out):
    z_lo = x0_ref[...] + agg_ref[0, 0] + agg_ref[1, 0]
    z_hi = x1_ref[...] + agg_ref[0, 1] + agg_ref[1, 1]
    z = jnp.concatenate([z_lo, z_hi], axis=1)
    h = jnp.dot(z, wa_ref[...], preferred_element_type=jnp.float32)
    h = jnp.maximum(h + ba_ref[...], 0.0)
    h = jnp.dot(h, wb_ref[...], preferred_element_type=jnp.float32)
    h = h + bb_ref[...]
    if split_out:
        h = jnp.maximum(h, 0.0)
        out_refs[0][...] = h[:, :HD]
        out_refs[1][...] = h[:, HD:]
    else:
        out_refs[0][...] = h


def _mlp(x0, x1, agg, wa, ba, wb, bb, split_out):
    rows = 1000
    grid = (N // rows,)
    k = wb.shape[1]
    if split_out:
        out_shape = [jax.ShapeDtypeStruct((AGG_ROWS, HD), jnp.float32),
                     jax.ShapeDtypeStruct((AGG_ROWS, HD), jnp.float32)]
        out_specs = [pl.BlockSpec((rows, HD), lambda i: (i, 0)),
                     pl.BlockSpec((rows, HD), lambda i: (i, 0))]
    else:
        out_shape = jax.ShapeDtypeStruct((N, k), jnp.float32)
        out_specs = pl.BlockSpec((rows, k), lambda i: (i, 0))
    return pl.pallas_call(
        functools.partial(_mlp_body, split_out=split_out),
        grid=grid,
        in_specs=[
            pl.BlockSpec((rows, HD), lambda i: (i, 0)),
            pl.BlockSpec((rows, HD), lambda i: (i, 0)),
            pl.BlockSpec((NC, 2, rows, HD), lambda i: (0, 0, i, 0)),
            pl.BlockSpec((D, D), lambda i: (0, 0)),
            pl.BlockSpec((1, D), lambda i: (0, 0)),
            pl.BlockSpec((D, k), lambda i: (0, 0)),
            pl.BlockSpec((1, k), lambda i: (0, 0)),
        ],
        out_specs=out_specs,
        out_shape=out_shape,
    )(x0, x1, agg, wa, ba.reshape(1, -1), wb, bb.reshape(1, -1))


def kernel(x, edge_index, W1a, b1a, W1b, b1b, W2a, b2a, W2b, b2b):
    ei = edge_index.astype(jnp.int32)
    npad = E_PAD - E
    src = jnp.concatenate([ei[0], jnp.zeros((npad,), jnp.int32)])
    pad_dst = N + (jnp.arange(npad, dtype=jnp.int32) % (AGG_ROWS - N))
    dst = jnp.concatenate([ei[1], pad_dst])
    eidx = jnp.stack([src.reshape(NW, STEPS, CH),
                      dst.reshape(NW, STEPS, CH)], axis=1)
    zeros_blk = jnp.zeros((ZROWS, HD), jnp.float32)
    rpad = jnp.zeros((AGG_ROWS - N, HD), jnp.float32)
    x0 = jnp.concatenate([x[:, :HD], rpad])
    x1 = jnp.concatenate([x[:, HD:], rpad])

    agg1 = _sc_agg(x0, x1, eidx, zeros_blk)
    h0, h1 = _mlp(x0, x1, agg1, W1a, b1a, W1b, b1b, split_out=True)
    agg2 = _sc_agg(h0, h1, eidx, zeros_blk)
    return _mlp(h0, h1, agg2, W2a, b2a, W2b, b2b, split_out=False)

# --- scband reference (transcript-rebuilt; emitter-appended) ---
"""Pipeline reference for scband-fold-ginnetwork-14731737825910 (READ-ONLY COPY).

The authoritative reference and input builder live on the scoring server;
editing this copy changes nothing except your own understanding.
"""

import jax, jax.numpy as jnp
import numpy as np

N = 10000
E = 320000
D_IN = 128
D_HID = 128
N_CLASSES = 40


def gin_conv(x, edge_index, W1, b1, W2, b2, eps=0.0):
    # GINConv: nn((1+eps)*x + sum_{j in N(i)} x_j)
    src = edge_index[0]
    dst = edge_index[1]
    agg = jnp.zeros((x.shape[0], x.shape[1]), dtype=x.dtype).at[dst].add(x[src])
    h = (1.0 + eps) * x + agg
    # fold_and_cut_net modeled as 2-layer MLP (Linear-ReLU-Linear)
    h = h @ W1 + b1
    h = jax.nn.relu(h)
    h = h @ W2 + b2
    return h


def setup_inputs(seed: int = 0) -> dict:
    key = jax.random.key(seed)
    k = jax.random.split(key, 10)
    x = jax.random.normal(k[0], (N, D_IN), dtype=jnp.float32)
    edge_index = jax.random.randint(k[1], (2, E), 0, N, dtype=jnp.int64)
    s1 = 1.0 / np.sqrt(D_IN)
    s2 = 1.0 / np.sqrt(D_HID)
    # layer 1 MLP: 128 -> 128 -> 128
    W1a = jax.random.uniform(k[2], (D_IN, D_HID), jnp.float32, -s1, s1)
    b1a = jax.random.uniform(k[3], (D_HID,), jnp.float32, -s1, s1)
    W1b = jax.random.uniform(k[4], (D_HID, D_HID), jnp.float32, -s2, s2)
    b1b = jax.random.uniform(k[5], (D_HID,), jnp.float32, -s2, s2)
    # layer 2 MLP: 128 -> 128 -> 40 (out_channels=num_classes)
    W2a = jax.random.uniform(k[6], (D_HID, D_HID), jnp.float32, -s2, s2)
    b2a = jax.random.uniform(k[7], (D_HID,), jnp.float32, -s2, s2)
    W2b = jax.random.uniform(k[8], (D_HID, N_CLASSES), jnp.float32, -s2, s2)
    b2b = jax.random.uniform(k[9], (N_CLASSES,), jnp.float32, -s2, s2)
    return {"x": x, "edge_index": edge_index,
            "W1a": W1a, "b1a": b1a, "W1b": W1b, "b1b": b1b,
            "W2a": W2a, "b2a": b2a, "W2b": W2b, "b2b": b2b}


def reference(x, edge_index, W1a, b1a, W1b, b1b, W2a, b2a, W2b, b2b):
    # FoldGIN (node-level task): conv1 -> relu -> (dropout p=0) -> conv2
    h = gin_conv(x, edge_index, W1a, b1a, W1b, b1b)
    h = jax.nn.relu(h)
    out = gin_conv(h, edge_index, W2a, b2a, W2b, b2b)
    return out

if __name__ == "__main__":
    import jax
    _d = setup_inputs()
    print(jax.jit(kernel)(*tuple(_d.values())))

</pallas_src>

<mosaic_0001>
#map = affine_map<(d0, d1) -> (0, 0)>
#map1 = affine_map<(d0, d1) -> (0, 0, 0, 0)>
module attributes {stable_mosaic.version = 14 : i64} {
  func.func @_sc_agg_body(%arg0: i32, %arg1: i32, %arg2: memref<10240x64xf32, #tpu.memory_space<hbm>>, %arg3: memref<10240x64xf32, #tpu.memory_space<hbm>>, %arg4: memref<32x2x80x128xi32, #tpu.memory_space<hbm>>, %arg5: memref<640x64xf32, #tpu.memory_space<hbm>>, %arg6: memref<2x2x10240x64xf32, #tpu.memory_space<hbm>>, %arg7: memref<2x80x128xi32, #tpu.memory_space<vmem>>, %arg8: memref<3x128x64xf32, #tpu.memory_space<vmem>>, %arg9: memref<10240x64xf32, #tpu.memory_space<vmem_shared>>, %arg10: memref<10240x64xf32, #tpu.memory_space<vmem_shared>>, %arg11: memref<!tpu.dma_semaphore, #tpu.memory_space<semaphore_mem>>, %arg12: memref<!tpu.dma_semaphore, #tpu.memory_space<semaphore_mem>>) attributes {dimension_semantics = [#tpu.dimension_semantics<core_parallel>, #tpu.dimension_semantics<subcore_parallel>], iteration_bounds = array<i64: 2, 16>, scalar_prefetch = 0 : i64, scratch_operands = 6 : i64, tpu.core_type = #tpu.core_type<sc_vector_subcore>, window_params = [{transform_indices = #map}, {transform_indices = #map}, {transform_indices = #map1}, {transform_indices = #map}, {transform_indices = #map1}]} {
    %mul3A = arith.constant 16 : i32
    %mul3A_0 = arith.muli %arg0, %mul3A : i32
    %add3A = arith.addi %mul3A_0, %arg1 : i32
    %mul3A_1 = arith.constant 640 : i32
    %mul3A_2 = arith.muli %arg1, %mul3A_1 : i32
    %mul3A_3 = arith.constant 640 : i32
    %mul3A_4 = arith.muli %arg1, %mul3A_3 : i32
    "tpu.region"() ({
      %run_scoped3A_348 = tpu.sem_alloc : memref<!tpu.dma_semaphore, #tpu.memory_space<semaphore_mem>>
      %dma_start3A_349 = arith.constant 0 : i32
      %dma_start3A_350 = tpu.memref_slice %arg9[%mul3A_4, %dma_start3A_349] : memref<10240x64xf32, #tpu.memory_space<vmem_shared>> -> memref<640x64xf32, #tpu.memory_space<vmem_shared>>
      %dma_start3A_351 = arith.constant 0 : i32
      %dma_start3A_352 = tpu.memref_slice %arg2[%mul3A_2, %dma_start3A_351] : memref<10240x64xf32, #tpu.memory_space<hbm>> -> memref<640x64xf32, #tpu.memory_space<hbm>>
      tpu.enqueue_dma source(%dma_start3A_352 : memref<640x64xf32, #tpu.memory_space<hbm>>) target(%dma_start3A_350 : memref<640x64xf32, #tpu.memory_space<vmem_shared>>) target_semaphore(%run_scoped3A_348 : memref<!tpu.dma_semaphore, #tpu.memory_space<semaphore_mem>>)
      %dma_wait3A_353 = arith.constant 0 : i32
      %dma_wait3A_354 = tpu.memref_slice %arg9[%mul3A_4, %dma_wait3A_353] : memref<10240x64xf32, #tpu.memory_space<vmem_shared>> -> memref<640x64xf32, #tpu.memory_space<vmem_shared>>
      %dma_wait3A_355 = arith.constant 0 : i32
      %dma_wait3A_356 = tpu.memref_slice %arg2[%mul3A_2, %dma_wait3A_355] : memref<10240x64xf32, #tpu.memory_space<hbm>> -> memref<640x64xf32, #tpu.memory_space<hbm>>
      tpu.wait_dma2 semaphore(%run_scoped3A_348 : memref<!tpu.dma_semaphore, #tpu.memory_space<semaphore_mem>>) src(%dma_wait3A_356 : memref<640x64xf32, #tpu.memory_space<hbm>>) dst(%dma_wait3A_354 : memref<640x64xf32, #tpu.memory_space<vmem_shared>>)
      tpu.yield
    }) : () -> ()
    %mul3A_5 = arith.constant 640 : i32
    %mul3A_6 = arith.muli %arg1, %mul3A_5 : i32
    "tpu.region"() ({
      %run_scoped3A_348 = tpu.sem_alloc : memref<!tpu.dma_semaphore, #tpu.memory_space<semaphore_mem>>
      %dma_start3A_349 = arith.constant 0 : i32
      %dma_start3A_350 = tpu.memref_slice %arg10[%mul3A_6, %dma_start3A_349] : memref<10240x64xf32, #tpu.memory_space<vmem_shared>> -> memref<640x64xf32, #tpu.memory_space<vmem_shared>>
      tpu.enqueue_dma source(%arg5 : memref<640x64xf32, #tpu.memory_space<hbm>>) target(%dma_start3A_350 : memref<640x64xf32, #tpu.memory_space<vmem_shared>>) target_semaphore(%run_scoped3A_348 : memref<!tpu.dma_semaphore, #tpu.memory_space<semaphore_mem>>)
      %dma_wait3A_351 = arith.constant 0 : i32
      %dma_wait3A_352 = tpu.memref_slice %arg10[%mul3A_6, %dma_wait3A_351] : memref<10240x64xf32, #tpu.memory_space<vmem_shared>> -> memref<640x64xf32, #tpu.memory_space<vmem_shared>>
      tpu.wait_dma2 semaphore(%run_scoped3A_348 : memref<!tpu.dma_semaphore, #tpu.memory_space<semaphore_mem>>) src(%arg5 : memref<640x64xf32, #tpu.memory_space<hbm>>) dst(%dma_wait3A_352 : memref<640x64xf32, #tpu.memory_space<vmem_shared>>)
      tpu.yield
    }) : () -> ()
    %barrier3A = arith.constant 0 : index
    tpu.barrier barrier_id(%barrier3A)
    "tpu.region"() ({
      %run_scoped3A_348 = tpu.sem_alloc : memref<!tpu.dma_semaphore, #tpu.memory_space<semaphore_mem>>
      %dma_start3A_349 = arith.constant 0 : i32
      %dma_start3A_350 = arith.constant 0 : i32
      %dma_start3A_351 = arith.constant 0 : i32
      %dma_start3A_352 = tpu.memref_slice %arg4[%add3A, %dma_start3A_349, %dma_start3A_350, %dma_start3A_351] : memref<32x2x80x128xi32, #tpu.memory_space<hbm>> -> memref<1x2x80x128xi32, #tpu.memory_space<hbm>>
      %dma_start3A_353 = tpu.memref_squeeze %dma_start3A_352 : memref<1x2x80x128xi32, #tpu.memory_space<hbm>> -> memref<2x80x128xi32, #tpu.memory_space<hbm>>
      %dma_start3A_354 = arith.constant 0 : i32
      %dma_start3A_355 = arith.constant 0 : i32
      %dma_start3A_356 = arith.constant 0 : i32
      %dma_start3A_357 = tpu.memref_slice %arg4[%add3A, %dma_start3A_354, %dma_start3A_355, %dma_start3A_356] : memref<32x2x80x128xi32, #tpu.memory_space<hbm>> -> memref<1x2x80x128xi32, #tpu.memory_space<hbm>>
      %dma_start3A_358 = tpu.memref_squeeze %dma_start3A_357 : memref<1x2x80x128xi32, #tpu.memory_space<hbm>> -> memref<2x80x128xi32, #tpu.memory_space<hbm>>
      tpu.enqueue_dma source(%dma_start3A_358 : memref<2x80x128xi32, #tpu.memory_space<hbm>>) target(%arg7 : memref<2x80x128xi32, #tpu.memory_space<vmem>>) target_semaphore(%run_scoped3A_348 : memref<!tpu.dma_semaphore, #tpu.memory_space<semaphore_mem>>)
      %dma_wait3A_359 = arith.constant 0 : i32
      %dma_wait3A_360 = arith.constant 0 : i32
      %dma_wait3A_361 = arith.constant 0 : i32
      %dma_wait3A_362 = tpu.memref_slice %arg4[%add3A, %dma_wait3A_359, %dma_wait3A_360, %dma_wait3A_361] : memref<32x2x80x128xi32, #tpu.memory_space<hbm>> -> memref<1x2x80x128xi32, #tpu.memory_space<hbm>>
      %dma_wait3A_363 = tpu.memref_squeeze %dma_wait3A_362 : memref<1x2x80x128xi32, #tpu.memory_space<hbm>> -> memref<2x80x128xi32, #tpu.memory_space<hbm>>
      %dma_wait3A_364 = arith.constant 0 : i32
      %dma_wait3A_365 = arith.constant 0 : i32
      %dma_wait3A_366 = arith.constant 0 : i32
      %dma_wait3A_367 = tpu.memref_slice %arg4[%add3A, %dma_wait3A_364, %dma_wait3A_365, %dma_wait3A_366] : memref<32x2x80x128xi32, #tpu.memory_space<hbm>> -> memref<1x2x80x128xi32, #tpu.memory_space<hbm>>
      %dma_wait3A_368 = tpu.memref_squeeze %dma_wait3A_367 : memref<1x2x80x128xi32, #tpu.memory_space<hbm>> -> memref<2x80x128xi32, #tpu.memory_space<hbm>>
      tpu.wait_dma2 semaphore(%run_scoped3A_348 : memref<!tpu.dma_semaphore, #tpu.memory_space<semaphore_mem>>) src(%dma_wait3A_368 : memref<2x80x128xi32, #tpu.memory_space<hbm>>) dst(%arg7 : memref<2x80x128xi32, #tpu.memory_space<vmem>>)
      tpu.yield
    }) : () -> ()
    %dma_start3A = arith.constant 0 : i32
    %dma_start3A_7 = arith.constant 0 : i32
    %dma_start3A_8 = arith.constant 0 : i32
    %dma_start3A_9 = arith.constant 0 : i32
    %dma_start3A_10 = arith.constant 0 : i32
    %dma_start3A_11 = tpu.memref_slice %arg8[%dma_start3A_8, %dma_start3A_9, %dma_start3A_10] : memref<3x128x64xf32, #tpu.memory_space<vmem>> -> memref<1x128x64xf32, #tpu.memory_space<vmem>>
    %dma_start3A_12 = tpu.memref_squeeze %dma_start3A_11 : memref<1x128x64xf32, #tpu.memory_space<vmem>> -> memref<128x64xf32, #tpu.memory_space<vmem>>
    %dma_start3A_13 = arith.constant 0 : i32
    %dma_start3A_14 = tpu.memref_slice %arg7[%dma_start3A, %dma_start3A_7, %dma_start3A_13] : memref<2x80x128xi32, #tpu.memory_space<vmem>> -> memref<1x1x128xi32, #tpu.memory_space<vmem>>
    %dma_start3A_15 = tpu.memref_squeeze %dma_start3A_14 : memref<1x1x128xi32, #tpu.memory_space<vmem>> -> memref<128xi32, #tpu.memory_space<vmem>>
    %dma_start3A_16 = arith.constant 0 : i32
    %dma_start3A_17 = arith.constant 0 : i32
    %dma_start3A_18 = tpu.memref_slice %arg9[%dma_start3A_16, %dma_start3A_17] : memref<10240x64xf32, #tpu.memory_space<vmem_shared>> -> memref<10240x64xf32, #tpu.memory_space<vmem_shared>>
    tpu.enqueue_indirect_dma source(%dma_start3A_18 : memref<10240x64xf32, #tpu.memory_space<vmem_shared>>) target(%dma_start3A_12 : memref<128x64xf32, #tpu.memory_space<vmem>>) offsets(%dma_start3A_15 : memref<128xi32, #tpu.memory_space<vmem>>) semaphore(%arg11 : memref<!tpu.dma_semaphore, #tpu.memory_space<semaphore_mem>>)
    %dma_start3A_19 = arith.constant 0 : i32
    %dma_start3A_20 = arith.constant 1 : i32
    %dma_start3A_21 = arith.constant 1 : i32
    %dma_start3A_22 = arith.constant 0 : i32
    %dma_start3A_23 = arith.constant 0 : i32
    %dma_start3A_24 = tpu.memref_slice %arg8[%dma_start3A_21, %dma_start3A_22, %dma_start3A_23] : memref<3x128x64xf32, #tpu.memory_space<vmem>> -> memref<1x128x64xf32, #tpu.memory_space<vmem>>
    %dma_start3A_25 = tpu.memref_squeeze %dma_start3A_24 : memref<1x128x64xf32, #tpu.memory_space<vmem>> -> memref<128x64xf32, #tpu.memory_space<vmem>>
    %dma_start3A_26 = arith.constant 0 : i32
    %dma_start3A_27 = tpu.memref_slice %arg7[%dma_start3A_19, %dma_start3A_20, %dma_start3A_26] : memref<2x80x128xi32, #tpu.memory_space<vmem>> -> memref<1x1x128xi32, #tpu.memory_space<vmem>>
    %dma_start3A_28 = tpu.memref_squeeze %dma_start3A_27 : memref<1x1x128xi32, #tpu.memory_space<vmem>> -> memref<128xi32, #tpu.memory_space<vmem>>
    %dma_start3A_29 = arith.constant 0 : i32
    %dma_start3A_30 = arith.constant 0 : i32
    %dma_start3A_31 = tpu.memref_slice %arg9[%dma_start3A_29, %dma_start3A_30] : memref<10240x64xf32, #tpu.memory_space<vmem_shared>> -> memref<10240x64xf32, #tpu.memory_space<vmem_shared>>
    tpu.enqueue_indirect_dma source(%dma_start3A_31 : memref<10240x64xf32, #tpu.memory_space<vmem_shared>>) target(%dma_start3A_25 : memref<128x64xf32, #tpu.memory_space<vmem>>) offsets(%dma_start3A_28 : memref<128xi32, #tpu.memory_space<vmem>>) semaphore(%arg11 : memref<!tpu.dma_semaphore, #tpu.memory_space<semaphore_mem>>)
    %dma_wait3A = arith.constant 0 : i32
    %dma_wait3A_32 = arith.constant 0 : i32
    %dma_wait3A_33 = arith.constant 0 : i32
    %dma_wait3A_34 = arith.constant 0 : i32
    %dma_wait3A_35 = arith.constant 0 : i32
    %dma_wait3A_36 = tpu.memref_slice %arg8[%dma_wait3A_33, %dma_wait3A_34, %dma_wait3A_35] : memref<3x128x64xf32, #tpu.memory_space<vmem>> -> memref<1x128x64xf32, #tpu.memory_space<vmem>>
    %dma_wait3A_37 = tpu.memref_squeeze %dma_wait3A_36 : memref<1x128x64xf32, #tpu.memory_space<vmem>> -> memref<128x64xf32, #tpu.memory_space<vmem>>
    %dma_wait3A_38 = arith.constant 0 : i32
    %dma_wait3A_39 = tpu.memref_slice %arg7[%dma_wait3A, %dma_wait3A_32, %dma_wait3A_38] : memref<2x80x128xi32, #tpu.memory_space<vmem>> -> memref<1x1x128xi32, #tpu.memory_space<vmem>>
    %dma_wait3A_40 = tpu.memref_squeeze %dma_wait3A_39 : memref<1x1x128xi32, #tpu.memory_space<vmem>> -> memref<128xi32, #tpu.memory_space<vmem>>
    %dma_wait3A_41 = arith.constant 0 : i32
    %dma_wait3A_42 = arith.constant 0 : i32
    %dma_wait3A_43 = tpu.memref_slice %arg9[%dma_wait3A_41, %dma_wait3A_42] : memref<10240x64xf32, #tpu.memory_space<vmem_shared>> -> memref<10240x64xf32, #tpu.memory_space<vmem_shared>>
    tpu.wait_indirect_dma semaphore(%arg11 : memref<!tpu.dma_semaphore, #tpu.memory_space<semaphore_mem>>) src(%dma_wait3A_43 : memref<10240x64xf32, #tpu.memory_space<vmem_shared>>) dst(%dma_wait3A_37 : memref<128x64xf32, #tpu.memory_space<vmem>>)
    %dma_start3A_44 = arith.constant 0 : i32
    %dma_start3A_45 = arith.constant 1 : i32
    %dma_start3A_46 = arith.constant 0 : i32
    %dma_start3A_47 = arith.constant 0 : i32
    %dma_start3A_48 = arith.constant 0 : i32
    %dma_start3A_49 = tpu.memref_slice %arg8[%dma_start3A_44, %dma_start3A_47, %dma_start3A_48] : memref<3x128x64xf32, #tpu.memory_space<vmem>> -> memref<1x128x64xf32, #tpu.memory_space<vmem>>
    %dma_start3A_50 = tpu.memref_squeeze %dma_start3A_49 : memref<1x128x64xf32, #tpu.memory_space<vmem>> -> memref<128x64xf32, #tpu.memory_space<vmem>>
    %dma_start3A_51 = arith.constant 0 : i32
    %dma_start3A_52 = tpu.memref_slice %arg7[%dma_start3A_45, %dma_start3A_46, %dma_start3A_51] : memref<2x80x128xi32, #tpu.memory_space<vmem>> -> memref<1x1x128xi32, #tpu.memory_space<vmem>>
    %dma_start3A_53 = tpu.memref_squeeze %dma_start3A_52 : memref<1x1x128xi32, #tpu.memory_space<vmem>> -> memref<128xi32, #tpu.memory_space<vmem>>
    %dma_start3A_54 = arith.constant 0 : i32
    %dma_start3A_55 = arith.constant 0 : i32
    %dma_start3A_56 = tpu.memref_slice %arg10[%dma_start3A_54, %dma_start3A_55] : memref<10240x64xf32, #tpu.memory_space<vmem_shared>> -> memref<10240x64xf32, #tpu.memory_space<vmem_shared>>
    tpu.enqueue_indirect_dma source(%dma_start3A_50 : memref<128x64xf32, #tpu.memory_space<vmem>>) target(%dma_start3A_56 : memref<10240x64xf32, #tpu.memory_space<vmem_shared>>) offsets(%dma_start3A_53 : memref<128xi32, #tpu.memory_space<vmem>>) semaphore(%arg12 : memref<!tpu.dma_semaphore, #tpu.memory_space<semaphore_mem>>) {add = true}
    %dma_start3A_57 = arith.constant 0 : i32
    %dma_start3A_58 = arith.constant 2 : i32
    %dma_start3A_59 = arith.constant 2 : i32
    %dma_start3A_60 = arith.constant 0 : i32
    %dma_start3A_61 = arith.constant 0 : i32
    %dma_start3A_62 = tpu.memref_slice %arg8[%dma_start3A_59, %dma_start3A_60, %dma_start3A_61] : memref<3x128x64xf32, #tpu.memory_space<vmem>> -> memref<1x128x64xf32, #tpu.memory_space<vmem>>
    %dma_start3A_63 = tpu.memref_squeeze %dma_start3A_62 : memref<1x128x64xf32, #tpu.memory_space<vmem>> -> memref<128x64xf32, #tpu.memory_space<vmem>>
    %dma_start3A_64 = arith.constant 0 : i32
    %dma_start3A_65 = tpu.memref_slice %arg7[%dma_start3A_57, %dma_start3A_58, %dma_start3A_64] : memref<2x80x128xi32, #tpu.memory_space<vmem>> -> memref<1x1x128xi32, #tpu.memory_space<vmem>>
    %dma_start3A_66 = tpu.memref_squeeze %dma_start3A_65 : memref<1x1x128xi32, #tpu.memory_space<vmem>> -> memref<128xi32, #tpu.memory_space<vmem>>
    %dma_start3A_67 = arith.constant 0 : i32
    %dma_start3A_68 = arith.constant 0 : i32
    %dma_start3A_69 = tpu.memref_slice %arg9[%dma_start3A_67, %dma_start3A_68] : memref<10240x64xf32, #tpu.memory_space<vmem_shared>> -> memref<10240x64xf32, #tpu.memory_space<vmem_shared>>
    tpu.enqueue_indirect_dma source(%dma_start3A_69 : memref<10240x64xf32, #tpu.memory_space<vmem_shared>>) target(%dma_start3A_63 : memref<128x64xf32, #tpu.memory_space<vmem>>) offsets(%dma_start3A_66 : memref<128xi32, #tpu.memory_space<vmem>>) semaphore(%arg11 : memref<!tpu.dma_semaphore, #tpu.memory_space<semaphore_mem>>)
    %scan3A = arith.constant 0 : i32
    %scan3A_70 = arith.constant 1 : i32
    %scan3A_71 = arith.constant 77 : i32
    %scan3A_72 = arith.addi %scan3A_70, %scan3A_71 : i32
    %scan3A_73 = arith.constant 1 : i32
    scf.for %scan3A_348 = %scan3A_70 to %scan3A_72 step %scan3A_73  : i32 {
      %rem3A = arith.constant 3 : i32
      %rem3A_349 = arith.remsi %scan3A_348, %rem3A : i32
      %add3A_350 = arith.constant 3 : i32
      %add3A_351 = arith.addi %scan3A_348, %add3A_350 : i32
      %sub3A = arith.constant 1 : i32
      %sub3A_352 = arith.subi %add3A_351, %sub3A : i32
      %rem3A_353 = arith.constant 3 : i32
      %rem3A_354 = arith.remsi %sub3A_352, %rem3A_353 : i32
      %dma_wait3A_355 = arith.constant 0 : i32
      %dma_wait3A_356 = arith.constant 0 : i32
      %dma_wait3A_357 = arith.constant 0 : i32
      %dma_wait3A_358 = tpu.memref_slice %arg8[%rem3A_349, %dma_wait3A_356, %dma_wait3A_357] : memref<3x128x64xf32, #tpu.memory_space<vmem>> -> memref<1x128x64xf32, #tpu.memory_space<vmem>>
      %dma_wait3A_359 = tpu.memref_squeeze %dma_wait3A_358 : memref<1x128x64xf32, #tpu.memory_space<vmem>> -> memref<128x64xf32, #tpu.memory_space<vmem>>
      %dma_wait3A_360 = arith.constant 0 : i32
      %dma_wait3A_361 = tpu.memref_slice %arg7[%dma_wait3A_355, %scan3A_348, %dma_wait3A_360] : memref<2x80x128xi32, #tpu.memory_space<vmem>> -> memref<1x1x128xi32, #tpu.memory_space<vmem>>
      %dma_wait3A_362 = tpu.memref_squeeze %dma_wait3A_361 : memref<1x1x128xi32, #tpu.memory_space<vmem>> -> memref<128xi32, #tpu.memory_space<vmem>>
      %dma_wait3A_363 = arith.constant 0 : i32
      %dma_wait3A_364 = arith.constant 0 : i32
      %dma_wait3A_365 = tpu.memref_slice %arg9[%dma_wait3A_363, %dma_wait3A_364] : memref<10240x64xf32, #tpu.memory_space<vmem_shared>> -> memref<10240x64xf32, #tpu.memory_space<vmem_shared>>
      tpu.wait_indirect_dma semaphore(%arg11 : memref<!tpu.dma_semaphore, #tpu.memory_space<semaphore_mem>>) src(%dma_wait3A_365 : memref<10240x64xf32, #tpu.memory_space<vmem_shared>>) dst(%dma_wait3A_359 : memref<128x64xf32, #tpu.memory_space<vmem>>)
      %dma_start3A_366 = arith.constant 1 : i32
      %dma_start3A_367 = arith.constant 0 : i32
      %dma_start3A_368 = arith.constant 0 : i32
      %dma_start3A_369 = tpu.memref_slice %arg8[%rem3A_349, %dma_start3A_367, %dma_start3A_368] : memref<3x128x64xf32, #tpu.memory_space<vmem>> -> memref<1x128x64xf32, #tpu.memory_space<vmem>>
      %dma_start3A_370 = tpu.memref_squeeze %dma_start3A_369 : memref<1x128x64xf32, #tpu.memory_space<vmem>> -> memref<128x64xf32, #tpu.memory_space<vmem>>
      %dma_start3A_371 = arith.constant 0 : i32
      %dma_start3A_372 = tpu.memref_slice %arg7[%dma_start3A_366, %scan3A_348, %dma_start3A_371] : memref<2x80x128xi32, #tpu.memory_space<vmem>> -> memref<1x1x128xi32, #tpu.memory_space<vmem>>
      %dma_start3A_373 = tpu.memref_squeeze %dma_start3A_372 : memref<1x1x128xi32, #tpu.memory_space<vmem>> -> memref<128xi32, #tpu.memory_space<vmem>>
      %dma_start3A_374 = arith.constant 0 : i32
      %dma_start3A_375 = arith.constant 0 : i32
      %dma_start3A_376 = tpu.memref_slice %arg10[%dma_start3A_374, %dma_start3A_375] : memref<10240x64xf32, #tpu.memory_space<vmem_shared>> -> memref<10240x64xf32, #tpu.memory_space<vmem_shared>>
      tpu.enqueue_indirect_dma source(%dma_start3A_370 : memref<128x64xf32, #tpu.memory_space<vmem>>) target(%dma_start3A_376 : memref<10240x64xf32, #tpu.memory_space<vmem_shared>>) offsets(%dma_start3A_373 : memref<128xi32, #tpu.memory_space<vmem>>) semaphore(%arg12 : memref<!tpu.dma_semaphore, #tpu.memory_space<semaphore_mem>>) {add = true}
      %sub3A_377 = arith.constant 1 : i32
      %sub3A_378 = arith.subi %scan3A_348, %sub3A_377 : i32
      %dma_wait3A_379 = arith.constant 1 : i32
      %dma_wait3A_380 = arith.constant 0 : i32
      %dma_wait3A_381 = arith.constant 0 : i32
      %dma_wait3A_382 = tpu.memref_slice %arg8[%rem3A_354, %dma_wait3A_380, %dma_wait3A_381] : memref<3x128x64xf32, #tpu.memory_space<vmem>> -> memref<1x128x64xf32, #tpu.memory_space<vmem>>
      %dma_wait3A_383 = tpu.memref_squeeze %dma_wait3A_382 : memref<1x128x64xf32, #tpu.memory_space<vmem>> -> memref<128x64xf32, #tpu.memory_space<vmem>>
      %dma_wait3A_384 = arith.constant 0 : i32
      %dma_wait3A_385 = tpu.memref_slice %arg7[%dma_wait3A_379, %sub3A_378, %dma_wait3A_384] : memref<2x80x128xi32, #tpu.memory_space<vmem>> -> memref<1x1x128xi32, #tpu.memory_space<vmem>>
      %dma_wait3A_386 = tpu.memref_squeeze %dma_wait3A_385 : memref<1x1x128xi32, #tpu.memory_space<vmem>> -> memref<128xi32, #tpu.memory_space<vmem>>
      %dma_wait3A_387 = arith.constant 0 : i32
      %dma_wait3A_388 = arith.constant 0 : i32
      %dma_wait3A_389 = tpu.memref_slice %arg10[%dma_wait3A_387, %dma_wait3A_388] : memref<10240x64xf32, #tpu.memory_space<vmem_shared>> -> memref<10240x64xf32, #tpu.memory_space<vmem_shared>>
      tpu.wait_indirect_dma semaphore(%arg12 : memref<!tpu.dma_semaphore, #tpu.memory_space<semaphore_mem>>) src(%dma_wait3A_383 : memref<128x64xf32, #tpu.memory_space<vmem>>) dst(%dma_wait3A_389 : memref<10240x64xf32, #tpu.memory_space<vmem_shared>>)
      %add3A_390 = arith.constant 3 : i32
      %add3A_391 = arith.addi %scan3A_348, %add3A_390 : i32
      %sub3A_392 = arith.constant 1 : i32
      %sub3A_393 = arith.subi %add3A_391, %sub3A_392 : i32
      %dma_start3A_394 = arith.constant 0 : i32
      %dma_start3A_395 = arith.constant 0 : i32
      %dma_start3A_396 = arith.constant 0 : i32
      %dma_start3A_397 = tpu.memref_slice %arg8[%rem3A_354, %dma_start3A_395, %dma_start3A_396] : memref<3x128x64xf32, #tpu.memory_space<vmem>> -> memref<1x128x64xf32, #tpu.memory_space<vmem>>
      %dma_start3A_398 = tpu.memref_squeeze %dma_start3A_397 : memref<1x128x64xf32, #tpu.memory_space<vmem>> -> memref<128x64xf32, #tpu.memory_space<vmem>>
      %dma_start3A_399 = arith.constant 0 : i32
      %dma_start3A_400 = tpu.memref_slice %arg7[%dma_start3A_394, %sub3A_393, %dma_start3A_399] : memref<2x80x128xi32, #tpu.memory_space<vmem>> -> memref<1x1x128xi32, #tpu.memory_space<vmem>>
      %dma_start3A_401 = tpu.memref_squeeze %dma_start3A_400 : memref<1x1x128xi32, #tpu.memory_space<vmem>> -> memref<128xi32, #tpu.memory_space<vmem>>
      %dma_start3A_402 = arith.constant 0 : i32
      %dma_start3A_403 = arith.constant 0 : i32
      %dma_start3A_404 = tpu.memref_slice %arg9[%dma_start3A_402, %dma_start3A_403] : memref<10240x64xf32, #tpu.memory_space<vmem_shared>> -> memref<10240x64xf32, #tpu.memory_space<vmem_shared>>
      tpu.enqueue_indirect_dma source(%dma_start3A_404 : memref<10240x64xf32, #tpu.memory_space<vmem_shared>>) target(%dma_start3A_398 : memref<128x64xf32, #tpu.memory_space<vmem>>) offsets(%dma_start3A_401 : memref<128xi32, #tpu.memory_space<vmem>>) semaphore(%arg11 : memref<!tpu.dma_semaphore, #tpu.memory_space<semaphore_mem>>)
    }
    %scan3A_74 = arith.constant 77 : i32
    %dma_wait3A_75 = arith.constant 0 : i32
    %dma_wait3A_76 = arith.constant 78 : i32
    %dma_wait3A_77 = arith.constant 0 : i32
    %dma_wait3A_78 = arith.constant 0 : i32
    %dma_wait3A_79 = arith.constant 0 : i32
    %dma_wait3A_80 = tpu.memref_slice %arg8[%dma_wait3A_77, %dma_wait3A_78, %dma_wait3A_79] : memref<3x128x64xf32, #tpu.memory_space<vmem>> -> memref<1x128x64xf32, #tpu.memory_space<vmem>>
    %dma_wait3A_81 = tpu.memref_squeeze %dma_wait3A_80 : memref<1x128x64xf32, #tpu.memory_space<vmem>> -> memref<128x64xf32, #tpu.memory_space<vmem>>
    %dma_wait3A_82 = arith.constant 0 : i32
    %dma_wait3A_83 = tpu.memref_slice %arg7[%dma_wait3A_75, %dma_wait3A_76, %dma_wait3A_82] : memref<2x80x128xi32, #tpu.memory_space<vmem>> -> memref<1x1x128xi32, #tpu.memory_space<vmem>>
    %dma_wait3A_84 = tpu.memref_squeeze %dma_wait3A_83 : memref<1x1x128xi32, #tpu.memory_space<vmem>> -> memref<128xi32, #tpu.memory_space<vmem>>
    %dma_wait3A_85 = arith.constant 0 : i32
    %dma_wait3A_86 = arith.constant 0 : i32
    %dma_wait3A_87 = tpu.memref_slice %arg9[%dma_wait3A_85, %dma_wait3A_86] : memref<10240x64xf32, #tpu.memory_space<vmem_shared>> -> memref<10240x64xf32, #tpu.memory_space<vmem_shared>>
    tpu.wait_indirect_dma semaphore(%arg11 : memref<!tpu.dma_semaphore, #tpu.memory_space<semaphore_mem>>) src(%dma_wait3A_87 : memref<10240x64xf32, #tpu.memory_space<vmem_shared>>) dst(%dma_wait3A_81 : memref<128x64xf32, #tpu.memory_space<vmem>>)
    %dma_start3A_88 = arith.constant 0 : i32
    %dma_start3A_89 = arith.constant 1 : i32
    %dma_start3A_90 = arith.constant 78 : i32
    %dma_start3A_91 = arith.constant 0 : i32
    %dma_start3A_92 = arith.constant 0 : i32
    %dma_start3A_93 = tpu.memref_slice %arg8[%dma_start3A_88, %dma_start3A_91, %dma_start3A_92] : memref<3x128x64xf32, #tpu.memory_space<vmem>> -> memref<1x128x64xf32, #tpu.memory_space<vmem>>
    %dma_start3A_94 = tpu.memref_squeeze %dma_start3A_93 : memref<1x128x64xf32, #tpu.memory_space<vmem>> -> memref<128x64xf32, #tpu.memory_space<vmem>>
    %dma_start3A_95 = arith.constant 0 : i32
    %dma_start3A_96 = tpu.memref_slice %arg7[%dma_start3A_89, %dma_start3A_90, %dma_start3A_95] : memref<2x80x128xi32, #tpu.memory_space<vmem>> -> memref<1x1x128xi32, #tpu.memory_space<vmem>>
    %dma_start3A_97 = tpu.memref_squeeze %dma_start3A_96 : memref<1x1x128xi32, #tpu.memory_space<vmem>> -> memref<128xi32, #tpu.memory_space<vmem>>
    %dma_start3A_98 = arith.constant 0 : i32
    %dma_start3A_99 = arith.constant 0 : i32
    %dma_start3A_100 = tpu.memref_slice %arg10[%dma_start3A_98, %dma_start3A_99] : memref<10240x64xf32, #tpu.memory_space<vmem_shared>> -> memref<10240x64xf32, #tpu.memory_space<vmem_shared>>
    tpu.enqueue_indirect_dma source(%dma_start3A_94 : memref<128x64xf32, #tpu.memory_space<vmem>>) target(%dma_start3A_100 : memref<10240x64xf32, #tpu.memory_space<vmem_shared>>) offsets(%dma_start3A_97 : memref<128xi32, #tpu.memory_space<vmem>>) semaphore(%arg12 : memref<!tpu.dma_semaphore, #tpu.memory_space<semaphore_mem>>) {add = true}
    %dma_wait3A_101 = arith.constant 2 : i32
    %dma_wait3A_102 = arith.constant 1 : i32
    %dma_wait3A_103 = arith.constant 77 : i32
    %dma_wait3A_104 = arith.constant 0 : i32
    %dma_wait3A_105 = arith.constant 0 : i32
    %dma_wait3A_106 = tpu.memref_slice %arg8[%dma_wait3A_101, %dma_wait3A_104, %dma_wait3A_105] : memref<3x128x64xf32, #tpu.memory_space<vmem>> -> memref<1x128x64xf32, #tpu.memory_space<vmem>>
    %dma_wait3A_107 = tpu.memref_squeeze %dma_wait3A_106 : memref<1x128x64xf32, #tpu.memory_space<vmem>> -> memref<128x64xf32, #tpu.memory_space<vmem>>
    %dma_wait3A_108 = arith.constant 0 : i32
    %dma_wait3A_109 = tpu.memref_slice %arg7[%dma_wait3A_102, %dma_wait3A_103, %dma_wait3A_108] : memref<2x80x128xi32, #tpu.memory_space<vmem>> -> memref<1x1x128xi32, #tpu.memory_space<vmem>>
    %dma_wait3A_110 = tpu.memref_squeeze %dma_wait3A_109 : memref<1x1x128xi32, #tpu.memory_space<vmem>> -> memref<128xi32, #tpu.memory_space<vmem>>
    %dma_wait3A_111 = arith.constant 0 : i32
    %dma_wait3A_112 = arith.constant 0 : i32
    %dma_wait3A_113 = tpu.memref_slice %arg10[%dma_wait3A_111, %dma_wait3A_112] : memref<10240x64xf32, #tpu.memory_space<vmem_shared>> -> memref<10240x64xf32, #tpu.memory_space<vmem_shared>>
    tpu.wait_indirect_dma semaphore(%arg12 : memref<!tpu.dma_semaphore, #tpu.memory_space<semaphore_mem>>) src(%dma_wait3A_107 : memref<128x64xf32, #tpu.memory_space<vmem>>) dst(%dma_wait3A_113 : memref<10240x64xf32, #tpu.memory_space<vmem_shared>>)
    %dma_wait3A_114 = arith.constant 0 : i32
    %dma_wait3A_115 = arith.constant 79 : i32
    %dma_wait3A_116 = arith.constant 1 : i32
    %dma_wait3A_117 = arith.constant 0 : i32
    %dma_wait3A_118 = arith.constant 0 : i32
    %dma_wait3A_119 = tpu.memref_slice %arg8[%dma_wait3A_116, %dma_wait3A_117, %dma_wait3A_118] : memref<3x128x64xf32, #tpu.memory_space<vmem>> -> memref<1x128x64xf32, #tpu.memory_space<vmem>>
    %dma_wait3A_120 = tpu.memref_squeeze %dma_wait3A_119 : memref<1x128x64xf32, #tpu.memory_space<vmem>> -> memref<128x64xf32, #tpu.memory_space<vmem>>
    %dma_wait3A_121 = arith.constant 0 : i32
    %dma_wait3A_122 = tpu.memref_slice %arg7[%dma_wait3A_114, %dma_wait3A_115, %dma_wait3A_121] : memref<2x80x128xi32, #tpu.memory_space<vmem>> -> memref<1x1x128xi32, #tpu.memory_space<vmem>>
    %dma_wait3A_123 = tpu.memref_squeeze %dma_wait3A_122 : memref<1x1x128xi32, #tpu.memory_space<vmem>> -> memref<128xi32, #tpu.memory_space<vmem>>
    %dma_wait3A_124 = arith.constant 0 : i32
    %dma_wait3A_125 = arith.constant 0 : i32
    %dma_wait3A_126 = tpu.memref_slice %arg9[%dma_wait3A_124, %dma_wait3A_125] : memref<10240x64xf32, #tpu.memory_space<vmem_shared>> -> memref<10240x64xf32, #tpu.memory_space<vmem_shared>>
    tpu.wait_indirect_dma semaphore(%arg11 : memref<!tpu.dma_semaphore, #tpu.memory_space<semaphore_mem>>) src(%dma_wait3A_126 : memref<10240x64xf32, #tpu.memory_space<vmem_shared>>) dst(%dma_wait3A_120 : memref<128x64xf32, #tpu.memory_space<vmem>>)
    %dma_start3A_127 = arith.constant 1 : i32
    %dma_start3A_128 = arith.constant 1 : i32
    %dma_start3A_129 = arith.constant 79 : i32
    %dma_start3A_130 = arith.constant 0 : i32
    %dma_start3A_131 = arith.constant 0 : i32
    %dma_start3A_132 = tpu.memref_slice %arg8[%dma_start3A_127, %dma_start3A_130, %dma_start3A_131] : memref<3x128x64xf32, #tpu.memory_space<vmem>> -> memref<1x128x64xf32, #tpu.memory_space<vmem>>
    %dma_start3A_133 = tpu.memref_squeeze %dma_start3A_132 : memref<1x128x64xf32, #tpu.memory_space<vmem>> -> memref<128x64xf32, #tpu.memory_space<vmem>>
    %dma_start3A_134 = arith.constant 0 : i32
    %dma_start3A_135 = tpu.memref_slice %arg7[%dma_start3A_128, %dma_start3A_129, %dma_start3A_134] : memref<2x80x128xi32, #tpu.memory_space<vmem>> -> memref<1x1x128xi32, #tpu.memory_space<vmem>>
    %dma_start3A_136 = tpu.memref_squeeze %dma_start3A_135 : memref<1x1x128xi32, #tpu.memory_space<vmem>> -> memref<128xi32, #tpu.memory_space<vmem>>
    %dma_start3A_137 = arith.constant 0 : i32
    %dma_start3A_138 = arith.constant 0 : i32
    %dma_start3A_139 = tpu.memref_slice %arg10[%dma_start3A_137, %dma_start3A_138] : memref<10240x64xf32, #tpu.memory_space<vmem_shared>> -> memref<10240x64xf32, #tpu.memory_space<vmem_shared>>
    tpu.enqueue_indirect_dma source(%dma_start3A_133 : memref<128x64xf32, #tpu.memory_space<vmem>>) target(%dma_start3A_139 : memref<10240x64xf32, #tpu.memory_space<vmem_shared>>) offsets(%dma_start3A_136 : memref<128xi32, #tpu.memory_space<vmem>>) semaphore(%arg12 : memref<!tpu.dma_semaphore, #tpu.memory_space<semaphore_mem>>) {add = true}
    %dma_wait3A_140 = arith.constant 0 : i32
    %dma_wait3A_141 = arith.constant 1 : i32
    %dma_wait3A_142 = arith.constant 78 : i32
    %dma_wait3A_143 = arith.constant 0 : i32
    %dma_wait3A_144 = arith.constant 0 : i32
    %dma_wait3A_145 = tpu.memref_slice %arg8[%dma_wait3A_140, %dma_wait3A_143, %dma_wait3A_144] : memref<3x128x64xf32, #tpu.memory_space<vmem>> -> memref<1x128x64xf32, #tpu.memory_space<vmem>>
    %dma_wait3A_146 = tpu.memref_squeeze %dma_wait3A_145 : memref<1x128x64xf32, #tpu.memory_space<vmem>> -> memref<128x64xf32, #tpu.memory_space<vmem>>
    %dma_wait3A_147 = arith.constant 0 : i32
    %dma_wait3A_148 = tpu.memref_slice %arg7[%dma_wait3A_141, %dma_wait3A_142, %dma_wait3A_147] : memref<2x80x128xi32, #tpu.memory_space<vmem>> -> memref<1x1x128xi32, #tpu.memory_space<vmem>>
    %dma_wait3A_149 = tpu.memref_squeeze %dma_wait3A_148 : memref<1x1x128xi32, #tpu.memory_space<vmem>> -> memref<128xi32, #tpu.memory_space<vmem>>
    %dma_wait3A_150 = arith.constant 0 : i32
    %dma_wait3A_151 = arith.constant 0 : i32
    %dma_wait3A_152 = tpu.memref_slice %arg10[%dma_wait3A_150, %dma_wait3A_151] : memref<10240x64xf32, #tpu.memory_space<vmem_shared>> -> memref<10240x64xf32, #tpu.memory_space<vmem_shared>>
    tpu.wait_indirect_dma semaphore(%arg12 : memref<!tpu.dma_semaphore, #tpu.memory_space<semaphore_mem>>) src(%dma_wait3A_146 : memref<128x64xf32, #tpu.memory_space<vmem>>) dst(%dma_wait3A_152 : memref<10240x64xf32, #tpu.memory_space<vmem_shared>>)
    %dma_wait3A_153 = arith.constant 1 : i32
    %dma_wait3A_154 = arith.constant 1 : i32
    %dma_wait3A_155 = arith.constant 79 : i32
    %dma_wait3A_156 = arith.constant 0 : i32
    %dma_wait3A_157 = arith.constant 0 : i32
    %dma_wait3A_158 = tpu.memref_slice %arg8[%dma_wait3A_153, %dma_wait3A_156, %dma_wait3A_157] : memref<3x128x64xf32, #tpu.memory_space<vmem>> -> memref<1x128x64xf32, #tpu.memory_space<vmem>>
    %dma_wait3A_159 = tpu.memref_squeeze %dma_wait3A_158 : memref<1x128x64xf32, #tpu.memory_space<vmem>> -> memref<128x64xf32, #tpu.memory_space<vmem>>
    %dma_wait3A_160 = arith.constant 0 : i32
    %dma_wait3A_161 = tpu.memref_slice %arg7[%dma_wait3A_154, %dma_wait3A_155, %dma_wait3A_160] : memref<2x80x128xi32, #tpu.memory_space<vmem>> -> memref<1x1x128xi32, #tpu.memory_space<vmem>>
    %dma_wait3A_162 = tpu.memref_squeeze %dma_wait3A_161 : memref<1x1x128xi32, #tpu.memory_space<vmem>> -> memref<128xi32, #tpu.memory_space<vmem>>
    %dma_wait3A_163 = arith.constant 0 : i32
    %dma_wait3A_164 = arith.constant 0 : i32
    %dma_wait3A_165 = tpu.memref_slice %arg10[%dma_wait3A_163, %dma_wait3A_164] : memref<10240x64xf32, #tpu.memory_space<vmem_shared>> -> memref<10240x64xf32, #tpu.memory_space<vmem_shared>>
    tpu.wait_indirect_dma semaphore(%arg12 : memref<!tpu.dma_semaphore, #tpu.memory_space<semaphore_mem>>) src(%dma_wait3A_159 : memref<128x64xf32, #tpu.memory_space<vmem>>) dst(%dma_wait3A_165 : memref<10240x64xf32, #tpu.memory_space<vmem_shared>>)
    %barrier3A_166 = arith.constant 0 : index
    tpu.barrier barrier_id(%barrier3A_166)
    %mul3A_167 = arith.constant 640 : i32
    %mul3A_168 = arith.muli %arg1, %mul3A_167 : i32
    %mul3A_169 = arith.constant 640 : i32
    %mul3A_170 = arith.muli %arg1, %mul3A_169 : i32
    %run_scoped3A = arith.constant 0 : i32
    "tpu.region"() ({
      %run_scoped3A_348 = tpu.sem_alloc : memref<!tpu.dma_semaphore, #tpu.memory_space<semaphore_mem>>
      %dma_start3A_349 = arith.constant 0 : i32
      %dma_start3A_350 = tpu.memref_slice %arg6[%arg0, %run_scoped3A, %mul3A_170, %dma_start3A_349] : memref<2x2x10240x64xf32, #tpu.memory_space<hbm>> -> memref<1x1x640x64xf32, #tpu.memory_space<hbm>>
      %dma_start3A_351 = tpu.memref_squeeze %dma_start3A_350 : memref<1x1x640x64xf32, #tpu.memory_space<hbm>> -> memref<640x64xf32, #tpu.memory_space<hbm>>
      %dma_start3A_352 = arith.constant 0 : i32
      %dma_start3A_353 = tpu.memref_slice %arg10[%mul3A_168, %dma_start3A_352] : memref<10240x64xf32, #tpu.memory_space<vmem_shared>> -> memref<640x64xf32, #tpu.memory_space<vmem_shared>>
      tpu.enqueue_dma source(%dma_start3A_353 : memref<640x64xf32, #tpu.memory_space<vmem_shared>>) target(%dma_start3A_351 : memref<640x64xf32, #tpu.memory_space<hbm>>) target_semaphore(%run_scoped3A_348 : memref<!tpu.dma_semaphore, #tpu.memory_space<semaphore_mem>>)
      %dma_wait3A_354 = arith.constant 0 : i32
      %dma_wait3A_355 = tpu.memref_slice %arg6[%arg0, %run_scoped3A, %mul3A_170, %dma_wait3A_354] : memref<2x2x10240x64xf32, #tpu.memory_space<hbm>> -> memref<1x1x640x64xf32, #tpu.memory_space<hbm>>
      %dma_wait3A_356 = tpu.memref_squeeze %dma_wait3A_355 : memref<1x1x640x64xf32, #tpu.memory_space<hbm>> -> memref<640x64xf32, #tpu.memory_space<hbm>>
      %dma_wait3A_357 = arith.constant 0 : i32
      %dma_wait3A_358 = tpu.memref_slice %arg10[%mul3A_168, %dma_wait3A_357] : memref<10240x64xf32, #tpu.memory_space<vmem_shared>> -> memref<640x64xf32, #tpu.memory_space<vmem_shared>>
      tpu.wait_dma2 semaphore(%run_scoped3A_348 : memref<!tpu.dma_semaphore, #tpu.memory_space<semaphore_mem>>) src(%dma_wait3A_358 : memref<640x64xf32, #tpu.memory_space<vmem_shared>>) dst(%dma_wait3A_356 : memref<640x64xf32, #tpu.memory_space<hbm>>)
      tpu.yield
    }) : () -> ()
    %barrier3A_171 = arith.constant 0 : index
    tpu.barrier barrier_id(%barrier3A_171)
    %mul3A_172 = arith.constant 640 : i32
    %mul3A_173 = arith.muli %arg1, %mul3A_172 : i32
    %mul3A_174 = arith.constant 640 : i32
    %mul3A_175 = arith.muli %arg1, %mul3A_174 : i32
    "tpu.region"() ({
      %run_scoped3A_348 = tpu.sem_alloc : memref<!tpu.dma_semaphore, #tpu.memory_space<semaphore_mem>>
      %dma_start3A_349 = arith.constant 0 : i32
      %dma_start3A_350 = tpu.memref_slice %arg9[%mul3A_175, %dma_start3A_349] : memref<10240x64xf32, #tpu.memory_space<vmem_shared>> -> memref<640x64xf32, #tpu.memory_space<vmem_shared>>
      %dma_start3A_351 = arith.constant 0 : i32
      %dma_start3A_352 = tpu.memref_slice %arg3[%mul3A_173, %dma_start3A_351] : memref<10240x64xf32, #tpu.memory_space<hbm>> -> memref<640x64xf32, #tpu.memory_space<hbm>>
      tpu.enqueue_dma source(%dma_start3A_352 : memref<640x64xf32, #tpu.memory_space<hbm>>) target(%dma_start3A_350 : memref<640x64xf32, #tpu.memory_space<vmem_shared>>) target_semaphore(%run_scoped3A_348 : memref<!tpu.dma_semaphore, #tpu.memory_space<semaphore_mem>>)
      %dma_wait3A_353 = arith.constant 0 : i32
      %dma_wait3A_354 = tpu.memref_slice %arg9[%mul3A_175, %dma_wait3A_353] : memref<10240x64xf32, #tpu.memory_space<vmem_shared>> -> memref<640x64xf32, #tpu.memory_space<vmem_shared>>
      %dma_wait3A_355 = arith.constant 0 : i32
      %dma_wait3A_356 = tpu.memref_slice %arg3[%mul3A_173, %dma_wait3A_355] : memref<10240x64xf32, #tpu.memory_space<hbm>> -> memref<640x64xf32, #tpu.memory_space<hbm>>
      tpu.wait_dma2 semaphore(%run_scoped3A_348 : memref<!tpu.dma_semaphore, #tpu.memory_space<semaphore_mem>>) src(%dma_wait3A_356 : memref<640x64xf32, #tpu.memory_space<hbm>>) dst(%dma_wait3A_354 : memref<640x64xf32, #tpu.memory_space<vmem_shared>>)
      tpu.yield
    }) : () -> ()
    %mul3A_176 = arith.constant 640 : i32
    %mul3A_177 = arith.muli %arg1, %mul3A_176 : i32
    "tpu.region"() ({
      %run_scoped3A_348 = tpu.sem_alloc : memref<!tpu.dma_semaphore, #tpu.memory_space<semaphore_mem>>
      %dma_start3A_349 = arith.constant 0 : i32
      %dma_start3A_350 = tpu.memref_slice %arg10[%mul3A_177, %dma_start3A_349] : memref<10240x64xf32, #tpu.memory_space<vmem_shared>> -> memref<640x64xf32, #tpu.memory_space<vmem_shared>>
      tpu.enqueue_dma source(%arg5 : memref<640x64xf32, #tpu.memory_space<hbm>>) target(%dma_start3A_350 : memref<640x64xf32, #tpu.memory_space<vmem_shared>>) target_semaphore(%run_scoped3A_348 : memref<!tpu.dma_semaphore, #tpu.memory_space<semaphore_mem>>)
      %dma_wait3A_351 = arith.constant 0 : i32
      %dma_wait3A_352 = tpu.memref_slice %arg10[%mul3A_177, %dma_wait3A_351] : memref<10240x64xf32, #tpu.memory_space<vmem_shared>> -> memref<640x64xf32, #tpu.memory_space<vmem_shared>>
      tpu.wait_dma2 semaphore(%run_scoped3A_348 : memref<!tpu.dma_semaphore, #tpu.memory_space<semaphore_mem>>) src(%arg5 : memref<640x64xf32, #tpu.memory_space<hbm>>) dst(%dma_wait3A_352 : memref<640x64xf32, #tpu.memory_space<vmem_shared>>)
      tpu.yield
    }) : () -> ()
    %barrier3A_178 = arith.constant 0 : index
    tpu.barrier barrier_id(%barrier3A_178)
    "tpu.region"() ({
      %run_scoped3A_348 = tpu.sem_alloc : memref<!tpu.dma_semaphore, #tpu.memory_space<semaphore_mem>>
      %dma_start3A_349 = arith.constant 0 : i32
      %dma_start3A_350 = arith.constant 0 : i32
      %dma_start3A_351 = arith.constant 0 : i32
      %dma_start3A_352 = tpu.memref_slice %arg4[%add3A, %dma_start3A_349, %dma_start3A_350, %dma_start3A_351] : memref<32x2x80x128xi32, #tpu.memory_space<hbm>> -> memref<1x2x80x128xi32, #tpu.memory_space<hbm>>
      %dma_start3A_353 = tpu.memref_squeeze %dma_start3A_352 : memref<1x2x80x128xi32, #tpu.memory_space<hbm>> -> memref<2x80x128xi32, #tpu.memory_space<hbm>>
      %dma_start3A_354 = arith.constant 0 : i32
      %dma_start3A_355 = arith.constant 0 : i32
      %dma_start3A_356 = arith.constant 0 : i32
      %dma_start3A_357 = tpu.memref_slice %arg4[%add3A, %dma_start3A_354, %dma_start3A_355, %dma_start3A_356] : memref<32x2x80x128xi32, #tpu.memory_space<hbm>> -> memref<1x2x80x128xi32, #tpu.memory_space<hbm>>
      %dma_start3A_358 = tpu.memref_squeeze %dma_start3A_357 : memref<1x2x80x128xi32, #tpu.memory_space<hbm>> -> memref<2x80x128xi32, #tpu.memory_space<hbm>>
      tpu.enqueue_dma source(%dma_start3A_358 : memref<2x80x128xi32, #tpu.memory_space<hbm>>) target(%arg7 : memref<2x80x128xi32, #tpu.memory_space<vmem>>) target_semaphore(%run_scoped3A_348 : memref<!tpu.dma_semaphore, #tpu.memory_space<semaphore_mem>>)
      %dma_wait3A_359 = arith.constant 0 : i32
      %dma_wait3A_360 = arith.constant 0 : i32
      %dma_wait3A_361 = arith.constant 0 : i32
      %dma_wait3A_362 = tpu.memref_slice %arg4[%add3A, %dma_wait3A_359, %dma_wait3A_360, %dma_wait3A_361] : memref<32x2x80x128xi32, #tpu.memory_space<hbm>> -> memref<1x2x80x128xi32, #tpu.memory_space<hbm>>
      %dma_wait3A_363 = tpu.memref_squeeze %dma_wait3A_362 : memref<1x2x80x128xi32, #tpu.memory_space<hbm>> -> memref<2x80x128xi32, #tpu.memory_space<hbm>>
      %dma_wait3A_364 = arith.constant 0 : i32
      %dma_wait3A_365 = arith.constant 0 : i32
      %dma_wait3A_366 = arith.constant 0 : i32
      %dma_wait3A_367 = tpu.memref_slice %arg4[%add3A, %dma_wait3A_364, %dma_wait3A_365, %dma_wait3A_366] : memref<32x2x80x128xi32, #tpu.memory_space<hbm>> -> memref<1x2x80x128xi32, #tpu.memory_space<hbm>>
      %dma_wait3A_368 = tpu.memref_squeeze %dma_wait3A_367 : memref<1x2x80x128xi32, #tpu.memory_space<hbm>> -> memref<2x80x128xi32, #tpu.memory_space<hbm>>
      tpu.wait_dma2 semaphore(%run_scoped3A_348 : memref<!tpu.dma_semaphore, #tpu.memory_space<semaphore_mem>>) src(%dma_wait3A_368 : memref<2x80x128xi32, #tpu.memory_space<hbm>>) dst(%arg7 : memref<2x80x128xi32, #tpu.memory_space<vmem>>)
      tpu.yield
    }) : () -> ()
    %dma_start3A_179 = arith.constant 0 : i32
    %dma_start3A_180 = arith.constant 0 : i32
    %dma_start3A_181 = arith.constant 0 : i32
    %dma_start3A_182 = arith.constant 0 : i32
    %dma_start3A_183 = arith.constant 0 : i32
    %dma_start3A_184 = tpu.memref_slice %arg8[%dma_start3A_181, %dma_start3A_182, %dma_start3A_183] : memref<3x128x64xf32, #tpu.memory_space<vmem>> -> memref<1x128x64xf32, #tpu.memory_space<vmem>>
    %dma_start3A_185 = tpu.memref_squeeze %dma_start3A_184 : memref<1x128x64xf32, #tpu.memory_space<vmem>> -> memref<128x64xf32, #tpu.memory_space<vmem>>
    %dma_start3A_186 = arith.constant 0 : i32
    %dma_start3A_187 = tpu.memref_slice %arg7[%dma_start3A_179, %dma_start3A_180, %dma_start3A_186] : memref<2x80x128xi32, #tpu.memory_space<vmem>> -> memref<1x1x128xi32, #tpu.memory_space<vmem>>
    %dma_start3A_188 = tpu.memref_squeeze %dma_start3A_187 : memref<1x1x128xi32, #tpu.memory_space<vmem>> -> memref<128xi32, #tpu.memory_space<vmem>>
    %dma_start3A_189 = arith.constant 0 : i32
    %dma_start3A_190 = arith.constant 0 : i32
    %dma_start3A_191 = tpu.memref_slice %arg9[%dma_start3A_189, %dma_start3A_190] : memref<10240x64xf32, #tpu.memory_space<vmem_shared>> -> memref<10240x64xf32, #tpu.memory_space<vmem_shared>>
    tpu.enqueue_indirect_dma source(%dma_start3A_191 : memref<10240x64xf32, #tpu.memory_space<vmem_shared>>) target(%dma_start3A_185 : memref<128x64xf32, #tpu.memory_space<vmem>>) offsets(%dma_start3A_188 : memref<128xi32, #tpu.memory_space<vmem>>) semaphore(%arg11 : memref<!tpu.dma_semaphore, #tpu.memory_space<semaphore_mem>>)
    %dma_start3A_192 = arith.constant 0 : i32
    %dma_start3A_193 = arith.constant 1 : i32
    %dma_start3A_194 = arith.constant 1 : i32
    %dma_start3A_195 = arith.constant 0 : i32
    %dma_start3A_196 = arith.constant 0 : i32
    %dma_start3A_197 = tpu.memref_slice %arg8[%dma_start3A_194, %dma_start3A_195, %dma_start3A_196] : memref<3x128x64xf32, #tpu.memory_space<vmem>> -> memref<1x128x64xf32, #tpu.memory_space<vmem>>
    %dma_start3A_198 = tpu.memref_squeeze %dma_start3A_197 : memref<1x128x64xf32, #tpu.memory_space<vmem>> -> memref<128x64xf32, #tpu.memory_space<vmem>>
    %dma_start3A_199 = arith.constant 0 : i32
    %dma_start3A_200 = tpu.memref_slice %arg7[%dma_start3A_192, %dma_start3A_193, %dma_start3A_199] : memref<2x80x128xi32, #tpu.memory_space<vmem>> -> memref<1x1x128xi32, #tpu.memory_space<vmem>>
    %dma_start3A_201 = tpu.memref_squeeze %dma_start3A_200 : memref<1x1x128xi32, #tpu.memory_space<vmem>> -> memref<128xi32, #tpu.memory_space<vmem>>
    %dma_start3A_202 = arith.constant 0 : i32
    %dma_start3A_203 = arith.constant 0 : i32
    %dma_start3A_204 = tpu.memref_slice %arg9[%dma_start3A_202, %dma_start3A_203] : memref<10240x64xf32, #tpu.memory_space<vmem_shared>> -> memref<10240x64xf32, #tpu.memory_space<vmem_shared>>
    tpu.enqueue_indirect_dma source(%dma_start3A_204 : memref<10240x64xf32, #tpu.memory_space<vmem_shared>>) target(%dma_start3A_198 : memref<128x64xf32, #tpu.memory_space<vmem>>) offsets(%dma_start3A_201 : memref<128xi32, #tpu.memory_space<vmem>>) semaphore(%arg11 : memref<!tpu.dma_semaphore, #tpu.memory_space<semaphore_mem>>)
    %dma_wait3A_205 = arith.constant 0 : i32
    %dma_wait3A_206 = arith.constant 0 : i32
    %dma_wait3A_207 = arith.constant 0 : i32
    %dma_wait3A_208 = arith.constant 0 : i32
    %dma_wait3A_209 = arith.constant 0 : i32
    %dma_wait3A_210 = tpu.memref_slice %arg8[%dma_wait3A_207, %dma_wait3A_208, %dma_wait3A_209] : memref<3x128x64xf32, #tpu.memory_space<vmem>> -> memref<1x128x64xf32, #tpu.memory_space<vmem>>
    %dma_wait3A_211 = tpu.memref_squeeze %dma_wait3A_210 : memref<1x128x64xf32, #tpu.memory_space<vmem>> -> memref<128x64xf32, #tpu.memory_space<vmem>>
    %dma_wait3A_212 = arith.constant 0 : i32
    %dma_wait3A_213 = tpu.memref_slice %arg7[%dma_wait3A_205, %dma_wait3A_206, %dma_wait3A_212] : memref<2x80x128xi32, #tpu.memory_space<vmem>> -> memref<1x1x128xi32, #tpu.memory_space<vmem>>
    %dma_wait3A_214 = tpu.memref_squeeze %dma_wait3A_213 : memref<1x1x128xi32, #tpu.memory_space<vmem>> -> memref<128xi32, #tpu.memory_space<vmem>>
    %dma_wait3A_215 = arith.constant 0 : i32
    %dma_wait3A_216 = arith.constant 0 : i32
    %dma_wait3A_217 = tpu.memref_slice %arg9[%dma_wait3A_215, %dma_wait3A_216] : memref<10240x64xf32, #tpu.memory_space<vmem_shared>> -> memref<10240x64xf32, #tpu.memory_space<vmem_shared>>
    tpu.wait_indirect_dma semaphore(%arg11 : memref<!tpu.dma_semaphore, #tpu.memory_space<semaphore_mem>>) src(%dma_wait3A_217 : memref<10240x64xf32, #tpu.memory_space<vmem_shared>>) dst(%dma_wait3A_211 : memref<128x64xf32, #tpu.memory_space<vmem>>)
    %dma_start3A_218 = arith.constant 0 : i32
    %dma_start3A_219 = arith.constant 1 : i32
    %dma_start3A_220 = arith.constant 0 : i32
    %dma_start3A_221 = arith.constant 0 : i32
    %dma_start3A_222 = arith.constant 0 : i32
    %dma_start3A_223 = tpu.memref_slice %arg8[%dma_start3A_218, %dma_start3A_221, %dma_start3A_222] : memref<3x128x64xf32, #tpu.memory_space<vmem>> -> memref<1x128x64xf32, #tpu.memory_space<vmem>>
    %dma_start3A_224 = tpu.memref_squeeze %dma_start3A_223 : memref<1x128x64xf32, #tpu.memory_space<vmem>> -> memref<128x64xf32, #tpu.memory_space<vmem>>
    %dma_start3A_225 = arith.constant 0 : i32
    %dma_start3A_226 = tpu.memref_slice %arg7[%dma_start3A_219, %dma_start3A_220, %dma_start3A_225] : memref<2x80x128xi32, #tpu.memory_space<vmem>> -> memref<1x1x128xi32, #tpu.memory_space<vmem>>
    %dma_start3A_227 = tpu.memref_squeeze %dma_start3A_226 : memref<1x1x128xi32, #tpu.memory_space<vmem>> -> memref<128xi32, #tpu.memory_space<vmem>>
    %dma_start3A_228 = arith.constant 0 : i32
    %dma_start3A_229 = arith.constant 0 : i32
    %dma_start3A_230 = tpu.memref_slice %arg10[%dma_start3A_228, %dma_start3A_229] : memref<10240x64xf32, #tpu.memory_space<vmem_shared>> -> memref<10240x64xf32, #tpu.memory_space<vmem_shared>>
    tpu.enqueue_indirect_dma source(%dma_start3A_224 : memref<128x64xf32, #tpu.memory_space<vmem>>) target(%dma_start3A_230 : memref<10240x64xf32, #tpu.memory_space<vmem_shared>>) offsets(%dma_start3A_227 : memref<128xi32, #tpu.memory_space<vmem>>) semaphore(%arg12 : memref<!tpu.dma_semaphore, #tpu.memory_space<semaphore_mem>>) {add = true}
    %dma_start3A_231 = arith.constant 0 : i32
    %dma_start3A_232 = arith.constant 2 : i32
    %dma_start3A_233 = arith.constant 2 : i32
    %dma_start3A_234 = arith.constant 0 : i32
    %dma_start3A_235 = arith.constant 0 : i32
    %dma_start3A_236 = tpu.memref_slice %arg8[%dma_start3A_233, %dma_start3A_234, %dma_start3A_235] : memref<3x128x64xf32, #tpu.memory_space<vmem>> -> memref<1x128x64xf32, #tpu.memory_space<vmem>>
    %dma_start3A_237 = tpu.memref_squeeze %dma_start3A_236 : memref<1x128x64xf32, #tpu.memory_space<vmem>> -> memref<128x64xf32, #tpu.memory_space<vmem>>
    %dma_start3A_238 = arith.constant 0 : i32
    %dma_start3A_239 = tpu.memref_slice %arg7[%dma_start3A_231, %dma_start3A_232, %dma_start3A_238] : memref<2x80x128xi32, #tpu.memory_space<vmem>> -> memref<1x1x128xi32, #tpu.memory_space<vmem>>
    %dma_start3A_240 = tpu.memref_squeeze %dma_start3A_239 : memref<1x1x128xi32, #tpu.memory_space<vmem>> -> memref<128xi32, #tpu.memory_space<vmem>>
    %dma_start3A_241 = arith.constant 0 : i32
    %dma_start3A_242 = arith.constant 0 : i32
    %dma_start3A_243 = tpu.memref_slice %arg9[%dma_start3A_241, %dma_start3A_242] : memref<10240x64xf32, #tpu.memory_space<vmem_shared>> -> memref<10240x64xf32, #tpu.memory_space<vmem_shared>>
    tpu.enqueue_indirect_dma source(%dma_start3A_243 : memref<10240x64xf32, #tpu.memory_space<vmem_shared>>) target(%dma_start3A_237 : memref<128x64xf32, #tpu.memory_space<vmem>>) offsets(%dma_start3A_240 : memref<128xi32, #tpu.memory_space<vmem>>) semaphore(%arg11 : memref<!tpu.dma_semaphore, #tpu.memory_space<semaphore_mem>>)
    %scan3A_244 = arith.constant 0 : i32
    %scan3A_245 = arith.constant 1 : i32
    %scan3A_246 = arith.constant 77 : i32
    %scan3A_247 = arith.addi %scan3A_245, %scan3A_246 : i32
    %scan3A_248 = arith.constant 1 : i32
    scf.for %scan3A_348 = %scan3A_245 to %scan3A_247 step %scan3A_248  : i32 {
      %rem3A = arith.constant 3 : i32
      %rem3A_349 = arith.remsi %scan3A_348, %rem3A : i32
      %add3A_350 = arith.constant 3 : i32
      %add3A_351 = arith.addi %scan3A_348, %add3A_350 : i32
      %sub3A = arith.constant 1 : i32
      %sub3A_352 = arith.subi %add3A_351, %sub3A : i32
      %rem3A_353 = arith.constant 3 : i32
      %rem3A_354 = arith.remsi %sub3A_352, %rem3A_353 : i32
      %dma_wait3A_355 = arith.constant 0 : i32
      %dma_wait3A_356 = arith.constant 0 : i32
      %dma_wait3A_357 = arith.constant 0 : i32
      %dma_wait3A_358 = tpu.memref_slice %arg8[%rem3A_349, %dma_wait3A_356, %dma_wait3A_357] : memref<3x128x64xf32, #tpu.memory_space<vmem>> -> memref<1x128x64xf32, #tpu.memory_space<vmem>>
      %dma_wait3A_359 = tpu.memref_squeeze %dma_wait3A_358 : memref<1x128x64xf32, #tpu.memory_space<vmem>> -> memref<128x64xf32, #tpu.memory_space<vmem>>
      %dma_wait3A_360 = arith.constant 0 : i32
      %dma_wait3A_361 = tpu.memref_slice %arg7[%dma_wait3A_355, %scan3A_348, %dma_wait3A_360] : memref<2x80x128xi32, #tpu.memory_space<vmem>> -> memref<1x1x128xi32, #tpu.memory_space<vmem>>
      %dma_wait3A_362 = tpu.memref_squeeze %dma_wait3A_361 : memref<1x1x128xi32, #tpu.memory_space<vmem>> -> memref<128xi32, #tpu.memory_space<vmem>>
      %dma_wait3A_363 = arith.constant 0 : i32
      %dma_wait3A_364 = arith.constant 0 : i32
      %dma_wait3A_365 = tpu.memref_slice %arg9[%dma_wait3A_363, %dma_wait3A_364] : memref<10240x64xf32, #tpu.memory_space<vmem_shared>> -> memref<10240x64xf32, #tpu.memory_space<vmem_shared>>
      tpu.wait_indirect_dma semaphore(%arg11 : memref<!tpu.dma_semaphore, #tpu.memory_space<semaphore_mem>>) src(%dma_wait3A_365 : memref<10240x64xf32, #tpu.memory_space<vmem_shared>>) dst(%dma_wait3A_359 : memref<128x64xf32, #tpu.memory_space<vmem>>)
      %dma_start3A_366 = arith.constant 1 : i32
      %dma_start3A_367 = arith.constant 0 : i32
      %dma_start3A_368 = arith.constant 0 : i32
      %dma_start3A_369 = tpu.memref_slice %arg8[%rem3A_349, %dma_start3A_367, %dma_start3A_368] : memref<3x128x64xf32, #tpu.memory_space<vmem>> -> memref<1x128x64xf32, #tpu.memory_space<vmem>>
      %dma_start3A_370 = tpu.memref_squeeze %dma_start3A_369 : memref<1x128x64xf32, #tpu.memory_space<vmem>> -> memref<128x64xf32, #tpu.memory_space<vmem>>
      %dma_start3A_371 = arith.constant 0 : i32
      %dma_start3A_372 = tpu.memref_slice %arg7[%dma_start3A_366, %scan3A_348, %dma_start3A_371] : memref<2x80x128xi32, #tpu.memory_space<vmem>> -> memref<1x1x128xi32, #tpu.memory_space<vmem>>
      %dma_start3A_373 = tpu.memref_squeeze %dma_start3A_372 : memref<1x1x128xi32, #tpu.memory_space<vmem>> -> memref<128xi32, #tpu.memory_space<vmem>>
      %dma_start3A_374 = arith.constant 0 : i32
      %dma_start3A_375 = arith.constant 0 : i32
      %dma_start3A_376 = tpu.memref_slice %arg10[%dma_start3A_374, %dma_start3A_375] : memref<10240x64xf32, #tpu.memory_space<vmem_shared>> -> memref<10240x64xf32, #tpu.memory_space<vmem_shared>>
      tpu.enqueue_indirect_dma source(%dma_start3A_370 : memref<128x64xf32, #tpu.memory_space<vmem>>) target(%dma_start3A_376 : memref<10240x64xf32, #tpu.memory_space<vmem_shared>>) offsets(%dma_start3A_373 : memref<128xi32, #tpu.memory_space<vmem>>) semaphore(%arg12 : memref<!tpu.dma_semaphore, #tpu.memory_space<semaphore_mem>>) {add = true}
      %sub3A_377 = arith.constant 1 : i32
      %sub3A_378 = arith.subi %scan3A_348, %sub3A_377 : i32
      %dma_wait3A_379 = arith.constant 1 : i32
      %dma_wait3A_380 = arith.constant 0 : i32
      %dma_wait3A_381 = arith.constant 0 : i32
      %dma_wait3A_382 = tpu.memref_slice %arg8[%rem3A_354, %dma_wait3A_380, %dma_wait3A_381] : memref<3x128x64xf32, #tpu.memory_space<vmem>> -> memref<1x128x64xf32, #tpu.memory_space<vmem>>
      %dma_wait3A_383 = tpu.memref_squeeze %dma_wait3A_382 : memref<1x128x64xf32, #tpu.memory_space<vmem>> -> memref<128x64xf32, #tpu.memory_space<vmem>>
      %dma_wait3A_384 = arith.constant 0 : i32
      %dma_wait3A_385 = tpu.memref_slice %arg7[%dma_wait3A_379, %sub3A_378, %dma_wait3A_384] : memref<2x80x128xi32, #tpu.memory_space<vmem>> -> memref<1x1x128xi32, #tpu.memory_space<vmem>>
      %dma_wait3A_386 = tpu.memref_squeeze %dma_wait3A_385 : memref<1x1x128xi32, #tpu.memory_space<vmem>> -> memref<128xi32, #tpu.memory_space<vmem>>
      %dma_wait3A_387 = arith.constant 0 : i32
      %dma_wait3A_388 = arith.constant 0 : i32
      %dma_wait3A_389 = tpu.memref_slice %arg10[%dma_wait3A_387, %dma_wait3A_388] : memref<10240x64xf32, #tpu.memory_space<vmem_shared>> -> memref<10240x64xf32, #tpu.memory_space<vmem_shared>>
      tpu.wait_indirect_dma semaphore(%arg12 : memref<!tpu.dma_semaphore, #tpu.memory_space<semaphore_mem>>) src(%dma_wait3A_383 : memref<128x64xf32, #tpu.memory_space<vmem>>) dst(%dma_wait3A_389 : memref<10240x64xf32, #tpu.memory_space<vmem_shared>>)
      %add3A_390 = arith.constant 3 : i32
      %add3A_391 = arith.addi %scan3A_348, %add3A_390 : i32
      %sub3A_392 = arith.constant 1 : i32
      %sub3A_393 = arith.subi %add3A_391, %sub3A_392 : i32
      %dma_start3A_394 = arith.constant 0 : i32
      %dma_start3A_395 = arith.constant 0 : i32
      %dma_start3A_396 = arith.constant 0 : i32
      %dma_start3A_397 = tpu.memref_slice %arg8[%rem3A_354, %dma_start3A_395, %dma_start3A_396] : memref<3x128x64xf32, #tpu.memory_space<vmem>> -> memref<1x128x64xf32, #tpu.memory_space<vmem>>
      %dma_start3A_398 = tpu.memref_squeeze %dma_start3A_397 : memref<1x128x64xf32, #tpu.memory_space<vmem>> -> memref<128x64xf32, #tpu.memory_space<vmem>>
      %dma_start3A_399 = arith.constant 0 : i32
      %dma_start3A_400 = tpu.memref_slice %arg7[%dma_start3A_394, %sub3A_393, %dma_start3A_399] : memref<2x80x128xi32, #tpu.memory_space<vmem>> -> memref<1x1x128xi32, #tpu.memory_space<vmem>>
      %dma_start3A_401 = tpu.memref_squeeze %dma_start3A_400 : memref<1x1x128xi32, #tpu.memory_space<vmem>> -> memref<128xi32, #tpu.memory_space<vmem>>
      %dma_start3A_402 = arith.constant 0 : i32
      %dma_start3A_403 = arith.constant 0 : i32
      %dma_start3A_404 = tpu.memref_slice %arg9[%dma_start3A_402, %dma_start3A_403] : memref<10240x64xf32, #tpu.memory_space<vmem_shared>> -> memref<10240x64xf32, #tpu.memory_space<vmem_shared>>
      tpu.enqueue_indirect_dma source(%dma_start3A_404 : memref<10240x64xf32, #tpu.memory_space<vmem_shared>>) target(%dma_start3A_398 : memref<128x64xf32, #tpu.memory_space<vmem>>) offsets(%dma_start3A_401 : memref<128xi32, #tpu.memory_space<vmem>>) semaphore(%arg11 : memref<!tpu.dma_semaphore, #tpu.memory_space<semaphore_mem>>)
    }
    %scan3A_249 = arith.constant 77 : i32
    %dma_wait3A_250 = arith.constant 0 : i32
    %dma_wait3A_251 = arith.constant 78 : i32
    %dma_wait3A_252 = arith.constant 0 : i32
    %dma_wait3A_253 = arith.constant 0 : i32
    %dma_wait3A_254 = arith.constant 0 : i32
    %dma_wait3A_255 = tpu.memref_slice %arg8[%dma_wait3A_252, %dma_wait3A_253, %dma_wait3A_254] : memref<3x128x64xf32, #tpu.memory_space<vmem>> -> memref<1x128x64xf32, #tpu.memory_space<vmem>>
    %dma_wait3A_256 = tpu.memref_squeeze %dma_wait3A_255 : memref<1x128x64xf32, #tpu.memory_space<vmem>> -> memref<128x64xf32, #tpu.memory_space<vmem>>
    %dma_wait3A_257 = arith.constant 0 : i32
    %dma_wait3A_258 = tpu.memref_slice %arg7[%dma_wait3A_250, %dma_wait3A_251, %dma_wait3A_257] : memref<2x80x128xi32, #tpu.memory_space<vmem>> -> memref<1x1x128xi32, #tpu.memory_space<vmem>>
    %dma_wait3A_259 = tpu.memref_squeeze %dma_wait3A_258 : memref<1x1x128xi32, #tpu.memory_space<vmem>> -> memref<128xi32, #tpu.memory_space<vmem>>
    %dma_wait3A_260 = arith.constant 0 : i32
    %dma_wait3A_261 = arith.constant 0 : i32
    %dma_wait3A_262 = tpu.memref_slice %arg9[%dma_wait3A_260, %dma_wait3A_261] : memref<10240x64xf32, #tpu.memory_space<vmem_shared>> -> memref<10240x64xf32, #tpu.memory_space<vmem_shared>>
    tpu.wait_indirect_dma semaphore(%arg11 : memref<!tpu.dma_semaphore, #tpu.memory_space<semaphore_mem>>) src(%dma_wait3A_262 : memref<10240x64xf32, #tpu.memory_space<vmem_shared>>) dst(%dma_wait3A_256 : memref<128x64xf32, #tpu.memory_space<vmem>>)
    %dma_start3A_263 = arith.constant 0 : i32
    %dma_start3A_264 = arith.constant 1 : i32
    %dma_start3A_265 = arith.constant 78 : i32
    %dma_start3A_266 = arith.constant 0 : i32
    %dma_start3A_267 = arith.constant 0 : i32
    %dma_start3A_268 = tpu.memref_slice %arg8[%dma_start3A_263, %dma_start3A_266, %dma_start3A_267] : memref<3x128x64xf32, #tpu.memory_space<vmem>> -> memref<1x128x64xf32, #tpu.memory_space<vmem>>
    %dma_start3A_269 = tpu.memref_squeeze %dma_start3A_268 : memref<1x128x64xf32, #tpu.memory_space<vmem>> -> memref<128x64xf32, #tpu.memory_space<vmem>>
    %dma_start3A_270 = arith.constant 0 : i32
    %dma_start3A_271 = tpu.memref_slice %arg7[%dma_start3A_264, %dma_start3A_265, %dma_start3A_270] : memref<2x80x128xi32, #tpu.memory_space<vmem>> -> memref<1x1x128xi32, #tpu.memory_space<vmem>>
    %dma_start3A_272 = tpu.memref_squeeze %dma_start3A_271 : memref<1x1x128xi32, #tpu.memory_space<vmem>> -> memref<128xi32, #tpu.memory_space<vmem>>
    %dma_start3A_273 = arith.constant 0 : i32
    %dma_start3A_274 = arith.constant 0 : i32
    %dma_start3A_275 = tpu.memref_slice %arg10[%dma_start3A_273, %dma_start3A_274] : memref<10240x64xf32, #tpu.memory_space<vmem_shared>> -> memref<10240x64xf32, #tpu.memory_space<vmem_shared>>
    tpu.enqueue_indirect_dma source(%dma_start3A_269 : memref<128x64xf32, #tpu.memory_space<vmem>>) target(%dma_start3A_275 : memref<10240x64xf32, #tpu.memory_space<vmem_shared>>) offsets(%dma_start3A_272 : memref<128xi32, #tpu.memory_space<vmem>>) semaphore(%arg12 : memref<!tpu.dma_semaphore, #tpu.memory_space<semaphore_mem>>) {add = true}
    %dma_wait3A_276 = arith.constant 2 : i32
    %dma_wait3A_277 = arith.constant 1 : i32
    %dma_wait3A_278 = arith.constant 77 : i32
    %dma_wait3A_279 = arith.constant 0 : i32
    %dma_wait3A_280 = arith.constant 0 : i32
    %dma_wait3A_281 = tpu.memref_slice %arg8[%dma_wait3A_276, %dma_wait3A_279, %dma_wait3A_280] : memref<3x128x64xf32, #tpu.memory_space<vmem>> -> memref<1x128x64xf32, #tpu.memory_space<vmem>>
    %dma_wait3A_282 = tpu.memref_squeeze %dma_wait3A_281 : memref<1x128x64xf32, #tpu.memory_space<vmem>> -> memref<128x64xf32, #tpu.memory_space<vmem>>
    %dma_wait3A_283 = arith.constant 0 : i32
    %dma_wait3A_284 = tpu.memref_slice %arg7[%dma_wait3A_277, %dma_wait3A_278, %dma_wait3A_283] : memref<2x80x128xi32, #tpu.memory_space<vmem>> -> memref<1x1x128xi32, #tpu.memory_space<vmem>>
    %dma_wait3A_285 = tpu.memref_squeeze %dma_wait3A_284 : memref<1x1x128xi32, #tpu.memory_space<vmem>> -> memref<128xi32, #tpu.memory_space<vmem>>
    %dma_wait3A_286 = arith.constant 0 : i32
    %dma_wait3A_287 = arith.constant 0 : i32
    %dma_wait3A_288 = tpu.memref_slice %arg10[%dma_wait3A_286, %dma_wait3A_287] : memref<10240x64xf32, #tpu.memory_space<vmem_shared>> -> memref<10240x64xf32, #tpu.memory_space<vmem_shared>>
    tpu.wait_indirect_dma semaphore(%arg12 : memref<!tpu.dma_semaphore, #tpu.memory_space<semaphore_mem>>) src(%dma_wait3A_282 : memref<128x64xf32, #tpu.memory_space<vmem>>) dst(%dma_wait3A_288 : memref<10240x64xf32, #tpu.memory_space<vmem_shared>>)
    %dma_wait3A_289 = arith.constant 0 : i32
    %dma_wait3A_290 = arith.constant 79 : i32
    %dma_wait3A_291 = arith.constant 1 : i32
    %dma_wait3A_292 = arith.constant 0 : i32
    %dma_wait3A_293 = arith.constant 0 : i32
    %dma_wait3A_294 = tpu.memref_slice %arg8[%dma_wait3A_291, %dma_wait3A_292, %dma_wait3A_293] : memref<3x128x64xf32, #tpu.memory_space<vmem>> -> memref<1x128x64xf32, #tpu.memory_space<vmem>>
    %dma_wait3A_295 = tpu.memref_squeeze %dma_wait3A_294 : memref<1x128x64xf32, #tpu.memory_space<vmem>> -> memref<128x64xf32, #tpu.memory_space<vmem>>
    %dma_wait3A_296 = arith.constant 0 : i32
    %dma_wait3A_297 = tpu.memref_slice %arg7[%dma_wait3A_289, %dma_wait3A_290, %dma_wait3A_296] : memref<2x80x128xi32, #tpu.memory_space<vmem>> -> memref<1x1x128xi32, #tpu.memory_space<vmem>>
    %dma_wait3A_298 = tpu.memref_squeeze %dma_wait3A_297 : memref<1x1x128xi32, #tpu.memory_space<vmem>> -> memref<128xi32, #tpu.memory_space<vmem>>
    %dma_wait3A_299 = arith.constant 0 : i32
    %dma_wait3A_300 = arith.constant 0 : i32
    %dma_wait3A_301 = tpu.memref_slice %arg9[%dma_wait3A_299, %dma_wait3A_300] : memref<10240x64xf32, #tpu.memory_space<vmem_shared>> -> memref<10240x64xf32, #tpu.memory_space<vmem_shared>>
    tpu.wait_indirect_dma semaphore(%arg11 : memref<!tpu.dma_semaphore, #tpu.memory_space<semaphore_mem>>) src(%dma_wait3A_301 : memref<10240x64xf32, #tpu.memory_space<vmem_shared>>) dst(%dma_wait3A_295 : memref<128x64xf32, #tpu.memory_space<vmem>>)
    %dma_start3A_302 = arith.constant 1 : i32
    %dma_start3A_303 = arith.constant 1 : i32
    %dma_start3A_304 = arith.constant 79 : i32
    %dma_start3A_305 = arith.constant 0 : i32
    %dma_start3A_306 = arith.constant 0 : i32
    %dma_start3A_307 = tpu.memref_slice %arg8[%dma_start3A_302, %dma_start3A_305, %dma_start3A_306] : memref<3x128x64xf32, #tpu.memory_space<vmem>> -> memref<1x128x64xf32, #tpu.memory_space<vmem>>
    %dma_start3A_308 = tpu.memref_squeeze %dma_start3A_307 : memref<1x128x64xf32, #tpu.memory_space<vmem>> -> memref<128x64xf32, #tpu.memory_space<vmem>>
    %dma_start3A_309 = arith.constant 0 : i32
    %dma_start3A_310 = tpu.memref_slice %arg7[%dma_start3A_303, %dma_start3A_304, %dma_start3A_309] : memref<2x80x128xi32, #tpu.memory_space<vmem>> -> memref<1x1x128xi32, #tpu.memory_space<vmem>>
    %dma_start3A_311 = tpu.memref_squeeze %dma_start3A_310 : memref<1x1x128xi32, #tpu.memory_space<vmem>> -> memref<128xi32, #tpu.memory_space<vmem>>
    %dma_start3A_312 = arith.constant 0 : i32
    %dma_start3A_313 = arith.constant 0 : i32
    %dma_start3A_314 = tpu.memref_slice %arg10[%dma_start3A_312, %dma_start3A_313] : memref<10240x64xf32, #tpu.memory_space<vmem_shared>> -> memref<10240x64xf32, #tpu.memory_space<vmem_shared>>
    tpu.enqueue_indirect_dma source(%dma_start3A_308 : memref<128x64xf32, #tpu.memory_space<vmem>>) target(%dma_start3A_314 : memref<10240x64xf32, #tpu.memory_space<vmem_shared>>) offsets(%dma_start3A_311 : memref<128xi32, #tpu.memory_space<vmem>>) semaphore(%arg12 : memref<!tpu.dma_semaphore, #tpu.memory_space<semaphore_mem>>) {add = true}
    %dma_wait3A_315 = arith.constant 0 : i32
    %dma_wait3A_316 = arith.constant 1 : i32
    %dma_wait3A_317 = arith.constant 78 : i32
    %dma_wait3A_318 = arith.constant 0 : i32
    %dma_wait3A_319 = arith.constant 0 : i32
    %dma_wait3A_320 = tpu.memref_slice %arg8[%dma_wait3A_315, %dma_wait3A_318, %dma_wait3A_319] : memref<3x128x64xf32, #tpu.memory_space<vmem>> -> memref<1x128x64xf32, #tpu.memory_space<vmem>>
    %dma_wait3A_321 = tpu.memref_squeeze %dma_wait3A_320 : memref<1x128x64xf32, #tpu.memory_space<vmem>> -> memref<128x64xf32, #tpu.memory_space<vmem>>
    %dma_wait3A_322 = arith.constant 0 : i32
    %dma_wait3A_323 = tpu.memref_slice %arg7[%dma_wait3A_316, %dma_wait3A_317, %dma_wait3A_322] : memref<2x80x128xi32, #tpu.memory_space<vmem>> -> memref<1x1x128xi32, #tpu.memory_space<vmem>>
    %dma_wait3A_324 = tpu.memref_squeeze %dma_wait3A_323 : memref<1x1x128xi32, #tpu.memory_space<vmem>> -> memref<128xi32, #tpu.memory_space<vmem>>
    %dma_wait3A_325 = arith.constant 0 : i32
    %dma_wait3A_326 = arith.constant 0 : i32
    %dma_wait3A_327 = tpu.memref_slice %arg10[%dma_wait3A_325, %dma_wait3A_326] : memref<10240x64xf32, #tpu.memory_space<vmem_shared>> -> memref<10240x64xf32, #tpu.memory_space<vmem_shared>>
    tpu.wait_indirect_dma semaphore(%arg12 : memref<!tpu.dma_semaphore, #tpu.memory_space<semaphore_mem>>) src(%dma_wait3A_321 : memref<128x64xf32, #tpu.memory_space<vmem>>) dst(%dma_wait3A_327 : memref<10240x64xf32, #tpu.memory_space<vmem_shared>>)
    %dma_wait3A_328 = arith.constant 1 : i32
    %dma_wait3A_329 = arith.constant 1 : i32
    %dma_wait3A_330 = arith.constant 79 : i32
    %dma_wait3A_331 = arith.constant 0 : i32
    %dma_wait3A_332 = arith.constant 0 : i32
    %dma_wait3A_333 = tpu.memref_slice %arg8[%dma_wait3A_328, %dma_wait3A_331, %dma_wait3A_332] : memref<3x128x64xf32, #tpu.memory_space<vmem>> -> memref<1x128x64xf32, #tpu.memory_space<vmem>>
    %dma_wait3A_334 = tpu.memref_squeeze %dma_wait3A_333 : memref<1x128x64xf32, #tpu.memory_space<vmem>> -> memref<128x64xf32, #tpu.memory_space<vmem>>
    %dma_wait3A_335 = arith.constant 0 : i32
    %dma_wait3A_336 = tpu.memref_slice %arg7[%dma_wait3A_329, %dma_wait3A_330, %dma_wait3A_335] : memref<2x80x128xi32, #tpu.memory_space<vmem>> -> memref<1x1x128xi32, #tpu.memory_space<vmem>>
    %dma_wait3A_337 = tpu.memref_squeeze %dma_wait3A_336 : memref<1x1x128xi32, #tpu.memory_space<vmem>> -> memref<128xi32, #tpu.memory_space<vmem>>
    %dma_wait3A_338 = arith.constant 0 : i32
    %dma_wait3A_339 = arith.constant 0 : i32
    %dma_wait3A_340 = tpu.memref_slice %arg10[%dma_wait3A_338, %dma_wait3A_339] : memref<10240x64xf32, #tpu.memory_space<vmem_shared>> -> memref<10240x64xf32, #tpu.memory_space<vmem_shared>>
    tpu.wait_indirect_dma semaphore(%arg12 : memref<!tpu.dma_semaphore, #tpu.memory_space<semaphore_mem>>) src(%dma_wait3A_334 : memref<128x64xf32, #tpu.memory_space<vmem>>) dst(%dma_wait3A_340 : memref<10240x64xf32, #tpu.memory_space<vmem_shared>>)
    %barrier3A_341 = arith.constant 0 : index
    tpu.barrier barrier_id(%barrier3A_341)
    %mul3A_342 = arith.constant 640 : i32
    %mul3A_343 = arith.muli %arg1, %mul3A_342 : i32
    %mul3A_344 = arith.constant 640 : i32
    %mul3A_345 = arith.muli %arg1, %mul3A_344 : i32
    %run_scoped3A_346 = arith.constant 1 : i32
    "tpu.region"() ({
      %run_scoped3A_348 = tpu.sem_alloc : memref<!tpu.dma_semaphore, #tpu.memory_space<semaphore_mem>>
      %dma_start3A_349 = arith.constant 0 : i32
      %dma_start3A_350 = tpu.memref_slice %arg6[%arg0, %run_scoped3A_346, %mul3A_345, %dma_start3A_349] : memref<2x2x10240x64xf32, #tpu.memory_space<hbm>> -> memref<1x1x640x64xf32, #tpu.memory_space<hbm>>
      %dma_start3A_351 = tpu.memref_squeeze %dma_start3A_350 : memref<1x1x640x64xf32, #tpu.memory_space<hbm>> -> memref<640x64xf32, #tpu.memory_space<hbm>>
      %dma_start3A_352 = arith.constant 0 : i32
      %dma_start3A_353 = tpu.memref_slice %arg10[%mul3A_343, %dma_start3A_352] : memref<10240x64xf32, #tpu.memory_space<vmem_shared>> -> memref<640x64xf32, #tpu.memory_space<vmem_shared>>
      tpu.enqueue_dma source(%dma_start3A_353 : memref<640x64xf32, #tpu.memory_space<vmem_shared>>) target(%dma_start3A_351 : memref<640x64xf32, #tpu.memory_space<hbm>>) target_semaphore(%run_scoped3A_348 : memref<!tpu.dma_semaphore, #tpu.memory_space<semaphore_mem>>)
      %dma_wait3A_354 = arith.constant 0 : i32
      %dma_wait3A_355 = tpu.memref_slice %arg6[%arg0, %run_scoped3A_346, %mul3A_345, %dma_wait3A_354] : memref<2x2x10240x64xf32, #tpu.memory_space<hbm>> -> memref<1x1x640x64xf32, #tpu.memory_space<hbm>>
      %dma_wait3A_356 = tpu.memref_squeeze %dma_wait3A_355 : memref<1x1x640x64xf32, #tpu.memory_space<hbm>> -> memref<640x64xf32, #tpu.memory_space<hbm>>
      %dma_wait3A_357 = arith.constant 0 : i32
      %dma_wait3A_358 = tpu.memref_slice %arg10[%mul3A_343, %dma_wait3A_357] : memref<10240x64xf32, #tpu.memory_space<vmem_shared>> -> memref<640x64xf32, #tpu.memory_space<vmem_shared>>
      tpu.wait_dma2 semaphore(%run_scoped3A_348 : memref<!tpu.dma_semaphore, #tpu.memory_space<semaphore_mem>>) src(%dma_wait3A_358 : memref<640x64xf32, #tpu.memory_space<vmem_shared>>) dst(%dma_wait3A_356 : memref<640x64xf32, #tpu.memory_space<hbm>>)
      tpu.yield
    }) : () -> ()
    %barrier3A_347 = arith.constant 0 : index
    tpu.barrier barrier_id(%barrier3A_347)
    return
  }
}

#map = affine_map<(d0, d1) -> (0, 0)>
#map1 = affine_map<(d0, d1) -> (0, 0, 0, 0)>
module attributes {stable_mosaic.version = 14 : i64} {
  func.func @_sc_agg_body(%arg0: i32, %arg1: i32, %arg2: memref<10240x64xf32, #tpu.memory_space<hbm>>, %arg3: memref<10240x64xf32, #tpu.memory_space<hbm>>, %arg4: memref<32x2x80x128xi32, #tpu.memory_space<hbm>>, %arg5: memref<640x64xf32, #tpu.memory_space<hbm>>, %arg6: memref<2x2x10240x64xf32, #tpu.memory_space<hbm>>, %arg7: memref<2x80x128xi32, #tpu.memory_space<vmem>>, %arg8: memref<3x128x64xf32, #tpu.memory_space<vmem>>, %arg9: memref<10240x64xf32, #tpu.memory_space<vmem_shared>>, %arg10: memref<10240x64xf32, #tpu.memory_space<vmem_shared>>, %arg11: memref<!tpu.dma_semaphore, #tpu.memory_space<semaphore_mem>>, %arg12: memref<!tpu.dma_semaphore, #tpu.memory_space<semaphore_mem>>) attributes {dimension_semantics = [#tpu.dimension_semantics<core_parallel>, #tpu.dimension_semantics<subcore_parallel>], iteration_bounds = array<i64: 2, 16>, scalar_prefetch = 0 : i64, scratch_operands = 6 : i64, tpu.core_type = #tpu.core_type<sc_vector_subcore>, window_params = [{transform_indices = #map}, {transform_indices = #map}, {transform_indices = #map1}, {transform_indices = #map}, {transform_indices = #map1}]} {
    %mul3A = arith.constant 16 : i32
    %mul3A_0 = arith.muli %arg0, %mul3A : i32
    %add3A = arith.addi %mul3A_0, %arg1 : i32
    %mul3A_1 = arith.constant 640 : i32
    %mul3A_2 = arith.muli %arg1, %mul3A_1 : i32
    %mul3A_3 = arith.constant 640 : i32
    %mul3A_4 = arith.muli %arg1, %mul3A_3 : i32
    "tpu.region"() ({
      %run_scoped3A_348 = tpu.sem_alloc : memref<!tpu.dma_semaphore, #tpu.memory_space<semaphore_mem>>
      %dma_start3A_349 = arith.constant 0 : i32
      %dma_start3A_350 = tpu.memref_slice %arg9[%mul3A_4, %dma_start3A_349] : memref<10240x64xf32, #tpu.memory_space<vmem_shared>> -> memref<640x64xf32, #tpu.memory_space<vmem_shared>>
      %dma_start3A_351 = arith.constant 0 : i32
      %dma_start3A_352 = tpu.memref_slice %arg2[%mul3A_2, %dma_start3A_351] : memref<10240x64xf32, #tpu.memory_space<hbm>> -> memref<640x64xf32, #tpu.memory_space<hbm>>
      tpu.enqueue_dma source(%dma_start3A_352 : memref<640x64xf32, #tpu.memory_space<hbm>>) target(%dma_start3A_350 : memref<640x64xf32, #tpu.memory_space<vmem_shared>>) target_semaphore(%run_scoped3A_348 : memref<!tpu.dma_semaphore, #tpu.memory_space<semaphore_mem>>)
      %dma_wait3A_353 = arith.constant 0 : i32
      %dma_wait3A_354 = tpu.memref_slice %arg9[%mul3A_4, %dma_wait3A_353] : memref<10240x64xf32, #tpu.memory_space<vmem_shared>> -> memref<640x64xf32, #tpu.memory_space<vmem_shared>>
      %dma_wait3A_355 = arith.constant 0 : i32
      %dma_wait3A_356 = tpu.memref_slice %arg2[%mul3A_2, %dma_wait3A_355] : memref<10240x64xf32, #tpu.memory_space<hbm>> -> memref<640x64xf32, #tpu.memory_space<hbm>>
      tpu.wait_dma2 semaphore(%run_scoped3A_348 : memref<!tpu.dma_semaphore, #tpu.memory_space<semaphore_mem>>) src(%dma_wait3A_356 : memref<640x64xf32, #tpu.memory_space<hbm>>) dst(%dma_wait3A_354 : memref<640x64xf32, #tpu.memory_space<vmem_shared>>)
      tpu.yield
    }) : () -> ()
    %mul3A_5 = arith.constant 640 : i32
    %mul3A_6 = arith.muli %arg1, %mul3A_5 : i32
    "tpu.region"() ({
      %run_scoped3A_348 = tpu.sem_alloc : memref<!tpu.dma_semaphore, #tpu.memory_space<semaphore_mem>>
      %dma_start3A_349 = arith.constant 0 : i32
      %dma_start3A_350 = tpu.memref_slice %arg10[%mul3A_6, %dma_start3A_349] : memref<10240x64xf32, #tpu.memory_space<vmem_shared>> -> memref<640x64xf32, #tpu.memory_space<vmem_shared>>
      tpu.enqueue_dma source(%arg5 : memref<640x64xf32, #tpu.memory_space<hbm>>) target(%dma_start3A_350 : memref<640x64xf32, #tpu.memory_space<vmem_shared>>) target_semaphore(%run_scoped3A_348 : memref<!tpu.dma_semaphore, #tpu.memory_space<semaphore_mem>>)
      %dma_wait3A_351 = arith.constant 0 : i32
      %dma_wait3A_352 = tpu.memref_slice %arg10[%mul3A_6, %dma_wait3A_351] : memref<10240x64xf32, #tpu.memory_space<vmem_shared>> -> memref<640x64xf32, #tpu.memory_space<vmem_shared>>
      tpu.wait_dma2 semaphore(%run_scoped3A_348 : memref<!tpu.dma_semaphore, #tpu.memory_space<semaphore_mem>>) src(%arg5 : memref<640x64xf32, #tpu.memory_space<hbm>>) dst(%dma_wait3A_352 : memref<640x64xf32, #tpu.memory_space<vmem_shared>>)
      tpu.yield
    }) : () -> ()
    %barrier3A = arith.constant 0 : index
    tpu.barrier barrier_id(%barrier3A)
    "tpu.region"() ({
      %run_scoped3A_348 = tpu.sem_alloc : memref<!tpu.dma_semaphore, #tpu.memory_space<semaphore_mem>>
      %dma_start3A_349 = arith.constant 0 : i32
      %dma_start3A_350 = arith.constant 0 : i32
      %dma_start3A_351 = arith.constant 0 : i32
      %dma_start3A_352 = tpu.memref_slice %arg4[%add3A, %dma_start3A_349, %dma_start3A_350, %dma_start3A_351] : memref<32x2x80x128xi32, #tpu.memory_space<hbm>> -> memref<1x2x80x128xi32, #tpu.memory_space<hbm>>
      %dma_start3A_353 = tpu.memref_squeeze %dma_start3A_352 : memref<1x2x80x128xi32, #tpu.memory_space<hbm>> -> memref<2x80x128xi32, #tpu.memory_space<hbm>>
      %dma_start3A_354 = arith.constant 0 : i32
      %dma_start3A_355 = arith.constant 0 : i32
      %dma_start3A_356 = arith.constant 0 : i32
      %dma_start3A_357 = tpu.memref_slice %arg4[%add3A, %dma_start3A_354, %dma_start3A_355, %dma_start3A_356] : memref<32x2x80x128xi32, #tpu.memory_space<hbm>> -> memref<1x2x80x128xi32, #tpu.memory_space<hbm>>
      %dma_start3A_358 = tpu.memref_squeeze %dma_start3A_357 : memref<1x2x80x128xi32, #tpu.memory_space<hbm>> -> memref<2x80x128xi32, #tpu.memory_space<hbm>>
      tpu.enqueue_dma source(%dma_start3A_358 : memref<2x80x128xi32, #tpu.memory_space<hbm>>) target(%arg7 : memref<2x80x128xi32, #tpu.memory_space<vmem>>) target_semaphore(%run_scoped3A_348 : memref<!tpu.dma_semaphore, #tpu.memory_space<semaphore_mem>>)
      %dma_wait3A_359 = arith.constant 0 : i32
      %dma_wait3A_360 = arith.constant 0 : i32
      %dma_wait3A_361 = arith.constant 0 : i32
      %dma_wait3A_362 = tpu.memref_slice %arg4[%add3A, %dma_wait3A_359, %dma_wait3A_360, %dma_wait3A_361] : memref<32x2x80x128xi32, #tpu.memory_space<hbm>> -> memref<1x2x80x128xi32, #tpu.memory_space<hbm>>
      %dma_wait3A_363 = tpu.memref_squeeze %dma_wait3A_362 : memref<1x2x80x128xi32, #tpu.memory_space<hbm>> -> memref<2x80x128xi32, #tpu.memory_space<hbm>>
      %dma_wait3A_364 = arith.constant 0 : i32
      %dma_wait3A_365 = arith.constant 0 : i32
      %dma_wait3A_366 = arith.constant 0 : i32
      %dma_wait3A_367 = tpu.memref_slice %arg4[%add3A, %dma_wait3A_364, %dma_wait3A_365, %dma_wait3A_366] : memref<32x2x80x128xi32, #tpu.memory_space<hbm>> -> memref<1x2x80x128xi32, #tpu.memory_space<hbm>>
      %dma_wait3A_368 = tpu.memref_squeeze %dma_wait3A_367 : memref<1x2x80x128xi32, #tpu.memory_space<hbm>> -> memref<2x80x128xi32, #tpu.memory_space<hbm>>
      tpu.wait_dma2 semaphore(%run_scoped3A_348 : memref<!tpu.dma_semaphore, #tpu.memory_space<semaphore_mem>>) src(%dma_wait3A_368 : memref<2x80x128xi32, #tpu.memory_space<hbm>>) dst(%arg7 : memref<2x80x128xi32, #tpu.memory_space<vmem>>)
      tpu.yield
    }) : () -> ()
    %dma_start3A = arith.constant 0 : i32
    %dma_start3A_7 = arith.constant 0 : i32
    %dma_start3A_8 = arith.constant 0 : i32
    %dma_start3A_9 = arith.constant 0 : i32
    %dma_start3A_10 = arith.constant 0 : i32
    %dma_start3A_11 = tpu.memref_slice %arg8[%dma_start3A_8, %dma_start3A_9, %dma_start3A_10] : memref<3x128x64xf32, #tpu.memory_space<vmem>> -> memref<1x128x64xf32, #tpu.memory_space<vmem>>
    %dma_start3A_12 = tpu.memref_squeeze %dma_start3A_11 : memref<1x128x64xf32, #tpu.memory_space<vmem>> -> memref<128x64xf32, #tpu.memory_space<vmem>>
    %dma_start3A_13 = arith.constant 0 : i32
    %dma_start3A_14 = tpu.memref_slice %arg7[%dma_start3A, %dma_start3A_7, %dma_start3A_13] : memref<2x80x128xi32, #tpu.memory_space<vmem>> -> memref<1x1x128xi32, #tpu.memory_space<vmem>>
    %dma_start3A_15 = tpu.memref_squeeze %dma_start3A_14 : memref<1x1x128xi32, #tpu.memory_space<vmem>> -> memref<128xi32, #tpu.memory_space<vmem>>
    %dma_start3A_16 = arith.constant 0 : i32
    %dma_start3A_17 = arith.constant 0 : i32
    %dma_start3A_18 = tpu.memref_slice %arg9[%dma_start3A_16, %dma_start3A_17] : memref<10240x64xf32, #tpu.memory_space<vmem_shared>> -> memref<10240x64xf32, #tpu.memory_space<vmem_shared>>
    tpu.enqueue_indirect_dma source(%dma_start3A_18 : memref<10240x64xf32, #tpu.memory_space<vmem_shared>>) target(%dma_start3A_12 : memref<128x64xf32, #tpu.memory_space<vmem>>) offsets(%dma_start3A_15 : memref<128xi32, #tpu.memory_space<vmem>>) semaphore(%arg11 : memref<!tpu.dma_semaphore, #tpu.memory_space<semaphore_mem>>)
    %dma_start3A_19 = arith.constant 0 : i32
    %dma_start3A_20 = arith.constant 1 : i32
    %dma_start3A_21 = arith.constant 1 : i32
    %dma_start3A_22 = arith.constant 0 : i32
    %dma_start3A_23 = arith.constant 0 : i32
    %dma_start3A_24 = tpu.memref_slice %arg8[%dma_start3A_21, %dma_start3A_22, %dma_start3A_23] : memref<3x128x64xf32, #tpu.memory_space<vmem>> -> memref<1x128x64xf32, #tpu.memory_space<vmem>>
    %dma_start3A_25 = tpu.memref_squeeze %dma_start3A_24 : memref<1x128x64xf32, #tpu.memory_space<vmem>> -> memref<128x64xf32, #tpu.memory_space<vmem>>
    %dma_start3A_26 = arith.constant 0 : i32
    %dma_start3A_27 = tpu.memref_slice %arg7[%dma_start3A_19, %dma_start3A_20, %dma_start3A_26] : memref<2x80x128xi32, #tpu.memory_space<vmem>> -> memref<1x1x128xi32, #tpu.memory_space<vmem>>
    %dma_start3A_28 = tpu.memref_squeeze %dma_start3A_27 : memref<1x1x128xi32, #tpu.memory_space<vmem>> -> memref<128xi32, #tpu.memory_space<vmem>>
    %dma_start3A_29 = arith.constant 0 : i32
    %dma_start3A_30 = arith.constant 0 : i32
    %dma_start3A_31 = tpu.memref_slice %arg9[%dma_start3A_29, %dma_start3A_30] : memref<10240x64xf32, #tpu.memory_space<vmem_shared>> -> memref<10240x64xf32, #tpu.memory_space<vmem_shared>>
    tpu.enqueue_indirect_dma source(%dma_start3A_31 : memref<10240x64xf32, #tpu.memory_space<vmem_shared>>) target(%dma_start3A_25 : memref<128x64xf32, #tpu.memory_space<vmem>>) offsets(%dma_start3A_28 : memref<128xi32, #tpu.memory_space<vmem>>) semaphore(%arg11 : memref<!tpu.dma_semaphore, #tpu.memory_space<semaphore_mem>>)
    %dma_wait3A = arith.constant 0 : i32
    %dma_wait3A_32 = arith.constant 0 : i32
    %dma_wait3A_33 = arith.constant 0 : i32
    %dma_wait3A_34 = arith.constant 0 : i32
    %dma_wait3A_35 = arith.constant 0 : i32
    %dma_wait3A_36 = tpu.memref_slice %arg8[%dma_wait3A_33, %dma_wait3A_34, %dma_wait3A_35] : memref<3x128x64xf32, #tpu.memory_space<vmem>> -> memref<1x128x64xf32, #tpu.memory_space<vmem>>
    %dma_wait3A_37 = tpu.memref_squeeze %dma_wait3A_36 : memref<1x128x64xf32, #tpu.memory_space<vmem>> -> memref<128x64xf32, #tpu.memory_space<vmem>>
    %dma_wait3A_38 = arith.constant 0 : i32
    %dma_wait3A_39 = tpu.memref_slice %arg7[%dma_wait3A, %dma_wait3A_32, %dma_wait3A_38] : memref<2x80x128xi32, #tpu.memory_space<vmem>> -> memref<1x1x128xi32, #tpu.memory_space<vmem>>
    %dma_wait3A_40 = tpu.memref_squeeze %dma_wait3A_39 : memref<1x1x128xi32, #tpu.memory_space<vmem>> -> memref<128xi32, #tpu.memory_space<vmem>>
    %dma_wait3A_41 = arith.constant 0 : i32
    %dma_wait3A_42 = arith.constant 0 : i32
    %dma_wait3A_43 = tpu.memref_slice %arg9[%dma_wait3A_41, %dma_wait3A_42] : memref<10240x64xf32, #tpu.memory_space<vmem_shared>> -> memref<10240x64xf32, #tpu.memory_space<vmem_shared>>
    tpu.wait_indirect_dma semaphore(%arg11 : memref<!tpu.dma_semaphore, #tpu.memory_space<semaphore_mem>>) src(%dma_wait3A_43 : memref<10240x64xf32, #tpu.memory_space<vmem_shared>>) dst(%dma_wait3A_37 : memref<128x64xf32, #tpu.memory_space<vmem>>)
    %dma_start3A_44 = arith.constant 0 : i32
    %dma_start3A_45 = arith.constant 1 : i32
    %dma_start3A_46 = arith.constant 0 : i32
    %dma_start3A_47 = arith.constant 0 : i32
    %dma_start3A_48 = arith.constant 0 : i32
    %dma_start3A_49 = tpu.memref_slice %arg8[%dma_start3A_44, %dma_start3A_47, %dma_start3A_48] : memref<3x128x64xf32, #tpu.memory_space<vmem>> -> memref<1x128x64xf32, #tpu.memory_space<vmem>>
    %dma_start3A_50 = tpu.memref_squeeze %dma_start3A_49 : memref<1x128x64xf32, #tpu.memory_space<vmem>> -> memref<128x64xf32, #tpu.memory_space<vmem>>
    %dma_start3A_51 = arith.constant 0 : i32
    %dma_start3A_52 = tpu.memref_slice %arg7[%dma_start3A_45, %dma_start3A_46, %dma_start3A_51] : memref<2x80x128xi32, #tpu.memory_space<vmem>> -> memref<1x1x128xi32, #tpu.memory_space<vmem>>
    %dma_start3A_53 = tpu.memref_squeeze %dma_start3A_52 : memref<1x1x128xi32, #tpu.memory_space<vmem>> -> memref<128xi32, #tpu.memory_space<vmem>>
    %dma_start3A_54 = arith.constant 0 : i32
    %dma_start3A_55 = arith.constant 0 : i32
    %dma_start3A_56 = tpu.memref_slice %arg10[%dma_start3A_54, %dma_start3A_55] : memref<10240x64xf32, #tpu.memory_space<vmem_shared>> -> memref<10240x64xf32, #tpu.memory_space<vmem_shared>>
    tpu.enqueue_indirect_dma source(%dma_start3A_50 : memref<128x64xf32, #tpu.memory_space<vmem>>) target(%dma_start3A_56 : memref<10240x64xf32, #tpu.memory_space<vmem_shared>>) offsets(%dma_start3A_53 : memref<128xi32, #tpu.memory_space<vmem>>) semaphore(%arg12 : memref<!tpu.dma_semaphore, #tpu.memory_space<semaphore_mem>>) {add = true}
    %dma_start3A_57 = arith.constant 0 : i32
    %dma_start3A_58 = arith.constant 2 : i32
    %dma_start3A_59 = arith.constant 2 : i32
    %dma_start3A_60 = arith.constant 0 : i32
    %dma_start3A_61 = arith.constant 0 : i32
    %dma_start3A_62 = tpu.memref_slice %arg8[%dma_start3A_59, %dma_start3A_60, %dma_start3A_61] : memref<3x128x64xf32, #tpu.memory_space<vmem>> -> memref<1x128x64xf32, #tpu.memory_space<vmem>>
    %dma_start3A_63 = tpu.memref_squeeze %dma_start3A_62 : memref<1x128x64xf32, #tpu.memory_space<vmem>> -> memref<128x64xf32, #tpu.memory_space<vmem>>
    %dma_start3A_64 = arith.constant 0 : i32
    %dma_start3A_65 = tpu.memref_slice %arg7[%dma_start3A_57, %dma_start3A_58, %dma_start3A_64] : memref<2x80x128xi32, #tpu.memory_space<vmem>> -> memref<1x1x128xi32, #tpu.memory_space<vmem>>
    %dma_start3A_66 = tpu.memref_squeeze %dma_start3A_65 : memref<1x1x128xi32, #tpu.memory_space<vmem>> -> memref<128xi32, #tpu.memory_space<vmem>>
    %dma_start3A_67 = arith.constant 0 : i32
    %dma_start3A_68 = arith.constant 0 : i32
    %dma_start3A_69 = tpu.memref_slice %arg9[%dma_start3A_67, %dma_start3A_68] : memref<10240x64xf32, #tpu.memory_space<vmem_shared>> -> memref<10240x64xf32, #tpu.memory_space<vmem_shared>>
    tpu.enqueue_indirect_dma source(%dma_start3A_69 : memref<10240x64xf32, #tpu.memory_space<vmem_shared>>) target(%dma_start3A_63 : memref<128x64xf32, #tpu.memory_space<vmem>>) offsets(%dma_start3A_66 : memref<128xi32, #tpu.memory_space<vmem>>) semaphore(%arg11 : memref<!tpu.dma_semaphore, #tpu.memory_space<semaphore_mem>>)
    %scan3A = arith.constant 0 : i32
    %scan3A_70 = arith.constant 1 : i32
    %scan3A_71 = arith.constant 77 : i32
    %scan3A_72 = arith.addi %scan3A_70, %scan3A_71 : i32
    %scan3A_73 = arith.constant 1 : i32
    scf.for %scan3A_348 = %scan3A_70 to %scan3A_72 step %scan3A_73  : i32 {
      %rem3A = arith.constant 3 : i32
      %rem3A_349 = arith.remsi %scan3A_348, %rem3A : i32
      %add3A_350 = arith.constant 3 : i32
      %add3A_351 = arith.addi %scan3A_348, %add3A_350 : i32
      %sub3A = arith.constant 1 : i32
      %sub3A_352 = arith.subi %add3A_351, %sub3A : i32
      %rem3A_353 = arith.constant 3 : i32
      %rem3A_354 = arith.remsi %sub3A_352, %rem3A_353 : i32
      %dma_wait3A_355 = arith.constant 0 : i32
      %dma_wait3A_356 = arith.constant 0 : i32
      %dma_wait3A_357 = arith.constant 0 : i32
      %dma_wait3A_358 = tpu.memref_slice %arg8[%rem3A_349, %dma_wait3A_356, %dma_wait3A_357] : memref<3x128x64xf32, #tpu.memory_space<vmem>> -> memref<1x128x64xf32, #tpu.memory_space<vmem>>
      %dma_wait3A_359 = tpu.memref_squeeze %dma_wait3A_358 : memref<1x128x64xf32, #tpu.memory_space<vmem>> -> memref<128x64xf32, #tpu.memory_space<vmem>>
      %dma_wait3A_360 = arith.constant 0 : i32
      %dma_wait3A_361 = tpu.memref_slice %arg7[%dma_wait3A_355, %scan3A_348, %dma_wait3A_360] : memref<2x80x128xi32, #tpu.memory_space<vmem>> -> memref<1x1x128xi32, #tpu.memory_space<vmem>>
      %dma_wait3A_362 = tpu.memref_squeeze %dma_wait3A_361 : memref<1x1x128xi32, #tpu.memory_space<vmem>> -> memref<128xi32, #tpu.memory_space<vmem>>
      %dma_wait3A_363 = arith.constant 0 : i32
      %dma_wait3A_364 = arith.constant 0 : i32
      %dma_wait3A_365 = tpu.memref_slice %arg9[%dma_wait3A_363, %dma_wait3A_364] : memref<10240x64xf32, #tpu.memory_space<vmem_shared>> -> memref<10240x64xf32, #tpu.memory_space<vmem_shared>>
      tpu.wait_indirect_dma semaphore(%arg11 : memref<!tpu.dma_semaphore, #tpu.memory_space<semaphore_mem>>) src(%dma_wait3A_365 : memref<10240x64xf32, #tpu.memory_space<vmem_shared>>) dst(%dma_wait3A_359 : memref<128x64xf32, #tpu.memory_space<vmem>>)
      %dma_start3A_366 = arith.constant 1 : i32
      %dma_start3A_367 = arith.constant 0 : i32
      %dma_start3A_368 = arith.constant 0 : i32
      %dma_start3A_369 = tpu.memref_slice %arg8[%rem3A_349, %dma_start3A_367, %dma_start3A_368] : memref<3x128x64xf32, #tpu.memory_space<vmem>> -> memref<1x128x64xf32, #tpu.memory_space<vmem>>
      %dma_start3A_370 = tpu.memref_squeeze %dma_start3A_369 : memref<1x128x64xf32, #tpu.memory_space<vmem>> -> memref<128x64xf32, #tpu.memory_space<vmem>>
      %dma_start3A_371 = arith.constant 0 : i32
      %dma_start3A_372 = tpu.memref_slice %arg7[%dma_start3A_366, %scan3A_348, %dma_start3A_371] : memref<2x80x128xi32, #tpu.memory_space<vmem>> -> memref<1x1x128xi32, #tpu.memory_space<vmem>>
      %dma_start3A_373 = tpu.memref_squeeze %dma_start3A_372 : memref<1x1x128xi32, #tpu.memory_space<vmem>> -> memref<128xi32, #tpu.memory_space<vmem>>
      %dma_start3A_374 = arith.constant 0 : i32
      %dma_start3A_375 = arith.constant 0 : i32
      %dma_start3A_376 = tpu.memref_slice %arg10[%dma_start3A_374, %dma_start3A_375] : memref<10240x64xf32, #tpu.memory_space<vmem_shared>> -> memref<10240x64xf32, #tpu.memory_space<vmem_shared>>
      tpu.enqueue_indirect_dma source(%dma_start3A_370 : memref<128x64xf32, #tpu.memory_space<vmem>>) target(%dma_start3A_376 : memref<10240x64xf32, #tpu.memory_space<vmem_shared>>) offsets(%dma_start3A_373 : memref<128xi32, #tpu.memory_space<vmem>>) semaphore(%arg12 : memref<!tpu.dma_semaphore, #tpu.memory_space<semaphore_mem>>) {add = true}
      %sub3A_377 = arith.constant 1 : i32
      %sub3A_378 = arith.subi %scan3A_348, %sub3A_377 : i32
      %dma_wait3A_379 = arith.constant 1 : i32
      %dma_wait3A_380 = arith.constant 0 : i32
      %dma_wait3A_381 = arith.constant 0 : i32
      %dma_wait3A_382 = tpu.memref_slice %arg8[%rem3A_354, %dma_wait3A_380, %dma_wait3A_381] : memref<3x128x64xf32, #tpu.memory_space<vmem>> -> memref<1x128x64xf32, #tpu.memory_space<vmem>>
      %dma_wait3A_383 = tpu.memref_squeeze %dma_wait3A_382 : memref<1x128x64xf32, #tpu.memory_space<vmem>> -> memref<128x64xf32, #tpu.memory_space<vmem>>
      %dma_wait3A_384 = arith.constant 0 : i32
      %dma_wait3A_385 = tpu.memref_slice %arg7[%dma_wait3A_379, %sub3A_378, %dma_wait3A_384] : memref<2x80x128xi32, #tpu.memory_space<vmem>> -> memref<1x1x128xi32, #tpu.memory_space<vmem>>
      %dma_wait3A_386 = tpu.memref_squeeze %dma_wait3A_385 : memref<1x1x128xi32, #tpu.memory_space<vmem>> -> memref<128xi32, #tpu.memory_space<vmem>>
      %dma_wait3A_387 = arith.constant 0 : i32
      %dma_wait3A_388 = arith.constant 0 : i32
      %dma_wait3A_389 = tpu.memref_slice %arg10[%dma_wait3A_387, %dma_wait3A_388] : memref<10240x64xf32, #tpu.memory_space<vmem_shared>> -> memref<10240x64xf32, #tpu.memory_space<vmem_shared>>
      tpu.wait_indirect_dma semaphore(%arg12 : memref<!tpu.dma_semaphore, #tpu.memory_space<semaphore_mem>>) src(%dma_wait3A_383 : memref<128x64xf32, #tpu.memory_space<vmem>>) dst(%dma_wait3A_389 : memref<10240x64xf32, #tpu.memory_space<vmem_shared>>)
      %add3A_390 = arith.constant 3 : i32
      %add3A_391 = arith.addi %scan3A_348, %add3A_390 : i32
      %sub3A_392 = arith.constant 1 : i32
      %sub3A_393 = arith.subi %add3A_391, %sub3A_392 : i32
      %dma_start3A_394 = arith.constant 0 : i32
      %dma_start3A_395 = arith.constant 0 : i32
      %dma_start3A_396 = arith.constant 0 : i32
      %dma_start3A_397 = tpu.memref_slice %arg8[%rem3A_354, %dma_start3A_395, %dma_start3A_396] : memref<3x128x64xf32, #tpu.memory_space<vmem>> -> memref<1x128x64xf32, #tpu.memory_space<vmem>>
      %dma_start3A_398 = tpu.memref_squeeze %dma_start3A_397 : memref<1x128x64xf32, #tpu.memory_space<vmem>> -> memref<128x64xf32, #tpu.memory_space<vmem>>
      %dma_start3A_399 = arith.constant 0 : i32
      %dma_start3A_400 = tpu.memref_slice %arg7[%dma_start3A_394, %sub3A_393, %dma_start3A_399] : memref<2x80x128xi32, #tpu.memory_space<vmem>> -> memref<1x1x128xi32, #tpu.memory_space<vmem>>
      %dma_start3A_401 = tpu.memref_squeeze %dma_start3A_400 : memref<1x1x128xi32, #tpu.memory_space<vmem>> -> memref<128xi32, #tpu.memory_space<vmem>>
      %dma_start3A_402 = arith.constant 0 : i32
      %dma_start3A_403 = arith.constant 0 : i32
      %dma_start3A_404 = tpu.memref_slice %arg9[%dma_start3A_402, %dma_start3A_403] : memref<10240x64xf32, #tpu.memory_space<vmem_shared>> -> memref<10240x64xf32, #tpu.memory_space<vmem_shared>>
      tpu.enqueue_indirect_dma source(%dma_start3A_404 : memref<10240x64xf32, #tpu.memory_space<vmem_shared>>) target(%dma_start3A_398 : memref<128x64xf32, #tpu.memory_space<vmem>>) offsets(%dma_start3A_401 : memref<128xi32, #tpu.memory_space<vmem>>) semaphore(%arg11 : memref<!tpu.dma_semaphore, #tpu.memory_space<semaphore_mem>>)
    }
    %scan3A_74 = arith.constant 77 : i32
    %dma_wait3A_75 = arith.constant 0 : i32
    %dma_wait3A_76 = arith.constant 78 : i32
    %dma_wait3A_77 = arith.constant 0 : i32
    %dma_wait3A_78 = arith.constant 0 : i32
    %dma_wait3A_79 = arith.constant 0 : i32
    %dma_wait3A_80 = tpu.memref_slice %arg8[%dma_wait3A_77, %dma_wait3A_78, %dma_wait3A_79] : memref<3x128x64xf32, #tpu.memory_space<vmem>> -> memref<1x128x64xf32, #tpu.memory_space<vmem>>
    %dma_wait3A_81 = tpu.memref_squeeze %dma_wait3A_80 : memref<1x128x64xf32, #tpu.memory_space<vmem>> -> memref<128x64xf32, #tpu.memory_space<vmem>>
    %dma_wait3A_82 = arith.constant 0 : i32
    %dma_wait3A_83 = tpu.memref_slice %arg7[%dma_wait3A_75, %dma_wait3A_76, %dma_wait3A_82] : memref<2x80x128xi32, #tpu.memory_space<vmem>> -> memref<1x1x128xi32, #tpu.memory_space<vmem>>
    %dma_wait3A_84 = tpu.memref_squeeze %dma_wait3A_83 : memref<1x1x128xi32, #tpu.memory_space<vmem>> -> memref<128xi32, #tpu.memory_space<vmem>>
    %dma_wait3A_85 = arith.constant 0 : i32
    %dma_wait3A_86 = arith.constant 0 : i32
    %dma_wait3A_87 = tpu.memref_slice %arg9[%dma_wait3A_85, %dma_wait3A_86] : memref<10240x64xf32, #tpu.memory_space<vmem_shared>> -> memref<10240x64xf32, #tpu.memory_space<vmem_shared>>
    tpu.wait_indirect_dma semaphore(%arg11 : memref<!tpu.dma_semaphore, #tpu.memory_space<semaphore_mem>>) src(%dma_wait3A_87 : memref<10240x64xf32, #tpu.memory_space<vmem_shared>>) dst(%dma_wait3A_81 : memref<128x64xf32, #tpu.memory_space<vmem>>)
    %dma_start3A_88 = arith.constant 0 : i32
    %dma_start3A_89 = arith.constant 1 : i32
    %dma_start3A_90 = arith.constant 78 : i32
    %dma_start3A_91 = arith.constant 0 : i32
    %dma_start3A_92 = arith.constant 0 : i32
    %dma_start3A_93 = tpu.memref_slice %arg8[%dma_start3A_88, %dma_start3A_91, %dma_start3A_92] : memref<3x128x64xf32, #tpu.memory_space<vmem>> -> memref<1x128x64xf32, #tpu.memory_space<vmem>>
    %dma_start3A_94 = tpu.memref_squeeze %dma_start3A_93 : memref<1x128x64xf32, #tpu.memory_space<vmem>> -> memref<128x64xf32, #tpu.memory_space<vmem>>
    %dma_start3A_95 = arith.constant 0 : i32
    %dma_start3A_96 = tpu.memref_slice %arg7[%dma_start3A_89, %dma_start3A_90, %dma_start3A_95] : memref<2x80x128xi32, #tpu.memory_space<vmem>> -> memref<1x1x128xi32, #tpu.memory_space<vmem>>
    %dma_start3A_97 = tpu.memref_squeeze %dma_start3A_96 : memref<1x1x128xi32, #tpu.memory_space<vmem>> -> memref<128xi32, #tpu.memory_space<vmem>>
    %dma_start3A_98 = arith.constant 0 : i32
    %dma_start3A_99 = arith.constant 0 : i32
    %dma_start3A_100 = tpu.memref_slice %arg10[%dma_start3A_98, %dma_start3A_99] : memref<10240x64xf32, #tpu.memory_space<vmem_shared>> -> memref<10240x64xf32, #tpu.memory_space<vmem_shared>>
    tpu.enqueue_indirect_dma source(%dma_start3A_94 : memref<128x64xf32, #tpu.memory_space<vmem>>) target(%dma_start3A_100 : memref<10240x64xf32, #tpu.memory_space<vmem_shared>>) offsets(%dma_start3A_97 : memref<128xi32, #tpu.memory_space<vmem>>) semaphore(%arg12 : memref<!tpu.dma_semaphore, #tpu.memory_space<semaphore_mem>>) {add = true}
    %dma_wait3A_101 = arith.constant 2 : i32
    %dma_wait3A_102 = arith.constant 1 : i32
    %dma_wait3A_103 = arith.constant 77 : i32
    %dma_wait3A_104 = arith.constant 0 : i32
    %dma_wait3A_105 = arith.constant 0 : i32
    %dma_wait3A_106 = tpu.memref_slice %arg8[%dma_wait3A_101, %dma_wait3A_104, %dma_wait3A_105] : memref<3x128x64xf32, #tpu.memory_space<vmem>> -> memref<1x128x64xf32, #tpu.memory_space<vmem>>
    %dma_wait3A_107 = tpu.memref_squeeze %dma_wait3A_106 : memref<1x128x64xf32, #tpu.memory_space<vmem>> -> memref<128x64xf32, #tpu.memory_space<vmem>>
    %dma_wait3A_108 = arith.constant 0 : i32
    %dma_wait3A_109 = tpu.memref_slice %arg7[%dma_wait3A_102, %dma_wait3A_103, %dma_wait3A_108] : memref<2x80x128xi32, #tpu.memory_space<vmem>> -> memref<1x1x128xi32, #tpu.memory_space<vmem>>
    %dma_wait3A_110 = tpu.memref_squeeze %dma_wait3A_109 : memref<1x1x128xi32, #tpu.memory_space<vmem>> -> memref<128xi32, #tpu.memory_space<vmem>>
    %dma_wait3A_111 = arith.constant 0 : i32
    %dma_wait3A_112 = arith.constant 0 : i32
    %dma_wait3A_113 = tpu.memref_slice %arg10[%dma_wait3A_111, %dma_wait3A_112] : memref<10240x64xf32, #tpu.memory_space<vmem_shared>> -> memref<10240x64xf32, #tpu.memory_space<vmem_shared>>
    tpu.wait_indirect_dma semaphore(%arg12 : memref<!tpu.dma_semaphore, #tpu.memory_space<semaphore_mem>>) src(%dma_wait3A_107 : memref<128x64xf32, #tpu.memory_space<vmem>>) dst(%dma_wait3A_113 : memref<10240x64xf32, #tpu.memory_space<vmem_shared>>)
    %dma_wait3A_114 = arith.constant 0 : i32
    %dma_wait3A_115 = arith.constant 79 : i32
    %dma_wait3A_116 = arith.constant 1 : i32
    %dma_wait3A_117 = arith.constant 0 : i32
    %dma_wait3A_118 = arith.constant 0 : i32
    %dma_wait3A_119 = tpu.memref_slice %arg8[%dma_wait3A_116, %dma_wait3A_117, %dma_wait3A_118] : memref<3x128x64xf32, #tpu.memory_space<vmem>> -> memref<1x128x64xf32, #tpu.memory_space<vmem>>
    %dma_wait3A_120 = tpu.memref_squeeze %dma_wait3A_119 : memref<1x128x64xf32, #tpu.memory_space<vmem>> -> memref<128x64xf32, #tpu.memory_space<vmem>>
    %dma_wait3A_121 = arith.constant 0 : i32
    %dma_wait3A_122 = tpu.memref_slice %arg7[%dma_wait3A_114, %dma_wait3A_115, %dma_wait3A_121] : memref<2x80x128xi32, #tpu.memory_space<vmem>> -> memref<1x1x128xi32, #tpu.memory_space<vmem>>
    %dma_wait3A_123 = tpu.memref_squeeze %dma_wait3A_122 : memref<1x1x128xi32, #tpu.memory_space<vmem>> -> memref<128xi32, #tpu.memory_space<vmem>>
    %dma_wait3A_124 = arith.constant 0 : i32
    %dma_wait3A_125 = arith.constant 0 : i32
    %dma_wait3A_126 = tpu.memref_slice %arg9[%dma_wait3A_124, %dma_wait3A_125] : memref<10240x64xf32, #tpu.memory_space<vmem_shared>> -> memref<10240x64xf32, #tpu.memory_space<vmem_shared>>
    tpu.wait_indirect_dma semaphore(%arg11 : memref<!tpu.dma_semaphore, #tpu.memory_space<semaphore_mem>>) src(%dma_wait3A_126 : memref<10240x64xf32, #tpu.memory_space<vmem_shared>>) dst(%dma_wait3A_120 : memref<128x64xf32, #tpu.memory_space<vmem>>)
    %dma_start3A_127 = arith.constant 1 : i32
    %dma_start3A_128 = arith.constant 1 : i32
    %dma_start3A_129 = arith.constant 79 : i32
    %dma_start3A_130 = arith.constant 0 : i32
    %dma_start3A_131 = arith.constant 0 : i32
    %dma_start3A_132 = tpu.memref_slice %arg8[%dma_start3A_127, %dma_start3A_130, %dma_start3A_131] : memref<3x128x64xf32, #tpu.memory_space<vmem>> -> memref<1x128x64xf32, #tpu.memory_space<vmem>>
    %dma_start3A_133 = tpu.memref_squeeze %dma_start3A_132 : memref<1x128x64xf32, #tpu.memory_space<vmem>> -> memref<128x64xf32, #tpu.memory_space<vmem>>
    %dma_start3A_134 = arith.constant 0 : i32
    %dma_start3A_135 = tpu.memref_slice %arg7[%dma_start3A_128, %dma_start3A_129, %dma_start3A_134] : memref<2x80x128xi32, #tpu.memory_space<vmem>> -> memref<1x1x128xi32, #tpu.memory_space<vmem>>
    %dma_start3A_136 = tpu.memref_squeeze %dma_start3A_135 : memref<1x1x128xi32, #tpu.memory_space<vmem>> -> memref<128xi32, #tpu.memory_space<vmem>>
    %dma_start3A_137 = arith.constant 0 : i32
    %dma_start3A_138 = arith.constant 0 : i32
    %dma_start3A_139 = tpu.memref_slice %arg10[%dma_start3A_137, %dma_start3A_138] : memref<10240x64xf32, #tpu.memory_space<vmem_shared>> -> memref<10240x64xf32, #tpu.memory_space<vmem_shared>>
    tpu.enqueue_indirect_dma source(%dma_start3A_133 : memref<128x64xf32, #tpu.memory_space<vmem>>) target(%dma_start3A_139 : memref<10240x64xf32, #tpu.memory_space<vmem_shared>>) offsets(%dma_start3A_136 : memref<128xi32, #tpu.memory_space<vmem>>) semaphore(%arg12 : memref<!tpu.dma_semaphore, #tpu.memory_space<semaphore_mem>>) {add = true}
    %dma_wait3A_140 = arith.constant 0 : i32
    %dma_wait3A_141 = arith.constant 1 : i32
    %dma_wait3A_142 = arith.constant 78 : i32
    %dma_wait3A_143 = arith.constant 0 : i32
    %dma_wait3A_144 = arith.constant 0 : i32
    %dma_wait3A_145 = tpu.memref_slice %arg8[%dma_wait3A_140, %dma_wait3A_143, %dma_wait3A_144] : memref<3x128x64xf32, #tpu.memory_space<vmem>> -> memref<1x128x64xf32, #tpu.memory_space<vmem>>
    %dma_wait3A_146 = tpu.memref_squeeze %dma_wait3A_145 : memref<1x128x64xf32, #tpu.memory_space<vmem>> -> memref<128x64xf32, #tpu.memory_space<vmem>>
    %dma_wait3A_147 = arith.constant 0 : i32
    %dma_wait3A_148 = tpu.memref_slice %arg7[%dma_wait3A_141, %dma_wait3A_142, %dma_wait3A_147] : memref<2x80x128xi32, #tpu.memory_space<vmem>> -> memref<1x1x128xi32, #tpu.memory_space<vmem>>
    %dma_wait3A_149 = tpu.memref_squeeze %dma_wait3A_148 : memref<1x1x128xi32, #tpu.memory_space<vmem>> -> memref<128xi32, #tpu.memory_space<vmem>>
    %dma_wait3A_150 = arith.constant 0 : i32
    %dma_wait3A_151 = arith.constant 0 : i32
    %dma_wait3A_152 = tpu.memref_slice %arg10[%dma_wait3A_150, %dma_wait3A_151] : memref<10240x64xf32, #tpu.memory_space<vmem_shared>> -> memref<10240x64xf32, #tpu.memory_space<vmem_shared>>
    tpu.wait_indirect_dma semaphore(%arg12 : memref<!tpu.dma_semaphore, #tpu.memory_space<semaphore_mem>>) src(%dma_wait3A_146 : memref<128x64xf32, #tpu.memory_space<vmem>>) dst(%dma_wait3A_152 : memref<10240x64xf32, #tpu.memory_space<vmem_shared>>)
    %dma_wait3A_153 = arith.constant 1 : i32
    %dma_wait3A_154 = arith.constant 1 : i32
    %dma_wait3A_155 = arith.constant 79 : i32
    %dma_wait3A_156 = arith.constant 0 : i32
    %dma_wait3A_157 = arith.constant 0 : i32
    %dma_wait3A_158 = tpu.memref_slice %arg8[%dma_wait3A_153, %dma_wait3A_156, %dma_wait3A_157] : memref<3x128x64xf32, #tpu.memory_space<vmem>> -> memref<1x128x64xf32, #tpu.memory_space<vmem>>
    %dma_wait3A_159 = tpu.memref_squeeze %dma_wait3A_158 : memref<1x128x64xf32, #tpu.memory_space<vmem>> -> memref<128x64xf32, #tpu.memory_space<vmem>>
    %dma_wait3A_160 = arith.constant 0 : i32
    %dma_wait3A_161 = tpu.memref_slice %arg7[%dma_wait3A_154, %dma_wait3A_155, %dma_wait3A_160] : memref<2x80x128xi32, #tpu.memory_space<vmem>> -> memref<1x1x128xi32, #tpu.memory_space<vmem>>
    %dma_wait3A_162 = tpu.memref_squeeze %dma_wait3A_161 : memref<1x1x128xi32, #tpu.memory_space<vmem>> -> memref<128xi32, #tpu.memory_space<vmem>>
    %dma_wait3A_163 = arith.constant 0 : i32
    %dma_wait3A_164 = arith.constant 0 : i32
    %dma_wait3A_165 = tpu.memref_slice %arg10[%dma_wait3A_163, %dma_wait3A_164] : memref<10240x64xf32, #tpu.memory_space<vmem_shared>> -> memref<10240x64xf32, #tpu.memory_space<vmem_shared>>
    tpu.wait_indirect_dma semaphore(%arg12 : memref<!tpu.dma_semaphore, #tpu.memory_space<semaphore_mem>>) src(%dma_wait3A_159 : memref<128x64xf32, #tpu.memory_space<vmem>>) dst(%dma_wait3A_165 : memref<10240x64xf32, #tpu.memory_space<vmem_shared>>)
    %barrier3A_166 = arith.constant 0 : index
    tpu.barrier barrier_id(%barrier3A_166)
    %mul3A_167 = arith.constant 640 : i32
    %mul3A_168 = arith.muli %arg1, %mul3A_167 : i32
    %mul3A_169 = arith.constant 640 : i32
    %mul3A_170 = arith.muli %arg1, %mul3A_169 : i32
    %run_scoped3A = arith.constant 0 : i32
    "tpu.region"() ({
      %run_scoped3A_348 = tpu.sem_alloc : memref<!tpu.dma_semaphore, #tpu.memory_space<semaphore_mem>>
      %dma_start3A_349 = arith.constant 0 : i32
      %dma_start3A_350 = tpu.memref_slice %arg6[%arg0, %run_scoped3A, %mul3A_170, %dma_start3A_349] : memref<2x2x10240x64xf32, #tpu.memory_space<hbm>> -> memref<1x1x640x64xf32, #tpu.memory_space<hbm>>
      %dma_start3A_351 = tpu.memref_squeeze %dma_start3A_350 : memref<1x1x640x64xf32, #tpu.memory_space<hbm>> -> memref<640x64xf32, #tpu.memory_space<hbm>>
      %dma_start3A_352 = arith.constant 0 : i32
      %dma_start3A_353 = tpu.memref_slice %arg10[%mul3A_168, %dma_start3A_352] : memref<10240x64xf32, #tpu.memory_space<vmem_shared>> -> memref<640x64xf32, #tpu.memory_space<vmem_shared>>
      tpu.enqueue_dma source(%dma_start3A_353 : memref<640x64xf32, #tpu.memory_space<vmem_shared>>) target(%dma_start3A_351 : memref<640x64xf32, #tpu.memory_space<hbm>>) target_semaphore(%run_scoped3A_348 : memref<!tpu.dma_semaphore, #tpu.memory_space<semaphore_mem>>)
      %dma_wait3A_354 = arith.constant 0 : i32
      %dma_wait3A_355 = tpu.memref_slice %arg6[%arg0, %run_scoped3A, %mul3A_170, %dma_wait3A_354] : memref<2x2x10240x64xf32, #tpu.memory_space<hbm>> -> memref<1x1x640x64xf32, #tpu.memory_space<hbm>>
      %dma_wait3A_356 = tpu.memref_squeeze %dma_wait3A_355 : memref<1x1x640x64xf32, #tpu.memory_space<hbm>> -> memref<640x64xf32, #tpu.memory_space<hbm>>
      %dma_wait3A_357 = arith.constant 0 : i32
      %dma_wait3A_358 = tpu.memref_slice %arg10[%mul3A_168, %dma_wait3A_357] : memref<10240x64xf32, #tpu.memory_space<vmem_shared>> -> memref<640x64xf32, #tpu.memory_space<vmem_shared>>
      tpu.wait_dma2 semaphore(%run_scoped3A_348 : memref<!tpu.dma_semaphore, #tpu.memory_space<semaphore_mem>>) src(%dma_wait3A_358 : memref<640x64xf32, #tpu.memory_space<vmem_shared>>) dst(%dma_wait3A_356 : memref<640x64xf32, #tpu.memory_space<hbm>>)
      tpu.yield
    }) : () -> ()
    %barrier3A_171 = arith.constant 0 : index
    tpu.barrier barrier_id(%barrier3A_171)
    %mul3A_172 = arith.constant 640 : i32
    %mul3A_173 = arith.muli %arg1, %mul3A_172 : i32
    %mul3A_174 = arith.constant 640 : i32
    %mul3A_175 = arith.muli %arg1, %mul3A_174 : i32
    "tpu.region"() ({
      %run_scoped3A_348 = tpu.sem_alloc : memref<!tpu.dma_semaphore, #tpu.memory_space<semaphore_mem>>
      %dma_start3A_349 = arith.constant 0 : i32
      %dma_start3A_350 = tpu.memref_slice %arg9[%mul3A_175, %dma_start3A_349] : memref<10240x64xf32, #tpu.memory_space<vmem_shared>> -> memref<640x64xf32, #tpu.memory_space<vmem_shared>>
      %dma_start3A_351 = arith.constant 0 : i32
      %dma_start3A_352 = tpu.memref_slice %arg3[%mul3A_173, %dma_start3A_351] : memref<10240x64xf32, #tpu.memory_space<hbm>> -> memref<640x64xf32, #tpu.memory_space<hbm>>
      tpu.enqueue_dma source(%dma_start3A_352 : memref<640x64xf32, #tpu.memory_space<hbm>>) target(%dma_start3A_350 : memref<640x64xf32, #tpu.memory_space<vmem_shared>>) target_semaphore(%run_scoped3A_348 : memref<!tpu.dma_semaphore, #tpu.memory_space<semaphore_mem>>)
      %dma_wait3A_353 = arith.constant 0 : i32
      %dma_wait3A_354 = tpu.memref_slice %arg9[%mul3A_175, %dma_wait3A_353] : memref<10240x64xf32, #tpu.memory_space<vmem_shared>> -> memref<640x64xf32, #tpu.memory_space<vmem_shared>>
      %dma_wait3A_355 = arith.constant 0 : i32
      %dma_wait3A_356 = tpu.memref_slice %arg3[%mul3A_173, %dma_wait3A_355] : memref<10240x64xf32, #tpu.memory_space<hbm>> -> memref<640x64xf32, #tpu.memory_space<hbm>>
      tpu.wait_dma2 semaphore(%run_scoped3A_348 : memref<!tpu.dma_semaphore, #tpu.memory_space<semaphore_mem>>) src(%dma_wait3A_356 : memref<640x64xf32, #tpu.memory_space<hbm>>) dst(%dma_wait3A_354 : memref<640x64xf32, #tpu.memory_space<vmem_shared>>)
      tpu.yield
    }) : () -> ()
    %mul3A_176 = arith.constant 640 : i32
    %mul3A_177 = arith.muli %arg1, %mul3A_176 : i32
    "tpu.region"() ({
      %run_scoped3A_348 = tpu.sem_alloc : memref<!tpu.dma_semaphore, #tpu.memory_space<semaphore_mem>>
      %dma_start3A_349 = arith.constant 0 : i32
      %dma_start3A_350 = tpu.memref_slice %arg10[%mul3A_177, %dma_start3A_349] : memref<10240x64xf32, #tpu.memory_space<vmem_shared>> -> memref<640x64xf32, #tpu.memory_space<vmem_shared>>
      tpu.enqueue_dma source(%arg5 : memref<640x64xf32, #tpu.memory_space<hbm>>) target(%dma_start3A_350 : memref<640x64xf32, #tpu.memory_space<vmem_shared>>) target_semaphore(%run_scoped3A_348 : memref<!tpu.dma_semaphore, #tpu.memory_space<semaphore_mem>>)
      %dma_wait3A_351 = arith.constant 0 : i32
      %dma_wait3A_352 = tpu.memref_slice %arg10[%mul3A_177, %dma_wait3A_351] : memref<10240x64xf32, #tpu.memory_space<vmem_shared>> -> memref<640x64xf32, #tpu.memory_space<vmem_shared>>
      tpu.wait_dma2 semaphore(%run_scoped3A_348 : memref<!tpu.dma_semaphore, #tpu.memory_space<semaphore_mem>>) src(%arg5 : memref<640x64xf32, #tpu.memory_space<hbm>>) dst(%dma_wait3A_352 : memref<640x64xf32, #tpu.memory_space<vmem_shared>>)
      tpu.yield
    }) : () -> ()
    %barrier3A_178 = arith.constant 0 : index
    tpu.barrier barrier_id(%barrier3A_178)
    "tpu.region"() ({
      %run_scoped3A_348 = tpu.sem_alloc : memref<!tpu.dma_semaphore, #tpu.memory_space<semaphore_mem>>
      %dma_start3A_349 = arith.constant 0 : i32
      %dma_start3A_350 = arith.constant 0 : i32
      %dma_start3A_351 = arith.constant 0 : i32
      %dma_start3A_352 = tpu.memref_slice %arg4[%add3A, %dma_start3A_349, %dma_start3A_350, %dma_start3A_351] : memref<32x2x80x128xi32, #tpu.memory_space<hbm>> -> memref<1x2x80x128xi32, #tpu.memory_space<hbm>>
      %dma_start3A_353 = tpu.memref_squeeze %dma_start3A_352 : memref<1x2x80x128xi32, #tpu.memory_space<hbm>> -> memref<2x80x128xi32, #tpu.memory_space<hbm>>
      %dma_start3A_354 = arith.constant 0 : i32
      %dma_start3A_355 = arith.constant 0 : i32
      %dma_start3A_356 = arith.constant 0 : i32
      %dma_start3A_357 = tpu.memref_slice %arg4[%add3A, %dma_start3A_354, %dma_start3A_355, %dma_start3A_356] : memref<32x2x80x128xi32, #tpu.memory_space<hbm>> -> memref<1x2x80x128xi32, #tpu.memory_space<hbm>>
      %dma_start3A_358 = tpu.memref_squeeze %dma_start3A_357 : memref<1x2x80x128xi32, #tpu.memory_space<hbm>> -> memref<2x80x128xi32, #tpu.memory_space<hbm>>
      tpu.enqueue_dma source(%dma_start3A_358 : memref<2x80x128xi32, #tpu.memory_space<hbm>>) target(%arg7 : memref<2x80x128xi32, #tpu.memory_space<vmem>>) target_semaphore(%run_scoped3A_348 : memref<!tpu.dma_semaphore, #tpu.memory_space<semaphore_mem>>)
      %dma_wait3A_359 = arith.constant 0 : i32
      %dma_wait3A_360 = arith.constant 0 : i32
      %dma_wait3A_361 = arith.constant 0 : i32
      %dma_wait3A_362 = tpu.memref_slice %arg4[%add3A, %dma_wait3A_359, %dma_wait3A_360, %dma_wait3A_361] : memref<32x2x80x128xi32, #tpu.memory_space<hbm>> -> memref<1x2x80x128xi32, #tpu.memory_space<hbm>>
      %dma_wait3A_363 = tpu.memref_squeeze %dma_wait3A_362 : memref<1x2x80x128xi32, #tpu.memory_space<hbm>> -> memref<2x80x128xi32, #tpu.memory_space<hbm>>
      %dma_wait3A_364 = arith.constant 0 : i32
      %dma_wait3A_365 = arith.constant 0 : i32
      %dma_wait3A_366 = arith.constant 0 : i32
      %dma_wait3A_367 = tpu.memref_slice %arg4[%add3A, %dma_wait3A_364, %dma_wait3A_365, %dma_wait3A_366] : memref<32x2x80x128xi32, #tpu.memory_space<hbm>> -> memref<1x2x80x128xi32, #tpu.memory_space<hbm>>
      %dma_wait3A_368 = tpu.memref_squeeze %dma_wait3A_367 : memref<1x2x80x128xi32, #tpu.memory_space<hbm>> -> memref<2x80x128xi32, #tpu.memory_space<hbm>>
      tpu.wait_dma2 semaphore(%run_scoped3A_348 : memref<!tpu.dma_semaphore, #tpu.memory_space<semaphore_mem>>) src(%dma_wait3A_368 : memref<2x80x128xi32, #tpu.memory_space<hbm>>) dst(%arg7 : memref<2x80x128xi32, #tpu.memory_space<vmem>>)
      tpu.yield
    }) : () -> ()
    %dma_start3A_179 = arith.constant 0 : i32
    %dma_start3A_180 = arith.constant 0 : i32
    %dma_start3A_181 = arith.constant 0 : i32
    %dma_start3A_182 = arith.constant 0 : i32
    %dma_start3A_183 = arith.constant 0 : i32
    %dma_start3A_184 = tpu.memref_slice %arg8[%dma_start3A_181, %dma_start3A_182, %dma_start3A_183] : memref<3x128x64xf32, #tpu.memory_space<vmem>> -> memref<1x128x64xf32, #tpu.memory_space<vmem>>
    %dma_start3A_185 = tpu.memref_squeeze %dma_start3A_184 : memref<1x128x64xf32, #tpu.memory_space<vmem>> -> memref<128x64xf32, #tpu.memory_space<vmem>>
    %dma_start3A_186 = arith.constant 0 : i32
    %dma_start3A_187 = tpu.memref_slice %arg7[%dma_start3A_179, %dma_start3A_180, %dma_start3A_186] : memref<2x80x128xi32, #tpu.memory_space<vmem>> -> memref<1x1x128xi32, #tpu.memory_space<vmem>>
    %dma_start3A_188 = tpu.memref_squeeze %dma_start3A_187 : memref<1x1x128xi32, #tpu.memory_space<vmem>> -> memref<128xi32, #tpu.memory_space<vmem>>
    %dma_start3A_189 = arith.constant 0 : i32
    %dma_start3A_190 = arith.constant 0 : i32
    %dma_start3A_191 = tpu.memref_slice %arg9[%dma_start3A_189, %dma_start3A_190] : memref<10240x64xf32, #tpu.memory_space<vmem_shared>> -> memref<10240x64xf32, #tpu.memory_space<vmem_shared>>
    tpu.enqueue_indirect_dma source(%dma_start3A_191 : memref<10240x64xf32, #tpu.memory_space<vmem_shared>>) target(%dma_start3A_185 : memref<128x64xf32, #tpu.memory_space<vmem>>) offsets(%dma_start3A_188 : memref<128xi32, #tpu.memory_space<vmem>>) semaphore(%arg11 : memref<!tpu.dma_semaphore, #tpu.memory_space<semaphore_mem>>)
    %dma_start3A_192 = arith.constant 0 : i32
    %dma_start3A_193 = arith.constant 1 : i32
    %dma_start3A_194 = arith.constant 1 : i32
    %dma_start3A_195 = arith.constant 0 : i32
    %dma_start3A_196 = arith.constant 0 : i32
    %dma_start3A_197 = tpu.memref_slice %arg8[%dma_start3A_194, %dma_start3A_195, %dma_start3A_196] : memref<3x128x64xf32, #tpu.memory_space<vmem>> -> memref<1x128x64xf32, #tpu.memory_space<vmem>>
    %dma_start3A_198 = tpu.memref_squeeze %dma_start3A_197 : memref<1x128x64xf32, #tpu.memory_space<vmem>> -> memref<128x64xf32, #tpu.memory_space<vmem>>
    %dma_start3A_199 = arith.constant 0 : i32
    %dma_start3A_200 = tpu.memref_slice %arg7[%dma_start3A_192, %dma_start3A_193, %dma_start3A_199] : memref<2x80x128xi32, #tpu.memory_space<vmem>> -> memref<1x1x128xi32, #tpu.memory_space<vmem>>
    %dma_start3A_201 = tpu.memref_squeeze %dma_start3A_200 : memref<1x1x128xi32, #tpu.memory_space<vmem>> -> memref<128xi32, #tpu.memory_space<vmem>>
    %dma_start3A_202 = arith.constant 0 : i32
    %dma_start3A_203 = arith.constant 0 : i32
    %dma_start3A_204 = tpu.memref_slice %arg9[%dma_start3A_202, %dma_start3A_203] : memref<10240x64xf32, #tpu.memory_space<vmem_shared>> -> memref<10240x64xf32, #tpu.memory_space<vmem_shared>>
    tpu.enqueue_indirect_dma source(%dma_start3A_204 : memref<10240x64xf32, #tpu.memory_space<vmem_shared>>) target(%dma_start3A_198 : memref<128x64xf32, #tpu.memory_space<vmem>>) offsets(%dma_start3A_201 : memref<128xi32, #tpu.memory_space<vmem>>) semaphore(%arg11 : memref<!tpu.dma_semaphore, #tpu.memory_space<semaphore_mem>>)
    %dma_wait3A_205 = arith.constant 0 : i32
    %dma_wait3A_206 = arith.constant 0 : i32
    %dma_wait3A_207 = arith.constant 0 : i32
    %dma_wait3A_208 = arith.constant 0 : i32
    %dma_wait3A_209 = arith.constant 0 : i32
    %dma_wait3A_210 = tpu.memref_slice %arg8[%dma_wait3A_207, %dma_wait3A_208, %dma_wait3A_209] : memref<3x128x64xf32, #tpu.memory_space<vmem>> -> memref<1x128x64xf32, #tpu.memory_space<vmem>>
    %dma_wait3A_211 = tpu.memref_squeeze %dma_wait3A_210 : memref<1x128x64xf32, #tpu.memory_space<vmem>> -> memref<128x64xf32, #tpu.memory_space<vmem>>
    %dma_wait3A_212 = arith.constant 0 : i32
    %dma_wait3A_213 = tpu.memref_slice %arg7[%dma_wait3A_205, %dma_wait3A_206, %dma_wait3A_212] : memref<2x80x128xi32, #tpu.memory_space<vmem>> -> memref<1x1x128xi32, #tpu.memory_space<vmem>>
    %dma_wait3A_214 = tpu.memref_squeeze %dma_wait3A_213 : memref<1x1x128xi32, #tpu.memory_space<vmem>> -> memref<128xi32, #tpu.memory_space<vmem>>
    %dma_wait3A_215 = arith.constant 0 : i32
    %dma_wait3A_216 = arith.constant 0 : i32
    %dma_wait3A_217 = tpu.memref_slice %arg9[%dma_wait3A_215, %dma_wait3A_216] : memref<10240x64xf32, #tpu.memory_space<vmem_shared>> -> memref<10240x64xf32, #tpu.memory_space<vmem_shared>>
    tpu.wait_indirect_dma semaphore(%arg11 : memref<!tpu.dma_semaphore, #tpu.memory_space<semaphore_mem>>) src(%dma_wait3A_217 : memref<10240x64xf32, #tpu.memory_space<vmem_shared>>) dst(%dma_wait3A_211 : memref<128x64xf32, #tpu.memory_space<vmem>>)
    %dma_start3A_218 = arith.constant 0 : i32
    %dma_start3A_219 = arith.constant 1 : i32
    %dma_start3A_220 = arith.constant 0 : i32
    %dma_start3A_221 = arith.constant 0 : i32
    %dma_start3A_222 = arith.constant 0 : i32
    %dma_start3A_223 = tpu.memref_slice %arg8[%dma_start3A_218, %dma_start3A_221, %dma_start3A_222] : memref<3x128x64xf32, #tpu.memory_space<vmem>> -> memref<1x128x64xf32, #tpu.memory_space<vmem>>
    %dma_start3A_224 = tpu.memref_squeeze %dma_start3A_223 : memref<1x128x64xf32, #tpu.memory_space<vmem>> -> memref<128x64xf32, #tpu.memory_space<vmem>>
    %dma_start3A_225 = arith.constant 0 : i32
    %dma_start3A_226 = tpu.memref_slice %arg7[%dma_start3A_219, %dma_start3A_220, %dma_start3A_225] : memref<2x80x128xi32, #tpu.memory_space<vmem>> -> memref<1x1x128xi32, #tpu.memory_space<vmem>>
    %dma_start3A_227 = tpu.memref_squeeze %dma_start3A_226 : memref<1x1x128xi32, #tpu.memory_space<vmem>> -> memref<128xi32, #tpu.memory_space<vmem>>
    %dma_start3A_228 = arith.constant 0 : i32
    %dma_start3A_229 = arith.constant 0 : i32
    %dma_start3A_230 = tpu.memref_slice %arg10[%dma_start3A_228, %dma_start3A_229] : memref<10240x64xf32, #tpu.memory_space<vmem_shared>> -> memref<10240x64xf32, #tpu.memory_space<vmem_shared>>
    tpu.enqueue_indirect_dma source(%dma_start3A_224 : memref<128x64xf32, #tpu.memory_space<vmem>>) target(%dma_start3A_230 : memref<10240x64xf32, #tpu.memory_space<vmem_shared>>) offsets(%dma_start3A_227 : memref<128xi32, #tpu.memory_space<vmem>>) semaphore(%arg12 : memref<!tpu.dma_semaphore, #tpu.memory_space<semaphore_mem>>) {add = true}
    %dma_start3A_231 = arith.constant 0 : i32
    %dma_start3A_232 = arith.constant 2 : i32
    %dma_start3A_233 = arith.constant 2 : i32
    %dma_start3A_234 = arith.constant 0 : i32
    %dma_start3A_235 = arith.constant 0 : i32
    %dma_start3A_236 = tpu.memref_slice %arg8[%dma_start3A_233, %dma_start3A_234, %dma_start3A_235] : memref<3x128x64xf32, #tpu.memory_space<vmem>> -> memref<1x128x64xf32, #tpu.memory_space<vmem>>
    %dma_start3A_237 = tpu.memref_squeeze %dma_start3A_236 : memref<1x128x64xf32, #tpu.memory_space<vmem>> -> memref<128x64xf32, #tpu.memory_space<vmem>>
    %dma_start3A_238 = arith.constant 0 : i32
    %dma_start3A_239 = tpu.memref_slice %arg7[%dma_start3A_231, %dma_start3A_232, %dma_start3A_238] : memref<2x80x128xi32, #tpu.memory_space<vmem>> -> memref<1x1x128xi32, #tpu.memory_space<vmem>>
    %dma_start3A_240 = tpu.memref_squeeze %dma_start3A_239 : memref<1x1x128xi32, #tpu.memory_space<vmem>> -> memref<128xi32, #tpu.memory_space<vmem>>
    %dma_start3A_241 = arith.constant 0 : i32
    %dma_start3A_242 = arith.constant 0 : i32
    %dma_start3A_243 = tpu.memref_slice %arg9[%dma_start3A_241, %dma_start3A_242] : memref<10240x64xf32, #tpu.memory_space<vmem_shared>> -> memref<10240x64xf32, #tpu.memory_space<vmem_shared>>
    tpu.enqueue_indirect_dma source(%dma_start3A_243 : memref<10240x64xf32, #tpu.memory_space<vmem_shared>>) target(%dma_start3A_237 : memref<128x64xf32, #tpu.memory_space<vmem>>) offsets(%dma_start3A_240 : memref<128xi32, #tpu.memory_space<vmem>>) semaphore(%arg11 : memref<!tpu.dma_semaphore, #tpu.memory_space<semaphore_mem>>)
    %scan3A_244 = arith.constant 0 : i32
    %scan3A_245 = arith.constant 1 : i32
    %scan3A_246 = arith.constant 77 : i32
    %scan3A_247 = arith.addi %scan3A_245, %scan3A_246 : i32
    %scan3A_248 = arith.constant 1 : i32
    scf.for %scan3A_348 = %scan3A_245 to %scan3A_247 step %scan3A_248  : i32 {
      %rem3A = arith.constant 3 : i32
      %rem3A_349 = arith.remsi %scan3A_348, %rem3A : i32
      %add3A_350 = arith.constant 3 : i32
      %add3A_351 = arith.addi %scan3A_348, %add3A_350 : i32
      %sub3A = arith.constant 1 : i32
      %sub3A_352 = arith.subi %add3A_351, %sub3A : i32
      %rem3A_353 = arith.constant 3 : i32
      %rem3A_354 = arith.remsi %sub3A_352, %rem3A_353 : i32
      %dma_wait3A_355 = arith.constant 0 : i32
      %dma_wait3A_356 = arith.constant 0 : i32
      %dma_wait3A_357 = arith.constant 0 : i32
      %dma_wait3A_358 = tpu.memref_slice %arg8[%rem3A_349, %dma_wait3A_356, %dma_wait3A_357] : memref<3x128x64xf32, #tpu.memory_space<vmem>> -> memref<1x128x64xf32, #tpu.memory_space<vmem>>
      %dma_wait3A_359 = tpu.memref_squeeze %dma_wait3A_358 : memref<1x128x64xf32, #tpu.memory_space<vmem>> -> memref<128x64xf32, #tpu.memory_space<vmem>>
      %dma_wait3A_360 = arith.constant 0 : i32
      %dma_wait3A_361 = tpu.memref_slice %arg7[%dma_wait3A_355, %scan3A_348, %dma_wait3A_360] : memref<2x80x128xi32, #tpu.memory_space<vmem>> -> memref<1x1x128xi32, #tpu.memory_space<vmem>>
      %dma_wait3A_362 = tpu.memref_squeeze %dma_wait3A_361 : memref<1x1x128xi32, #tpu.memory_space<vmem>> -> memref<128xi32, #tpu.memory_space<vmem>>
      %dma_wait3A_363 = arith.constant 0 : i32
      %dma_wait3A_364 = arith.constant 0 : i32
      %dma_wait3A_365 = tpu.memref_slice %arg9[%dma_wait3A_363, %dma_wait3A_364] : memref<10240x64xf32, #tpu.memory_space<vmem_shared>> -> memref<10240x64xf32, #tpu.memory_space<vmem_shared>>
      tpu.wait_indirect_dma semaphore(%arg11 : memref<!tpu.dma_semaphore, #tpu.memory_space<semaphore_mem>>) src(%dma_wait3A_365 : memref<10240x64xf32, #tpu.memory_space<vmem_shared>>) dst(%dma_wait3A_359 : memref<128x64xf32, #tpu.memory_space<vmem>>)
      %dma_start3A_366 = arith.constant 1 : i32
      %dma_start3A_367 = arith.constant 0 : i32
      %dma_start3A_368 = arith.constant 0 : i32
      %dma_start3A_369 = tpu.memref_slice %arg8[%rem3A_349, %dma_start3A_367, %dma_start3A_368] : memref<3x128x64xf32, #tpu.memory_space<vmem>> -> memref<1x128x64xf32, #tpu.memory_space<vmem>>
      %dma_start3A_370 = tpu.memref_squeeze %dma_start3A_369 : memref<1x128x64xf32, #tpu.memory_space<vmem>> -> memref<128x64xf32, #tpu.memory_space<vmem>>
      %dma_start3A_371 = arith.constant 0 : i32
      %dma_start3A_372 = tpu.memref_slice %arg7[%dma_start3A_366, %scan3A_348, %dma_start3A_371] : memref<2x80x128xi32, #tpu.memory_space<vmem>> -> memref<1x1x128xi32, #tpu.memory_space<vmem>>
      %dma_start3A_373 = tpu.memref_squeeze %dma_start3A_372 : memref<1x1x128xi32, #tpu.memory_space<vmem>> -> memref<128xi32, #tpu.memory_space<vmem>>
      %dma_start3A_374 = arith.constant 0 : i32
      %dma_start3A_375 = arith.constant 0 : i32
      %dma_start3A_376 = tpu.memref_slice %arg10[%dma_start3A_374, %dma_start3A_375] : memref<10240x64xf32, #tpu.memory_space<vmem_shared>> -> memref<10240x64xf32, #tpu.memory_space<vmem_shared>>
      tpu.enqueue_indirect_dma source(%dma_start3A_370 : memref<128x64xf32, #tpu.memory_space<vmem>>) target(%dma_start3A_376 : memref<10240x64xf32, #tpu.memory_space<vmem_shared>>) offsets(%dma_start3A_373 : memref<128xi32, #tpu.memory_space<vmem>>) semaphore(%arg12 : memref<!tpu.dma_semaphore, #tpu.memory_space<semaphore_mem>>) {add = true}
      %sub3A_377 = arith.constant 1 : i32
      %sub3A_378 = arith.subi %scan3A_348, %sub3A_377 : i32
      %dma_wait3A_379 = arith.constant 1 : i32
      %dma_wait3A_380 = arith.constant 0 : i32
      %dma_wait3A_381 = arith.constant 0 : i32
      %dma_wait3A_382 = tpu.memref_slice %arg8[%rem3A_354, %dma_wait3A_380, %dma_wait3A_381] : memref<3x128x64xf32, #tpu.memory_space<vmem>> -> memref<1x128x64xf32, #tpu.memory_space<vmem>>
      %dma_wait3A_383 = tpu.memref_squeeze %dma_wait3A_382 : memref<1x128x64xf32, #tpu.memory_space<vmem>> -> memref<128x64xf32, #tpu.memory_space<vmem>>
      %dma_wait3A_384 = arith.constant 0 : i32
      %dma_wait3A_385 = tpu.memref_slice %arg7[%dma_wait3A_379, %sub3A_378, %dma_wait3A_384] : memref<2x80x128xi32, #tpu.memory_space<vmem>> -> memref<1x1x128xi32, #tpu.memory_space<vmem>>
      %dma_wait3A_386 = tpu.memref_squeeze %dma_wait3A_385 : memref<1x1x128xi32, #tpu.memory_space<vmem>> -> memref<128xi32, #tpu.memory_space<vmem>>
      %dma_wait3A_387 = arith.constant 0 : i32
      %dma_wait3A_388 = arith.constant 0 : i32
      %dma_wait3A_389 = tpu.memref_slice %arg10[%dma_wait3A_387, %dma_wait3A_388] : memref<10240x64xf32, #tpu.memory_space<vmem_shared>> -> memref<10240x64xf32, #tpu.memory_space<vmem_shared>>
      tpu.wait_indirect_dma semaphore(%arg12 : memref<!tpu.dma_semaphore, #tpu.memory_space<semaphore_mem>>) src(%dma_wait3A_383 : memref<128x64xf32, #tpu.memory_space<vmem>>) dst(%dma_wait3A_389 : memref<10240x64xf32, #tpu.memory_space<vmem_shared>>)
      %add3A_390 = arith.constant 3 : i32
      %add3A_391 = arith.addi %scan3A_348, %add3A_390 : i32
      %sub3A_392 = arith.constant 1 : i32
      %sub3A_393 = arith.subi %add3A_391, %sub3A_392 : i32
      %dma_start3A_394 = arith.constant 0 : i32
      %dma_start3A_395 = arith.constant 0 : i32
      %dma_start3A_396 = arith.constant 0 : i32
      %dma_start3A_397 = tpu.memref_slice %arg8[%rem3A_354, %dma_start3A_395, %dma_start3A_396] : memref<3x128x64xf32, #tpu.memory_space<vmem>> -> memref<1x128x64xf32, #tpu.memory_space<vmem>>
      %dma_start3A_398 = tpu.memref_squeeze %dma_start3A_397 : memref<1x128x64xf32, #tpu.memory_space<vmem>> -> memref<128x64xf32, #tpu.memory_space<vmem>>
      %dma_start3A_399 = arith.constant 0 : i32
      %dma_start3A_400 = tpu.memref_slice %arg7[%dma_start3A_394, %sub3A_393, %dma_start3A_399] : memref<2x80x128xi32, #tpu.memory_space<vmem>> -> memref<1x1x128xi32, #tpu.memory_space<vmem>>
      %dma_start3A_401 = tpu.memref_squeeze %dma_start3A_400 : memref<1x1x128xi32, #tpu.memory_space<vmem>> -> memref<128xi32, #tpu.memory_space<vmem>>
      %dma_start3A_402 = arith.constant 0 : i32
      %dma_start3A_403 = arith.constant 0 : i32
      %dma_start3A_404 = tpu.memref_slice %arg9[%dma_start3A_402, %dma_start3A_403] : memref<10240x64xf32, #tpu.memory_space<vmem_shared>> -> memref<10240x64xf32, #tpu.memory_space<vmem_shared>>
      tpu.enqueue_indirect_dma source(%dma_start3A_404 : memref<10240x64xf32, #tpu.memory_space<vmem_shared>>) target(%dma_start3A_398 : memref<128x64xf32, #tpu.memory_space<vmem>>) offsets(%dma_start3A_401 : memref<128xi32, #tpu.memory_space<vmem>>) semaphore(%arg11 : memref<!tpu.dma_semaphore, #tpu.memory_space<semaphore_mem>>)
    }
    %scan3A_249 = arith.constant 77 : i32
    %dma_wait3A_250 = arith.constant 0 : i32
    %dma_wait3A_251 = arith.constant 78 : i32
    %dma_wait3A_252 = arith.constant 0 : i32
    %dma_wait3A_253 = arith.constant 0 : i32
    %dma_wait3A_254 = arith.constant 0 : i32
    %dma_wait3A_255 = tpu.memref_slice %arg8[%dma_wait3A_252, %dma_wait3A_253, %dma_wait3A_254] : memref<3x128x64xf32, #tpu.memory_space<vmem>> -> memref<1x128x64xf32, #tpu.memory_space<vmem>>
    %dma_wait3A_256 = tpu.memref_squeeze %dma_wait3A_255 : memref<1x128x64xf32, #tpu.memory_space<vmem>> -> memref<128x64xf32, #tpu.memory_space<vmem>>
    %dma_wait3A_257 = arith.constant 0 : i32
    %dma_wait3A_258 = tpu.memref_slice %arg7[%dma_wait3A_250, %dma_wait3A_251, %dma_wait3A_257] : memref<2x80x128xi32, #tpu.memory_space<vmem>> -> memref<1x1x128xi32, #tpu.memory_space<vmem>>
    %dma_wait3A_259 = tpu.memref_squeeze %dma_wait3A_258 : memref<1x1x128xi32, #tpu.memory_space<vmem>> -> memref<128xi32, #tpu.memory_space<vmem>>
    %dma_wait3A_260 = arith.constant 0 : i32
    %dma_wait3A_261 = arith.constant 0 : i32
    %dma_wait3A_262 = tpu.memref_slice %arg9[%dma_wait3A_260, %dma_wait3A_261] : memref<10240x64xf32, #tpu.memory_space<vmem_shared>> -> memref<10240x64xf32, #tpu.memory_space<vmem_shared>>
    tpu.wait_indirect_dma semaphore(%arg11 : memref<!tpu.dma_semaphore, #tpu.memory_space<semaphore_mem>>) src(%dma_wait3A_262 : memref<10240x64xf32, #tpu.memory_space<vmem_shared>>) dst(%dma_wait3A_256 : memref<128x64xf32, #tpu.memory_space<vmem>>)
    %dma_start3A_263 = arith.constant 0 : i32
    %dma_start3A_264 = arith.constant 1 : i32
    %dma_start3A_265 = arith.constant 78 : i32
    %dma_start3A_266 = arith.constant 0 : i32
    %dma_start3A_267 = arith.constant 0 : i32
    %dma_start3A_268 = tpu.memref_slice %arg8[%dma_start3A_263, %dma_start3A_266, %dma_start3A_267] : memref<3x128x64xf32, #tpu.memory_space<vmem>> -> memref<1x128x64xf32, #tpu.memory_space<vmem>>
    %dma_start3A_269 = tpu.memref_squeeze %dma_start3A_268 : memref<1x128x64xf32, #tpu.memory_space<vmem>> -> memref<128x64xf32, #tpu.memory_space<vmem>>
    %dma_start3A_270 = arith.constant 0 : i32
    %dma_start3A_271 = tpu.memref_slice %arg7[%dma_start3A_264, %dma_start3A_265, %dma_start3A_270] : memref<2x80x128xi32, #tpu.memory_space<vmem>> -> memref<1x1x128xi32, #tpu.memory_space<vmem>>
    %dma_start3A_272 = tpu.memref_squeeze %dma_start3A_271 : memref<1x1x128xi32, #tpu.memory_space<vmem>> -> memref<128xi32, #tpu.memory_space<vmem>>
    %dma_start3A_273 = arith.constant 0 : i32
    %dma_start3A_274 = arith.constant 0 : i32
    %dma_start3A_275 = tpu.memref_slice %arg10[%dma_start3A_273, %dma_start3A_274] : memref<10240x64xf32, #tpu.memory_space<vmem_shared>> -> memref<10240x64xf32, #tpu.memory_space<vmem_shared>>
    tpu.enqueue_indirect_dma source(%dma_start3A_269 : memref<128x64xf32, #tpu.memory_space<vmem>>) target(%dma_start3A_275 : memref<10240x64xf32, #tpu.memory_space<vmem_shared>>) offsets(%dma_start3A_272 : memref<128xi32, #tpu.memory_space<vmem>>) semaphore(%arg12 : memref<!tpu.dma_semaphore, #tpu.memory_space<semaphore_mem>>) {add = true}
    %dma_wait3A_276 = arith.constant 2 : i32
    %dma_wait3A_277 = arith.constant 1 : i32
    %dma_wait3A_278 = arith.constant 77 : i32
    %dma_wait3A_279 = arith.constant 0 : i32
    %dma_wait3A_280 = arith.constant 0 : i32
    %dma_wait3A_281 = tpu.memref_slice %arg8[%dma_wait3A_276, %dma_wait3A_279, %dma_wait3A_280] : memref<3x128x64xf32, #tpu.memory_space<vmem>> -> memref<1x128x64xf32, #tpu.memory_space<vmem>>
    %dma_wait3A_282 = tpu.memref_squeeze %dma_wait3A_281 : memref<1x128x64xf32, #tpu.memory_space<vmem>> -> memref<128x64xf32, #tpu.memory_space<vmem>>
    %dma_wait3A_283 = arith.constant 0 : i32
    %dma_wait3A_284 = tpu.memref_slice %arg7[%dma_wait3A_277, %dma_wait3A_278, %dma_wait3A_283] : memref<2x80x128xi32, #tpu.memory_space<vmem>> -> memref<1x1x128xi32, #tpu.memory_space<vmem>>
    %dma_wait3A_285 = tpu.memref_squeeze %dma_wait3A_284 : memref<1x1x128xi32, #tpu.memory_space<vmem>> -> memref<128xi32, #tpu.memory_space<vmem>>
    %dma_wait3A_286 = arith.constant 0 : i32
    %dma_wait3A_287 = arith.constant 0 : i32
    %dma_wait3A_288 = tpu.memref_slice %arg10[%dma_wait3A_286, %dma_wait3A_287] : memref<10240x64xf32, #tpu.memory_space<vmem_shared>> -> memref<10240x64xf32, #tpu.memory_space<vmem_shared>>
    tpu.wait_indirect_dma semaphore(%arg12 : memref<!tpu.dma_semaphore, #tpu.memory_space<semaphore_mem>>) src(%dma_wait3A_282 : memref<128x64xf32, #tpu.memory_space<vmem>>) dst(%dma_wait3A_288 : memref<10240x64xf32, #tpu.memory_space<vmem_shared>>)
    %dma_wait3A_289 = arith.constant 0 : i32
    %dma_wait3A_290 = arith.constant 79 : i32
    %dma_wait3A_291 = arith.constant 1 : i32
    %dma_wait3A_292 = arith.constant 0 : i32
    %dma_wait3A_293 = arith.constant 0 : i32
    %dma_wait3A_294 = tpu.memref_slice %arg8[%dma_wait3A_291, %dma_wait3A_292, %dma_wait3A_293] : memref<3x128x64xf32, #tpu.memory_space<vmem>> -> memref<1x128x64xf32, #tpu.memory_space<vmem>>
    %dma_wait3A_295 = tpu.memref_squeeze %dma_wait3A_294 : memref<1x128x64xf32, #tpu.memory_space<vmem>> -> memref<128x64xf32, #tpu.memory_space<vmem>>
    %dma_wait3A_296 = arith.constant 0 : i32
    %dma_wait3A_297 = tpu.memref_slice %arg7[%dma_wait3A_289, %dma_wait3A_290, %dma_wait3A_296] : memref<2x80x128xi32, #tpu.memory_space<vmem>> -> memref<1x1x128xi32, #tpu.memory_space<vmem>>
    %dma_wait3A_298 = tpu.memref_squeeze %dma_wait3A_297 : memref<1x1x128xi32, #tpu.memory_space<vmem>> -> memref<128xi32, #tpu.memory_space<vmem>>
    %dma_wait3A_299 = arith.constant 0 : i32
    %dma_wait3A_300 = arith.constant 0 : i32
    %dma_wait3A_301 = tpu.memref_slice %arg9[%dma_wait3A_299, %dma_wait3A_300] : memref<10240x64xf32, #tpu.memory_space<vmem_shared>> -> memref<10240x64xf32, #tpu.memory_space<vmem_shared>>
    tpu.wait_indirect_dma semaphore(%arg11 : memref<!tpu.dma_semaphore, #tpu.memory_space<semaphore_mem>>) src(%dma_wait3A_301 : memref<10240x64xf32, #tpu.memory_space<vmem_shared>>) dst(%dma_wait3A_295 : memref<128x64xf32, #tpu.memory_space<vmem>>)
    %dma_start3A_302 = arith.constant 1 : i32
    %dma_start3A_303 = arith.constant 1 : i32
    %dma_start3A_304 = arith.constant 79 : i32
    %dma_start3A_305 = arith.constant 0 : i32
    %dma_start3A_306 = arith.constant 0 : i32
    %dma_start3A_307 = tpu.memref_slice %arg8[%dma_start3A_302, %dma_start3A_305, %dma_start3A_306] : memref<3x128x64xf32, #tpu.memory_space<vmem>> -> memref<1x128x64xf32, #tpu.memory_space<vmem>>
    %dma_start3A_308 = tpu.memref_squeeze %dma_start3A_307 : memref<1x128x64xf32, #tpu.memory_space<vmem>> -> memref<128x64xf32, #tpu.memory_space<vmem>>
    %dma_start3A_309 = arith.constant 0 : i32
    %dma_start3A_310 = tpu.memref_slice %arg7[%dma_start3A_303, %dma_start3A_304, %dma_start3A_309] : memref<2x80x128xi32, #tpu.memory_space<vmem>> -> memref<1x1x128xi32, #tpu.memory_space<vmem>>
    %dma_start3A_311 = tpu.memref_squeeze %dma_start3A_310 : memref<1x1x128xi32, #tpu.memory_space<vmem>> -> memref<128xi32, #tpu.memory_space<vmem>>
    %dma_start3A_312 = arith.constant 0 : i32
    %dma_start3A_313 = arith.constant 0 : i32
    %dma_start3A_314 = tpu.memref_slice %arg10[%dma_start3A_312, %dma_start3A_313] : memref<10240x64xf32, #tpu.memory_space<vmem_shared>> -> memref<10240x64xf32, #tpu.memory_space<vmem_shared>>
    tpu.enqueue_indirect_dma source(%dma_start3A_308 : memref<128x64xf32, #tpu.memory_space<vmem>>) target(%dma_start3A_314 : memref<10240x64xf32, #tpu.memory_space<vmem_shared>>) offsets(%dma_start3A_311 : memref<128xi32, #tpu.memory_space<vmem>>) semaphore(%arg12 : memref<!tpu.dma_semaphore, #tpu.memory_space<semaphore_mem>>) {add = true}
    %dma_wait3A_315 = arith.constant 0 : i32
    %dma_wait3A_316 = arith.constant 1 : i32
    %dma_wait3A_317 = arith.constant 78 : i32
    %dma_wait3A_318 = arith.constant 0 : i32
    %dma_wait3A_319 = arith.constant 0 : i32
    %dma_wait3A_320 = tpu.memref_slice %arg8[%dma_wait3A_315, %dma_wait3A_318, %dma_wait3A_319] : memref<3x128x64xf32, #tpu.memory_space<vmem>> -> memref<1x128x64xf32, #tpu.memory_space<vmem>>
    %dma_wait3A_321 = tpu.memref_squeeze %dma_wait3A_320 : memref<1x128x64xf32, #tpu.memory_space<vmem>> -> memref<128x64xf32, #tpu.memory_space<vmem>>
    %dma_wait3A_322 = arith.constant 0 : i32
    %dma_wait3A_323 = tpu.memref_slice %arg7[%dma_wait3A_316, %dma_wait3A_317, %dma_wait3A_322] : memref<2x80x128xi32, #tpu.memory_space<vmem>> -> memref<1x1x128xi32, #tpu.memory_space<vmem>>
    %dma_wait3A_324 = tpu.memref_squeeze %dma_wait3A_323 : memref<1x1x128xi32, #tpu.memory_space<vmem>> -> memref<128xi32, #tpu.memory_space<vmem>>
    %dma_wait3A_325 = arith.constant 0 : i32
    %dma_wait3A_326 = arith.constant 0 : i32
    %dma_wait3A_327 = tpu.memref_slice %arg10[%dma_wait3A_325, %dma_wait3A_326] : memref<10240x64xf32, #tpu.memory_space<vmem_shared>> -> memref<10240x64xf32, #tpu.memory_space<vmem_shared>>
    tpu.wait_indirect_dma semaphore(%arg12 : memref<!tpu.dma_semaphore, #tpu.memory_space<semaphore_mem>>) src(%dma_wait3A_321 : memref<128x64xf32, #tpu.memory_space<vmem>>) dst(%dma_wait3A_327 : memref<10240x64xf32, #tpu.memory_space<vmem_shared>>)
    %dma_wait3A_328 = arith.constant 1 : i32
    %dma_wait3A_329 = arith.constant 1 : i32
    %dma_wait3A_330 = arith.constant 79 : i32
    %dma_wait3A_331 = arith.constant 0 : i32
    %dma_wait3A_332 = arith.constant 0 : i32
    %dma_wait3A_333 = tpu.memref_slice %arg8[%dma_wait3A_328, %dma_wait3A_331, %dma_wait3A_332] : memref<3x128x64xf32, #tpu.memory_space<vmem>> -> memref<1x128x64xf32, #tpu.memory_space<vmem>>
    %dma_wait3A_334 = tpu.memref_squeeze %dma_wait3A_333 : memref<1x128x64xf32, #tpu.memory_space<vmem>> -> memref<128x64xf32, #tpu.memory_space<vmem>>
    %dma_wait3A_335 = arith.constant 0 : i32
    %dma_wait3A_336 = tpu.memref_slice %arg7[%dma_wait3A_329, %dma_wait3A_330, %dma_wait3A_335] : memref<2x80x128xi32, #tpu.memory_space<vmem>> -> memref<1x1x128xi32, #tpu.memory_space<vmem>>
    %dma_wait3A_337 = tpu.memref_squeeze %dma_wait3A_336 : memref<1x1x128xi32, #tpu.memory_space<vmem>> -> memref<128xi32, #tpu.memory_space<vmem>>
    %dma_wait3A_338 = arith.constant 0 : i32
    %dma_wait3A_339 = arith.constant 0 : i32
    %dma_wait3A_340 = tpu.memref_slice %arg10[%dma_wait3A_338, %dma_wait3A_339] : memref<10240x64xf32, #tpu.memory_space<vmem_shared>> -> memref<10240x64xf32, #tpu.memory_space<vmem_shared>>
    tpu.wait_indirect_dma semaphore(%arg12 : memref<!tpu.dma_semaphore, #tpu.memory_space<semaphore_mem>>) src(%dma_wait3A_334 : memref<128x64xf32, #tpu.memory_space<vmem>>) dst(%dma_wait3A_340 : memref<10240x64xf32, #tpu.memory_space<vmem_shared>>)
    %barrier3A_341 = arith.constant 0 : index
    tpu.barrier barrier_id(%barrier3A_341)
    %mul3A_342 = arith.constant 640 : i32
    %mul3A_343 = arith.muli %arg1, %mul3A_342 : i32
    %mul3A_344 = arith.constant 640 : i32
    %mul3A_345 = arith.muli %arg1, %mul3A_344 : i32
    %run_scoped3A_346 = arith.constant 1 : i32
    "tpu.region"() ({
      %run_scoped3A_348 = tpu.sem_alloc : memref<!tpu.dma_semaphore, #tpu.memory_space<semaphore_mem>>
      %dma_start3A_349 = arith.constant 0 : i32
      %dma_start3A_350 = tpu.memref_slice %arg6[%arg0, %run_scoped3A_346, %mul3A_345, %dma_start3A_349] : memref<2x2x10240x64xf32, #tpu.memory_space<hbm>> -> memref<1x1x640x64xf32, #tpu.memory_space<hbm>>
      %dma_start3A_351 = tpu.memref_squeeze %dma_start3A_350 : memref<1x1x640x64xf32, #tpu.memory_space<hbm>> -> memref<640x64xf32, #tpu.memory_space<hbm>>
      %dma_start3A_352 = arith.constant 0 : i32
      %dma_start3A_353 = tpu.memref_slice %arg10[%mul3A_343, %dma_start3A_352] : memref<10240x64xf32, #tpu.memory_space<vmem_shared>> -> memref<640x64xf32, #tpu.memory_space<vmem_shared>>
      tpu.enqueue_dma source(%dma_start3A_353 : memref<640x64xf32, #tpu.memory_space<vmem_shared>>) target(%dma_start3A_351 : memref<640x64xf32, #tpu.memory_space<hbm>>) target_semaphore(%run_scoped3A_348 : memref<!tpu.dma_semaphore, #tpu.memory_space<semaphore_mem>>)
      %dma_wait3A_354 = arith.constant 0 : i32
      %dma_wait3A_355 = tpu.memref_slice %arg6[%arg0, %run_scoped3A_346, %mul3A_345, %dma_wait3A_354] : memref<2x2x10240x64xf32, #tpu.memory_space<hbm>> -> memref<1x1x640x64xf32, #tpu.memory_space<hbm>>
      %dma_wait3A_356 = tpu.memref_squeeze %dma_wait3A_355 : memref<1x1x640x64xf32, #tpu.memory_space<hbm>> -> memref<640x64xf32, #tpu.memory_space<hbm>>
      %dma_wait3A_357 = arith.constant 0 : i32
      %dma_wait3A_358 = tpu.memref_slice %arg10[%mul3A_343, %dma_wait3A_357] : memref<10240x64xf32, #tpu.memory_space<vmem_shared>> -> memref<640x64xf32, #tpu.memory_space<vmem_shared>>
      tpu.wait_dma2 semaphore(%run_scoped3A_348 : memref<!tpu.dma_semaphore, #tpu.memory_space<semaphore_mem>>) src(%dma_wait3A_358 : memref<640x64xf32, #tpu.memory_space<vmem_shared>>) dst(%dma_wait3A_356 : memref<640x64xf32, #tpu.memory_space<hbm>>)
      tpu.yield
    }) : () -> ()
    %barrier3A_347 = arith.constant 0 : index
    tpu.barrier barrier_id(%barrier3A_347)
    return
  }
}

module attributes {stable_mosaic.version = 14 : i64} {
  func.func @_mlp_body(%arg0: i32, %arg1: memref<1000x64xf32, #tpu.memory_space<vmem>>, %arg2: memref<1000x64xf32, #tpu.memory_space<vmem>>, %arg3: memref<2x2x1000x64xf32, #tpu.memory_space<vmem>>, %arg4: memref<128x128xf32, #tpu.memory_space<vmem>>, %arg5: memref<1x128xf32, #tpu.memory_space<vmem>>, %arg6: memref<128x128xf32, #tpu.memory_space<vmem>>, %arg7: memref<1x128xf32, #tpu.memory_space<vmem>>, %arg8: memref<1000x64xf32, #tpu.memory_space<vmem>>, %arg9: memref<1000x64xf32, #tpu.memory_space<vmem>>) attributes {dimension_semantics = [#tpu.dimension_semantics<arbitrary>], iteration_bounds = array<i64: 10>, scalar_prefetch = 0 : i64, scratch_operands = 0 : i64, tpu.core_type = #tpu.core_type<tc>, window_params = [{transform_indices = @transform_0, window_bounds = array<i64: 1000, 64>}, {transform_indices = @transform_1, window_bounds = array<i64: 1000, 64>}, {transform_indices = @transform_2, window_bounds = array<i64: 2, 2, 1000, 64>}, {pipeline_mode = #tpu.pipeline_mode<synchronous>, transform_indices = @transform_3, window_bounds = array<i64: 128, 128>}, {pipeline_mode = #tpu.pipeline_mode<synchronous>, transform_indices = @transform_4, window_bounds = array<i64: 1, 128>}, {pipeline_mode = #tpu.pipeline_mode<synchronous>, transform_indices = @transform_5, window_bounds = array<i64: 128, 128>}, {pipeline_mode = #tpu.pipeline_mode<synchronous>, transform_indices = @transform_6, window_bounds = array<i64: 1, 128>}, {transform_indices = @transform_7, window_bounds = array<i64: 1000, 64>}, {transform_indices = @transform_8, window_bounds = array<i64: 1000, 64>}]} {
    %get3A = arith.constant 0 : index
    %get3A_0 = arith.constant 0 : index
    %get3A_1 = vector.load %arg1[%get3A, %get3A_0] : memref<1000x64xf32, #tpu.memory_space<vmem>>, vector<1000x64xf32>
    %get3A_2 = arith.constant 0 : index
    %get3A_3 = arith.constant 0 : index
    %get3A_4 = arith.constant 0 : index
    %get3A_5 = arith.constant 0 : index
    %get3A_6 = vector.load %arg3[%get3A_2, %get3A_3, %get3A_4, %get3A_5] : memref<2x2x1000x64xf32, #tpu.memory_space<vmem>>, vector<1x1x1000x64xf32>
    %get3A_7 = vector.shape_cast %get3A_6 : vector<1x1x1000x64xf32> to vector<1000x64xf32>
    %add3A = arith.addf %get3A_1, %get3A_7 : vector<1000x64xf32>
    %get3A_8 = arith.constant 1 : index
    %get3A_9 = arith.constant 0 : index
    %get3A_10 = arith.constant 0 : index
    %get3A_11 = arith.constant 0 : index
    %get3A_12 = vector.load %arg3[%get3A_8, %get3A_9, %get3A_10, %get3A_11] : memref<2x2x1000x64xf32, #tpu.memory_space<vmem>>, vector<1x1x1000x64xf32>
    %get3A_13 = vector.shape_cast %get3A_12 : vector<1x1x1000x64xf32> to vector<1000x64xf32>
    %add3A_14 = arith.addf %add3A, %get3A_13 : vector<1000x64xf32>
    %get3A_15 = arith.constant 0 : index
    %get3A_16 = arith.constant 0 : index
    %get3A_17 = vector.load %arg2[%get3A_15, %get3A_16] : memref<1000x64xf32, #tpu.memory_space<vmem>>, vector<1000x64xf32>
    %get3A_18 = arith.constant 0 : index
    %get3A_19 = arith.constant 1 : index
    %get3A_20 = arith.constant 0 : index
    %get3A_21 = arith.constant 0 : index
    %get3A_22 = vector.load %arg3[%get3A_18, %get3A_19, %get3A_20, %get3A_21] : memref<2x2x1000x64xf32, #tpu.memory_space<vmem>>, vector<1x1x1000x64xf32>
    %get3A_23 = vector.shape_cast %get3A_22 : vector<1x1x1000x64xf32> to vector<1000x64xf32>
    %add3A_24 = arith.addf %get3A_17, %get3A_23 : vector<1000x64xf32>
    %get3A_25 = arith.constant 1 : index
    %get3A_26 = arith.constant 1 : index
    %get3A_27 = arith.constant 0 : index
    %get3A_28 = arith.constant 0 : index
    %get3A_29 = vector.load %arg3[%get3A_25, %get3A_26, %get3A_27, %get3A_28] : memref<2x2x1000x64xf32, #tpu.memory_space<vmem>>, vector<1x1x1000x64xf32>
    %get3A_30 = vector.shape_cast %get3A_29 : vector<1x1x1000x64xf32> to vector<1000x64xf32>
    %add3A_31 = arith.addf %add3A_24, %get3A_30 : vector<1000x64xf32>
    %concatenate3A = tpu.concatenate %add3A_14, %add3A_31 in 1 : vector<1000x64xf32>, vector<1000x64xf32> -> vector<1000x128xf32>
    %get3A_32 = arith.constant 0 : index
    %get3A_33 = arith.constant 0 : index
    %get3A_34 = vector.load %arg4[%get3A_32, %get3A_33] : memref<128x128xf32, #tpu.memory_space<vmem>>, vector<128x128xf32>
    %dot_general3A = arith.constant dense<0.000000e+00> : vector<1000x128xf32>
    %dot_general3A_35 = tpu.matmul %concatenate3A, %get3A_34, %dot_general3A {dimension_numbers = #tpu.dot_dimension_numbers<[1], [0], [0], [1], [0, 0, 1, 1], [], []>, transpose_lhs_hint = false} : vector<1000x128xf32>, vector<128x128xf32>, vector<1000x128xf32> -> vector<1000x128xf32>
    %get3A_36 = arith.constant 0 : index
    %get3A_37 = arith.constant 0 : index
    %get3A_38 = vector.load %arg5[%get3A_36, %get3A_37] : memref<1x128xf32, #tpu.memory_space<vmem>>, vector<1x128xf32>
    %add3A_39 = vector.broadcast %get3A_38 : vector<1x128xf32> to vector<1000x128xf32>
    %add3A_40 = arith.addf %dot_general3A_35, %add3A_39 : vector<1000x128xf32>
    %max3A = arith.constant 0.000000e+00 : f32
    %max3A_41 = vector.broadcast %max3A : f32 to vector<1000x128xf32>
    %max3A_42 = arith.maximumf %add3A_40, %max3A_41 : vector<1000x128xf32>
    %get3A_43 = arith.constant 0 : index
    %get3A_44 = arith.constant 0 : index
    %get3A_45 = vector.load %arg6[%get3A_43, %get3A_44] : memref<128x128xf32, #tpu.memory_space<vmem>>, vector<128x128xf32>
    %dot_general3A_46 = arith.constant dense<0.000000e+00> : vector<1000x128xf32>
    %dot_general3A_47 = tpu.matmul %max3A_42, %get3A_45, %dot_general3A_46 {dimension_numbers = #tpu.dot_dimension_numbers<[1], [0], [0], [1], [0, 0, 1, 1], [], []>, transpose_lhs_hint = false} : vector<1000x128xf32>, vector<128x128xf32>, vector<1000x128xf32> -> vector<1000x128xf32>
    %get3A_48 = arith.constant 0 : index
    %get3A_49 = arith.constant 0 : index
    %get3A_50 = vector.load %arg7[%get3A_48, %get3A_49] : memref<1x128xf32, #tpu.memory_space<vmem>>, vector<1x128xf32>
    %add3A_51 = vector.broadcast %get3A_50 : vector<1x128xf32> to vector<1000x128xf32>
    %add3A_52 = arith.addf %dot_general3A_47, %add3A_51 : vector<1000x128xf32>
    %max3A_53 = arith.constant 0.000000e+00 : f32
    %max3A_54 = vector.broadcast %max3A_53 : f32 to vector<1000x128xf32>
    %max3A_55 = arith.maximumf %add3A_52, %max3A_54 : vector<1000x128xf32>
    %slice3A = vector.extract_strided_slice %max3A_55 {offsets = [0, 0], sizes = [1000, 64], strides = [1, 1]} : vector<1000x128xf32> to vector<1000x64xf32>
    %swap3A = arith.constant 0 : index
    %swap3A_56 = arith.constant 0 : index
    %swap3A_57 = vector.load %arg8[%swap3A, %swap3A_56] : memref<1000x64xf32, #tpu.memory_space<vmem>>, vector<1000x64xf32>
    tpu.vector_store %arg8[%swap3A, %swap3A_56], %slice3A {strides = array<i32>} : memref<1000x64xf32, #tpu.memory_space<vmem>>, vector<1000x64xf32>,
    %slice3A_58 = vector.extract_strided_slice %max3A_55 {offsets = [0, 64], sizes = [1000, 64], strides = [1, 1]} : vector<1000x128xf32> to vector<1000x64xf32>
    %swap3A_59 = arith.constant 0 : index
    %swap3A_60 = arith.constant 0 : index
    %swap3A_61 = vector.load %arg9[%swap3A_59, %swap3A_60] : memref<1000x64xf32, #tpu.memory_space<vmem>>, vector<1000x64xf32>
    tpu.vector_store %arg9[%swap3A_59, %swap3A_60], %slice3A_58 {strides = array<i32>} : memref<1000x64xf32, #tpu.memory_space<vmem>>, vector<1000x64xf32>,
    return
  }
  func.func @transform_0(%arg0: i32) -> (i32, i32) {
    %c0_i32 = arith.constant 0 : i32
    %c0_i32_0 = arith.constant 0 : i32
    return %arg0, %c0_i32 : i32, i32
  }
  func.func @transform_1(%arg0: i32) -> (i32, i32) {
    %c0_i32 = arith.constant 0 : i32
    %c0_i32_0 = arith.constant 0 : i32
    return %arg0, %c0_i32 : i32, i32
  }
  func.func @transform_2(%arg0: i32) -> (i32, i32, i32, i32) {
    %c0_i32 = arith.constant 0 : i32
    %c0_i32_0 = arith.constant 0 : i32
    %c0_i32_1 = arith.constant 0 : i32
    %c0_i32_2 = arith.constant 0 : i32
    return %c0_i32, %c0_i32_0, %arg0, %c0_i32_1 : i32, i32, i32, i32
  }
  func.func @transform_3(%arg0: i32) -> (i32, i32) {
    %c0_i32 = arith.constant 0 : i32
    %c0_i32_0 = arith.constant 0 : i32
    %c0_i32_1 = arith.constant 0 : i32
    return %c0_i32, %c0_i32_0 : i32, i32
  }
  func.func @transform_4(%arg0: i32) -> (i32, i32) {
    %c0_i32 = arith.constant 0 : i32
    %c0_i32_0 = arith.constant 0 : i32
    %c0_i32_1 = arith.constant 0 : i32
    return %c0_i32, %c0_i32_0 : i32, i32
  }
  func.func @transform_5(%arg0: i32) -> (i32, i32) {
    %c0_i32 = arith.constant 0 : i32
    %c0_i32_0 = arith.constant 0 : i32
    %c0_i32_1 = arith.constant 0 : i32
    return %c0_i32, %c0_i32_0 : i32, i32
  }
  func.func @transform_6(%arg0: i32) -> (i32, i32) {
    %c0_i32 = arith.constant 0 : i32
    %c0_i32_0 = arith.constant 0 : i32
    %c0_i32_1 = arith.constant 0 : i32
    return %c0_i32, %c0_i32_0 : i32, i32
  }
  func.func @transform_7(%arg0: i32) -> (i32, i32) {
    %c0_i32 = arith.constant 0 : i32
    %c0_i32_0 = arith.constant 0 : i32
    return %arg0, %c0_i32 : i32, i32
  }
  func.func @transform_8(%arg0: i32) -> (i32, i32) {
    %c0_i32 = arith.constant 0 : i32
    %c0_i32_0 = arith.constant 0 : i32
    return %arg0, %c0_i32 : i32, i32
  }
}

module attributes {stable_mosaic.version = 14 : i64} {
  func.func @_mlp_body(%arg0: i32, %arg1: memref<1000x64xf32, #tpu.memory_space<vmem>>, %arg2: memref<1000x64xf32, #tpu.memory_space<vmem>>, %arg3: memref<2x2x1000x64xf32, #tpu.memory_space<vmem>>, %arg4: memref<128x128xf32, #tpu.memory_space<vmem>>, %arg5: memref<1x128xf32, #tpu.memory_space<vmem>>, %arg6: memref<128x40xf32, #tpu.memory_space<vmem>>, %arg7: memref<1x40xf32, #tpu.memory_space<vmem>>, %arg8: memref<1000x40xf32, #tpu.memory_space<vmem>>) attributes {dimension_semantics = [#tpu.dimension_semantics<arbitrary>], iteration_bounds = array<i64: 10>, scalar_prefetch = 0 : i64, scratch_operands = 0 : i64, tpu.core_type = #tpu.core_type<tc>, window_params = [{transform_indices = @transform_0, window_bounds = array<i64: 1000, 64>}, {transform_indices = @transform_1, window_bounds = array<i64: 1000, 64>}, {transform_indices = @transform_2, window_bounds = array<i64: 2, 2, 1000, 64>}, {pipeline_mode = #tpu.pipeline_mode<synchronous>, transform_indices = @transform_3, window_bounds = array<i64: 128, 128>}, {pipeline_mode = #tpu.pipeline_mode<synchronous>, transform_indices = @transform_4, window_bounds = array<i64: 1, 128>}, {pipeline_mode = #tpu.pipeline_mode<synchronous>, transform_indices = @transform_5, window_bounds = array<i64: 128, 40>}, {pipeline_mode = #tpu.pipeline_mode<synchronous>, transform_indices = @transform_6, window_bounds = array<i64: 1, 40>}, {transform_indices = @transform_7, window_bounds = array<i64: 1000, 40>}]} {
    %get3A = arith.constant 0 : index
    %get3A_0 = arith.constant 0 : index
    %get3A_1 = vector.load %arg1[%get3A, %get3A_0] : memref<1000x64xf32, #tpu.memory_space<vmem>>, vector<1000x64xf32>
    %get3A_2 = arith.constant 0 : index
    %get3A_3 = arith.constant 0 : index
    %get3A_4 = arith.constant 0 : index
    %get3A_5 = arith.constant 0 : index
    %get3A_6 = vector.load %arg3[%get3A_2, %get3A_3, %get3A_4, %get3A_5] : memref<2x2x1000x64xf32, #tpu.memory_space<vmem>>, vector<1x1x1000x64xf32>
    %get3A_7 = vector.shape_cast %get3A_6 : vector<1x1x1000x64xf32> to vector<1000x64xf32>
    %add3A = arith.addf %get3A_1, %get3A_7 : vector<1000x64xf32>
    %get3A_8 = arith.constant 1 : index
    %get3A_9 = arith.constant 0 : index
    %get3A_10 = arith.constant 0 : index
    %get3A_11 = arith.constant 0 : index
    %get3A_12 = vector.load %arg3[%get3A_8, %get3A_9, %get3A_10, %get3A_11] : memref<2x2x1000x64xf32, #tpu.memory_space<vmem>>, vector<1x1x1000x64xf32>
    %get3A_13 = vector.shape_cast %get3A_12 : vector<1x1x1000x64xf32> to vector<1000x64xf32>
    %add3A_14 = arith.addf %add3A, %get3A_13 : vector<1000x64xf32>
    %get3A_15 = arith.constant 0 : index
    %get3A_16 = arith.constant 0 : index
    %get3A_17 = vector.load %arg2[%get3A_15, %get3A_16] : memref<1000x64xf32, #tpu.memory_space<vmem>>, vector<1000x64xf32>
    %get3A_18 = arith.constant 0 : index
    %get3A_19 = arith.constant 1 : index
    %get3A_20 = arith.constant 0 : index
    %get3A_21 = arith.constant 0 : index
    %get3A_22 = vector.load %arg3[%get3A_18, %get3A_19, %get3A_20, %get3A_21] : memref<2x2x1000x64xf32, #tpu.memory_space<vmem>>, vector<1x1x1000x64xf32>
    %get3A_23 = vector.shape_cast %get3A_22 : vector<1x1x1000x64xf32> to vector<1000x64xf32>
    %add3A_24 = arith.addf %get3A_17, %get3A_23 : vector<1000x64xf32>
    %get3A_25 = arith.constant 1 : index
    %get3A_26 = arith.constant 1 : index
    %get3A_27 = arith.constant 0 : index
    %get3A_28 = arith.constant 0 : index
    %get3A_29 = vector.load %arg3[%get3A_25, %get3A_26, %get3A_27, %get3A_28] : memref<2x2x1000x64xf32, #tpu.memory_space<vmem>>, vector<1x1x1000x64xf32>
    %get3A_30 = vector.shape_cast %get3A_29 : vector<1x1x1000x64xf32> to vector<1000x64xf32>
    %add3A_31 = arith.addf %add3A_24, %get3A_30 : vector<1000x64xf32>
    %concatenate3A = tpu.concatenate %add3A_14, %add3A_31 in 1 : vector<1000x64xf32>, vector<1000x64xf32> -> vector<1000x128xf32>
    %get3A_32 = arith.constant 0 : index
    %get3A_33 = arith.constant 0 : index
    %get3A_34 = vector.load %arg4[%get3A_32, %get3A_33] : memref<128x128xf32, #tpu.memory_space<vmem>>, vector<128x128xf32>
    %dot_general3A = arith.constant dense<0.000000e+00> : vector<1000x128xf32>
    %dot_general3A_35 = tpu.matmul %concatenate3A, %get3A_34, %dot_general3A {dimension_numbers = #tpu.dot_dimension_numbers<[1], [0], [0], [1], [0, 0, 1, 1], [], []>, transpose_lhs_hint = false} : vector<1000x128xf32>, vector<128x128xf32>, vector<1000x128xf32> -> vector<1000x128xf32>
    %get3A_36 = arith.constant 0 : index
    %get3A_37 = arith.constant 0 : index
    %get3A_38 = vector.load %arg5[%get3A_36, %get3A_37] : memref<1x128xf32, #tpu.memory_space<vmem>>, vector<1x128xf32>
    %add3A_39 = vector.broadcast %get3A_38 : vector<1x128xf32> to vector<1000x128xf32>
    %add3A_40 = arith.addf %dot_general3A_35, %add3A_39 : vector<1000x128xf32>
    %max3A = arith.constant 0.000000e+00 : f32
    %max3A_41 = vector.broadcast %max3A : f32 to vector<1000x128xf32>
    %max3A_42 = arith.maximumf %add3A_40, %max3A_41 : vector<1000x128xf32>
    %get3A_43 = arith.constant 0 : index
    %get3A_44 = arith.constant 0 : index
    %get3A_45 = vector.load %arg6[%get3A_43, %get3A_44] : memref<128x40xf32, #tpu.memory_space<vmem>>, vector<128x40xf32>
    %dot_general3A_46 = arith.constant dense<0.000000e+00> : vector<1000x40xf32>
    %dot_general3A_47 = tpu.matmul %max3A_42, %get3A_45, %dot_general3A_46 {dimension_numbers = #tpu.dot_dimension_numbers<[1], [0], [0], [1], [0, 0, 1, 1], [], []>, transpose_lhs_hint = false} : vector<1000x128xf32>, vector<128x40xf32>, vector<1000x40xf32> -> vector<1000x40xf32>
    %get3A_48 = arith.constant 0 : index
    %get3A_49 = arith.constant 0 : index
    %get3A_50 = vector.load %arg7[%get3A_48, %get3A_49] : memref<1x40xf32, #tpu.memory_space<vmem>>, vector<1x40xf32>
    %add3A_51 = vector.broadcast %get3A_50 : vector<1x40xf32> to vector<1000x40xf32>
    %add3A_52 = arith.addf %dot_general3A_47, %add3A_51 : vector<1000x40xf32>
    %swap3A = arith.constant 0 : index
    %swap3A_53 = arith.constant 0 : index
    %swap3A_54 = vector.load %arg8[%swap3A, %swap3A_53] : memref<1000x40xf32, #tpu.memory_space<vmem>>, vector<1000x40xf32>
    tpu.vector_store %arg8[%swap3A, %swap3A_53], %add3A_52 {strides = array<i32>} : memref<1000x40xf32, #tpu.memory_space<vmem>>, vector<1000x40xf32>,
    return
  }
  func.func @transform_0(%arg0: i32) -> (i32, i32) {
    %c0_i32 = arith.constant 0 : i32
    %c0_i32_0 = arith.constant 0 : i32
    return %arg0, %c0_i32 : i32, i32
  }
  func.func @transform_1(%arg0: i32) -> (i32, i32) {
    %c0_i32 = arith.constant 0 : i32
    %c0_i32_0 = arith.constant 0 : i32
    return %arg0, %c0_i32 : i32, i32
  }
  func.func @transform_2(%arg0: i32) -> (i32, i32, i32, i32) {
    %c0_i32 = arith.constant 0 : i32
    %c0_i32_0 = arith.constant 0 : i32
    %c0_i32_1 = arith.constant 0 : i32
    %c0_i32_2 = arith.constant 0 : i32
    return %c0_i32, %c0_i32_0, %arg0, %c0_i32_1 : i32, i32, i32, i32
  }
  func.func @transform_3(%arg0: i32) -> (i32, i32) {
    %c0_i32 = arith.constant 0 : i32
    %c0_i32_0 = arith.constant 0 : i32
    %c0_i32_1 = arith.constant 0 : i32
    return %c0_i32, %c0_i32_0 : i32, i32
  }
  func.func @transform_4(%arg0: i32) -> (i32, i32) {
    %c0_i32 = arith.constant 0 : i32
    %c0_i32_0 = arith.constant 0 : i32
    %c0_i32_1 = arith.constant 0 : i32
    return %c0_i32, %c0_i32_0 : i32, i32
  }
  func.func @transform_5(%arg0: i32) -> (i32, i32) {
    %c0_i32 = arith.constant 0 : i32
    %c0_i32_0 = arith.constant 0 : i32
    %c0_i32_1 = arith.constant 0 : i32
    return %c0_i32, %c0_i32_0 : i32, i32
  }
  func.func @transform_6(%arg0: i32) -> (i32, i32) {
    %c0_i32 = arith.constant 0 : i32
    %c0_i32_0 = arith.constant 0 : i32
    %c0_i32_1 = arith.constant 0 : i32
    return %c0_i32, %c0_i32_0 : i32, i32
  }
  func.func @transform_7(%arg0: i32) -> (i32, i32) {
    %c0_i32 = arith.constant 0 : i32
    %c0_i32_0 = arith.constant 0 : i32
    return %arg0, %c0_i32 : i32, i32
  }
}

</mosaic_0001>

<sc_bundles>
// kernel: kernel.6.cloned.1.call-start
scs
__scs_entry_jumppad:
0x0: {  	(pc) =	sbr.rel $0x88, $3  }
0x1: {  	(tag) =	ssettag $0x0;
	lr =	simm.s32 $0x1  }
0x2: {  	[smem:$0x3F97] =	sst lr;
	_ =	strace $0xD0000000  }
0x3: {  	_ = 	snop  }
0x4: {  	_ = 	snop  }
0x5: {  	_ = 	snop  }
0x6: {  	_ = 	snop  }
0x7: {  	_ = 	snop  }
__scs_overlays_trampoline_lowered:
0x8: {  	[smem:$0x3FA6] =	sst s0  }
0x9: {  	[smem:$0x3FA7] =	sst s1  }
0xa: {  	[smem:$0x3FA8] =	sst s2  }
0xb: {  	[smem:$0x3FA9] =	sst s3  }
0xc: {  	[smem:$0x3FAA] =	sst s4  }
0xd: {  	[smem:$0x3FAB] =	sst s5  }
0xe: {  	[smem:$0x3FAC] =	sst s6  }
0xf: {  	[smem:$0x3FAD] =	sst s7  }
0x10: {  	[smem:$0x3FAE] =	sst s8  }
0x11: {  	[smem:$0x3FAF] =	sst s9;
	s0 =	simm.s32 @!p0 $0x0  }
0x12: {  	s1 =	sld [smem:$0x3F95];
	s0 =	simm.s32 @p0 $0x1  }
0x13: {  	[smem:$0x3FB0] =	sst s0;
	s0 =	simm.s32 @!p1 $0x0  }
0x14: {  	s2 =	sld [smem:$0x3F94];
	s0 =	simm.s32 @p1 $0x1  }
0x15: {  	[smem:$0x3FB1] =	sst s0;
	s0 =	simm.s32 @!p2 $0x0  }
0x16: {  	s3 =	sld [smem:$0x3FDB];
	s0 =	simm.s32 @p2 $0x1  }
0x17: {  	s4 =	simm.s32 $0x1BF5;
	[smem:$0x3FB3] =	sst s0  }
0x18: {  	s0 =	sld [smem:$0x3F96];
	_ =	swait.ge [sflag:s4], $0x0  }
0x19: {  	s7 =	sld [smem:$0x3F97]  }
0x1a: {  	s8 =	sadd.s32 $0xFFFFE003, lr  }
0x1b: {  	s9 =	sadd.s32 $0xFFFFFEF7, lr;
	s5 =	simm.s32 $0xFFFFFFFF;
	p2 =	slt.u32 s8, $0xFFFFF086  }
0x1c: {  	p1 =	slt.u32 s9, $0xF7A;
	s5 =	simm.s32 @!p2 $0x0  }
0x1d: {  	s5 =	simm.s32 @p1 $0x1;
	p0 =	seq.s32 s7, s2  }
0x1e: {  	s7 =	smul.u32 @!p0 $0xF7A, s2;
	p2 =	seq.s32 @!p0 s5, $0x0  }
0x1f: {  	s9 =	smul.u32 $0xF7A, s1;
	s8 =	simm.s32 @!p0 $0x1BF5;
	p2 =	por !p2, p0  }
0x20: {  	[sflag:s8] =	ssyncset.s32 @!p0 $0xFFFFF086;
	s6 =	sadd.s32 @!p0 s3, s7;
	s7 =	simm.s32 @!p0 $0x108  }
0x21: {  	s3 =	sadd.s32 s3, s9;
	s6 =	sadd.s32 @!p0 $0x88, s6;
	s7 =	simm.s32 @p2 $0x1082  }
0x22: {  	[simem:s7], [sflag:s8] =	dma.local @!p0 [hbm:s6], $0xF7A  }
0x23: {  	s9 =	sor.u32 $0xD0000000, s2;
	s6 =	simm.s32 $0x108;
	_ =	swait.ge @!p0 [sflag:s8], $0x0  }
0x24: {  	s3 =	sadd.s32 $0x88, s3;
	s6 =	simm.s32 @!p1 $0x1082;
	[sflag:s4] =	ssyncset.s32 $0xFFFFF086  }
0x25: {  	[simem:s6], [sflag:s4] =	dma.local [hbm:s3], $0xF7A  }
0x26: {  	[smem:$0x3F97] =	sst s1;
	(tag) =	ssettag s2;
	_ =	strace s9  }
0x27: {  	s1 =	sld [smem:$0x3FA7]  }
0x28: {  	s2 =	sld [smem:$0x3FA8]  }
0x29: {  	s4 =	sld [smem:$0x3FAA]  }
0x2a: {  	p0 =	seq.s32 s5, $0x0;
	s5 =	sld [smem:$0x3FAB]  }
0x2b: {  	s6 =	sld [smem:$0x3FAC]  }
0x2c: {  	s7 =	sld [smem:$0x3FAD]  }
0x2d: {  	s3 =	simm.s32 $0x108;
	s8 =	sld [smem:$0x3FAE]  }
0x2e: {  	s3 =	simm.s32 @!p0 $0x1082;
	s9 =	sld [smem:$0x3FAF]  }
0x2f: {  	lr =	sadd.s32 s0, s3;
	s0 =	sld [smem:$0x3FA6]  }
0x30: {  	s3 =	sld [smem:$0x3FA9]  }
0x31: {  	[smem:$0x3FB2] =	sst s10  }
0x32: {  	s10 =	sld [smem:$0x3FB0];
	_ =	sdelay $0x3  }
0x33: {  	p0 =	seq.s32 s10, $0x1;
	s10 =	sld [smem:$0x3FB2];
	_ =	sdelay $0x3  }
0x34: {  	[smem:$0x3FB2] =	sst s10  }
0x35: {  	s10 =	sld [smem:$0x3FB1];
	_ =	sdelay $0x3  }
0x36: {  	p1 =	seq.s32 s10, $0x1;
	s10 =	sld [smem:$0x3FB2];
	_ =	sdelay $0x3  }
0x37: {  	[smem:$0x3FB2] =	sst s10  }
0x38: {  	s10 =	sld [smem:$0x3FB3]  }
0x39: {  	_ = 	snop;
	(pc) =	sbr.ind lr, $3  }
0x3a: {  	_ = 	snop  }
0x3b: {  	_ = 	snop  }
0x3c: {  	p2 =	seq.s32 s10, $0x1;
	s10 =	sld [smem:$0x3FB2]  }
0x3d: {  	_ =	shalt  }
0x3e: {  	_ =	shalt  }
0x3f: {  	_ =	shalt  }
0x40: {  	_ =	shalt  }
0x41: {  	_ =	shalt  }
0x42: {  	_ =	shalt  }
0x43: {  	_ =	shalt  }
0x44: {  	_ =	shalt  }
0x45: {  	_ =	shalt  }
0x46: {  	_ =	shalt  }
0x47: {  	_ =	shalt  }
0x48: {  	_ =	shalt  }
0x49: {  	_ =	shalt  }
0x4a: {  	_ =	shalt  }
0x4b: {  	_ =	shalt  }
0x4c: {  	_ =	shalt  }
0x4d: {  	_ =	shalt  }
0x4e: {  	_ =	shalt  }
0x4f: {  	_ =	shalt  }
0x50: {  	_ =	shalt  }
0x51: {  	_ =	shalt  }
0x52: {  	_ =	shalt  }
0x53: {  	_ =	shalt  }
0x54: {  	_ =	shalt  }
0x55: {  	_ =	shalt  }
0x56: {  	_ =	shalt  }
0x57: {  	_ =	shalt  }
0x58: {  	_ =	shalt  }
0x59: {  	_ =	shalt  }
0x5a: {  	_ =	shalt  }
0x5b: {  	_ =	shalt  }
0x5c: {  	_ =	shalt  }
0x5d: {  	_ =	shalt  }
0x5e: {  	_ =	shalt  }
0x5f: {  	_ =	shalt  }
0x60: {  	_ =	shalt  }
0x61: {  	_ =	shalt  }
0x62: {  	_ =	shalt  }
0x63: {  	_ =	shalt  }
0x64: {  	_ =	shalt  }
0x65: {  	_ =	shalt  }
0x66: {  	_ =	shalt  }
0x67: {  	_ =	shalt  }
0x68: {  	_ =	shalt  }
0x69: {  	_ =	shalt  }
0x6a: {  	_ =	shalt  }
0x6b: {  	_ =	shalt  }
0x6c: {  	_ =	shalt  }
0x6d: {  	_ =	shalt  }
0x6e: {  	_ =	shalt  }
0x6f: {  	_ =	shalt  }
0x70: {  	_ =	shalt  }
0x71: {  	_ =	shalt  }
0x72: {  	_ =	shalt  }
0x73: {  	_ =	shalt  }
0x74: {  	_ =	shalt  }
0x75: {  	_ =	shalt  }
0x76: {  	_ =	shalt  }
0x77: {  	_ =	shalt  }
0x78: {  	_ =	shalt  }
0x79: {  	_ =	shalt  }
0x7a: {  	_ =	shalt  }
0x7b: {  	_ =	shalt  }
0x7c: {  	_ =	shalt  }
0x7d: {  	_ =	shalt  }
0x7e: {  	_ =	shalt  }
0x7f: {  	_ =	shalt  }
0x80: {  	_ =	shalt  }
0x81: {  	_ =	shalt  }
0x82: {  	_ =	shalt  }
0x83: {  	_ =	shalt  }
0x84: {  	_ =	shalt  }
0x85: {  	_ =	shalt  }
0x86: {  	_ =	shalt  }
0x87: {  	_ =	shalt  }
.Lfunc_end0:
.L_simem_size_0:
called_computation_lowered:
.L_overlay_start_0:
0x88: {  	s2 =	sld [smem:$0x3FD9]  }
0x89: {  	s3 =	sld [smem:$0x3FFE];
	_ =	sdelay $0x1  }
0x8a: {  	s1 =	srdreg.scid  }
0x8b: {  	s0 =	sand.u32 $0x1, s1  }
0x8c: {  	s17 =	sshll.u32 s0, $0xA;
	s2 =	sadd.s32 s3, s2  }
0x8d: {  	s2 =	sadd.s32 s2, s17  }
0x8e: {  	[smem:$0x3FBE] =	sst s2  }
0x8f: {  	_ = 	snop  }
0x90: {  	s2 =	sld [smem:$0x3FD0];
	(tm) =	ssettm $0x1  }
0x91: {  	s18 =	sld [smem:$0x3FFB];
	_ =	sdelay $0x3  }
0x92: {  	_ =	strace s18  }
0x93: {  	s3 =	sld [smem:$0x3FFC];
	_ =	sdelay $0x3  }
0x94: {  	_ =	strace s3  }
0x95: {  	s3 =	sld [smem:$0x3FFD];
	_ =	sdelay $0x3  }
0x96: {  	_ =	strace s3  }
0x97: {  	_ =	strace $0x8FFFFFFF  }
0x98: {  	s19 =	sld [smem:$0x3FDB];
	_ =	sdelay $0x1  }
0x99: {  	s4 =	simm.s32 $_scs_section_size  }
0x9a: {  	s5 =	simm.s32 $_size__tile_overlayer_lowered;
	s6 =	simm.s32 $_tile_overlayer_lowered  }
0x9b: {  	s22 =	simm.s32 $0x1BFF;
	s21 =	sshll.u32 s6, $0x1;
	s3 =	sadd.s32 s4, s19  }
0x9c: {  	s7 =	simm.s32 $0x0;
	s20 =	sshll.u32 s5, $0x1;
	s5 =	sadd.s32 s21, s3  }
0x9d: {  	[timem:s7], [sflag:s22] =	dma.local [hbm:s5], s20  }
0x9e: {  	_ =	swait.ge [sflag:s22], s20  }
0x9f: {  	s4 =	ssub.s32 $0x0, s20;
	[sflag:s22] =	ssyncset.done $0x0  }
0xa0: {  	[sflag:s22] =	ssyncadd.s32 s4;
	_ =	sdelay $0x1  }
0xa1: {  	s23 =	simm.s32 $0x1B8B  }
0xa2: {  	_ =	swait.ge [sflag:s23], $0x1  }
0xa3: {  	[sflag:s23] =	ssyncset.done $0x0  }
0xa4: {  	s25 =	simm.s32 $0x1B8E;
	s24 =	sld [smem:$0x3FFE];
	[sflag:s23] =	ssyncadd.s32 $0xFFFFFFFF  }
0xa5: {  	s26 =	simm.s32 $execute0_lowered;
	[smem:$0x3FD2] =	sst s25  }
0xa6: {  	s5 =	sshll.u32 s26, $0x1;
	_ =	strace $0x80000046;
	[dreg:$0x1] =	wrdreg $0xFFFFFFFF  }
0xa7: {  	s28 =	simm.s32 $_size_execute0_lowered;
	s3 =	sadd.s32 s3, s5;
	[dreg:$0x0] =	wrdreg $0x0  }
0xa8: {  	s5 =	sshll.u32 s28, $0x1;
	[dreg:$0x2] =	wrdreg s3  }
0xa9: {  	[dreg:$0x3] =	wrdreg s5  }
0xaa: {  	[dreg:$0x4] =	wrdreg $0xC0  }
0xab: {  	_ =	task [dreg:s7], $0x5FFFF  }
0xac: {  	[dreg:$0x1] =	wrdreg $0xFFFFFFFF  }
0xad: {  	[dreg:$0x0] =	wrdreg $0x60  }
0xae: {  	[dreg:$0x2] =	wrdreg s24  }
0xaf: {  	[dreg:$0x3] =	wrdreg s2  }
0xb0: {  	[dreg:$0x4] =	wrdreg $0xB0000  }
0xb1: {  	[dreg:$0x5] =	wrdreg $0x150000  }
0xb2: {  	[dreg:$0x6] =	wrdreg $0x9  }
0xb3: {  	_ =	task.clear_ibuf [dreg:s7], $0x7FFFF;
	_ =	strace $0x90000046  }
0xb4: {  	s29 =	simm.s32 $0x9;
	_ =	strace $0x80000048  }
0xb5: {  	_ =	swait.ge [sflag:s29], $0x1  }
0xb6: {  	[sflag:s29] =	ssyncadd.s32 $0xFFFFFFFF  }
0xb7: {  	_ =	strace $0x90000048  }
0xb8: {  	_ =	sfence  }
0xb9: {  	s30 =	sld [smem:$0x0];
	_ =	sdelay $0x2  }
0xba: {  	s31 =	sshll.u32 s1, $0xD;
	s1 =	sshrl.u32 s1, $0x2  }
0xbb: {  	s3 =	sand.u32 $0x4000, s31;
	s1 =	sadd.s32 s1, s30  }
0xbc: {  	s0 =	sor.u32 s3, s0;
	s1 =	sshll.u32 s1, $0x11  }
0xbd: {  	s0 =	sor.u32 s1, s0  }
0xbe: {  	s0 =	sadd.s32 $0x8F2B, s0  }
0xbf: {  	[sflag:s0] =	ssyncadd.remote.s32 $0x1  }
0xc0: {  	_ =	sfence.sel $0xFFFF  }
0xc1: {  	[dreg:$0x0] =	wrdreg $0xFFFFFFFF;
	(pc) =	sbr.abs _section_cstart, $3  }
0xc2: {  	[dreg:$0x1] =	wrdreg $0xFFFFFFFF  }
0xc3: {  	_ =	task.clear_ibuf [dreg:s7], $0x2FFFF;
	_ =	strace $0x9FFFFFFF  }
0xc4: {  	(tm) =	ssettm $0x7FFFFFFF  }
0xc5: {  	_ =	shalt  }
tec
execute0_lowered:
.L_overlay_start_1:
0x0: {  	(tag) =	ssettag $0x1  }
0x1: {  	s0 =	rddreg [dreg:$0x0]  }
0x2: {  	s3 =	rddreg [dreg:$0x2]  }
0x3: {  	s4 =	rddreg [dreg:$0x3];
	s11 =	stileid.u32  }
0x4: {  	s1 =	srdreg.scid;
	s5 =	simm.s32 $0x0;
	s15 =	simm.s32 $0x80  }
0x5: {  	s16 =	simm.s32 $0x5000;
	s17 =	simm.s32 $0x7000;
	s18 =	simm.s32 $0x1  }
0x6: {  	s19 =	simm.s32 $0x2800;
	s20 =	simm.s32 $0x100;
	s21 =	simm.s32 $0x9000  }
0x7: {  	s22 =	simm.s32 $0x2;
	s23 =	simm.s32 $0x4F00;
	s24 =	simm.s32 $0x4F80  }
0x8: {  	s25 =	simm.s32 $0x3;
	s26 =	simm.s32 $0x0;
	s2 =	smul.u32 $0xA000, s11  }
0x9: {  	s1 =	sand.u32 $0x1, s1;
	[smem:$0x7FF] =	sst s5;
	s30 =	sshll.u32 s11, $0x6  }
0xa: {  	s6 =	sshll.u32 s1, $0x4;
	s7 =	smul.u32 $0x140000, s1;
	_ =	strace $0x80000047  }
0xb: {  	s1 =	ssub.s32 $0x2, s1;
	s8 =	sshrl.u32 s2, $0x3;
	s6 =	sor.u32 s11, s6  }
0xc: {  	s28 =	sshrl.u32 s1, $0x1;
	s13 =	sadd.s32 s2, s3;
	s6 =	smul.u32 $0xA00, s6  }
0xd: {  	s7 =	sadd.s32 s2, s7;
	s10 =	sadd.s32 s8, s0;
	s1 =	ssub.s32 s1, s28  }
0xe: {  	s2 =	sadd.s32 s2, s4;
	s13 =	sshrl.u32 s13, $0x3;
	s7 =	sshrl.u32 s7, $0x3  }
0xf: {  	s29 =	sadd.s32 $0x15600, s10;
	s10 =	sadd.s32 $0x1600, s10;
	s12 =	smax.u32 s1, $0x1  }
0x10: {  	s14 =	sshrl.u32 s2, $0x3;
	s9 =	sadd.s32 s6, s0;
	s0 =	sadd.s32 s7, s0  }
0x11: {  	[dreg:$0x5] =	wrdreg s29;
	s7 =	sor.u32 $0x1C03, s30;
	s31 =	sadd.s32 $0x3D600, s0  }
0x12: {  	s8 =	sadd.s32 $0x29600, s9;
	s11 =	sadd.s32 $0x51600, s0;
	[dreg:$0x6] =	wrdreg s31  }
.LBB2_1:
0x13: {  	s0 =	rddreg [dreg:$0x5]  }
0x14: {  	[spmem:s13], [sflag:s7] =	dma.local [hbm:s0], $0x1400  }
0x15: {  	_ =	swait.ge [sflag:s25], $0x1400  }
0x16: {  	[sflag:s25] =	ssyncset.done $0x0  }
0x17: {  	[sflag:s25] =	ssyncadd.s32 $0xFFFFEC00  }
0x18: {  	s6 =	rddreg [dreg:$0x1]  }
0x19: {  	[spmem:s14], [sflag:s7] =	dma.local [hbm:s6], $0x1400  }
0x1a: {  	_ =	swait.ge [sflag:s25], $0x1400  }
0x1b: {  	[sflag:s25] =	ssyncset.done $0x0  }
0x1c: {  	[sflag:s25] =	ssyncadd.s32 $0xFFFFEC00  }
0x1d: {  	s9 =	smul.u32 $0xAB, s25;
	[bflag:$0x0] =	sbarrier.arrive $0xFFFF  }
0x1e: {  	[tilespmem:s5], [sflag:$0x3] =	stream.linear.gather [hbm4b:s8+s5], $0x5000, $0x38;
	[tilespmem:$0x1F000] =	vst v63  }
0x1f: {  	_ =	swait.ge [sflag:s25], $0x5000  }
0x20: {  	s1 =	sadd.s32 $0xFFFFFEAA, s9;
	[sflag:s25] =	ssyncset.done $0x0  }
0x21: {  	s1 =	sshrl.u32 s1, $0x9;
	[sflag:s25] =	ssyncadd.s32 $0xFFFFB000  }
0x22: {  	[tilespmem:s16], [sflag:$0x1] =	stream.indirect.gather [spmem:s3], $0x40, s5, s15, $0xb8;
	[tilespmem:$0x1F000] =	vst v63  }
0x23: {  	s1 =	sand.u32 $0x7F, s1  }
0x24: {  	[tilespmem:s17], [sflag:$0x1] =	stream.indirect.gather [spmem:s3], $0x40, s15, s15, $0xb8;
	[tilespmem:$0x1F000] =	vst v63  }
0x25: {  	s1 =	smul.u32 $0x3, s1;
	_ =	swait.ge [sflag:s18], $0x2000  }
0x26: {  	[sflag:s18] =	ssyncset.done $0x0  }
0x27: {  	s1 =	ssub.s32 $0x3, s1;
	[sflag:s18] =	ssyncadd.s32 $0xFFFFE000  }
0x28: {  	[spmem:s4] =	stream.indirect.scatter.add.f32 [tilespmem:s16], [sflag:$0x2], $0x40, s19, s15, $0xb8;
	[tilespmem:$0x1F000] =	vst v63  }
0x29: {  	s1 =	sadd.s32 $0xFFFFFFFE, s1  }
0x2a: {  	[tilespmem:s21], [sflag:$0x1] =	stream.indirect.gather [spmem:s3], $0x40, s20, s15, $0xb8;
	[tilespmem:$0x1F000] =	vst v63  }
0x2b: {  	s30 =	simm.s32 $0x2880;
	s1 =	sand.u32 $0xFF, s1;
	_ =	swait.ge [sflag:s18], $0x2000  }
0x2c: {  	s28 =	simm.s32 $0x4;
	s1 =	sshll.u32 s1, $0xD;
	[sflag:s18] =	ssyncset.done $0x0  }
0x2d: {  	s0 =	sshrl.u32 s9, $0x9;
	s1 =	sadd.s32 $0x5000, s1;
	[sflag:s18] =	ssyncadd.s32 $0xFFFFE000  }
0x2e: {  	[spmem:s4] =	stream.indirect.scatter.add.f32 [tilespmem:s1], [sflag:$0x2], $0x40, s30, s15, $0xb8;
	[tilespmem:$0x1F000] =	vst v63  }
0x2f: {  	s31 =	smul.u32 $0xAB, s28;
	s0 =	sand.u32 $0x7F, s0;
	_ =	swait.ge [sflag:s22], $0x2000  }
0x30: {  	s2 =	simm.s32 $0x5;
	s1 =	smul.u32 $0x3, s0;
	[sflag:s22] =	ssyncset.done $0x0  }
0x31: {  	s29 =	simm.s32 $0x2900;
	s0 =	simm.s32 $0x3;
	[sflag:s22] =	ssyncadd.s32 $0xFFFFE000  }
.LBB2_2:
0x32: {  	s6 =	sadd.s32 $0xFFFFFEAA, s31;
	s1 =	ssub.s32 s0, s1  }
0x33: {  	s0 =	smov.u32 s28;
	s28 =	smov.u32 s2;
	s9 =	sadd.s32 $0x1, s2  }
0x34: {  	p0 =	sne.s32 s2, $0x4F;
	s2 =	sshrl.u32 s6, $0x9;
	s1 =	sand.u32 $0xFF, s1  }
0x35: {  	s2 =	sand.u32 $0x7F, s2;
	s1 =	sshll.u32 s1, $0xD  }
0x36: {  	s6 =	sadd.s32 $0xFFFFD900, s30;
	s2 =	smul.u32 $0x3, s2;
	s1 =	sadd.s32 $0x5000, s1  }
0x37: {  	[tilespmem:s1], [sflag:$0x1] =	stream.indirect.gather [spmem:s3], $0x40, s6, s15, $0xb8;
	[tilespmem:$0x1F000] =	vst v63  }
0x38: {  	s30 =	smov.u32 s29;
	s1 =	ssub.s32 s0, s2  }
0x39: {  	s1 =	sadd.s32 $0xFFFFFFFE, s1  }
0x3a: {  	s1 =	sand.u32 $0xFF, s1;
	_ =	swait.ge [sflag:s18], $0x2000  }
0x3b: {  	s2 =	sshrl.u32 s31, $0x9;
	s1 =	sshll.u32 s1, $0xD;
	[sflag:s18] =	ssyncset.done $0x0  }
.Ltmp0:
0x3c: {  	s1 =	sadd.s32 $0x5000, s1;
	[sflag:s18] =	ssyncadd.s32 $0xFFFFE000;
	(pc) =	sbr.rel @p0 .LBB2_2-.Ltmp0, $4  }
0x3d: {  	[spmem:s4] =	stream.indirect.scatter.add.f32 [tilespmem:s1], [sflag:$0x2], $0x40, s29, s15, $0xb8;
	[tilespmem:$0x1F000] =	vst v63  }
0x3e: {  	s31 =	smul.u32 $0xAB, s28;
	s1 =	sand.u32 $0x7F, s2;
	_ =	swait.ge [sflag:s22], $0x2000  }
0x3f: {  	s1 =	smul.u32 $0x3, s1;
	[sflag:s22] =	ssyncset.done $0x0  }
0x40: {  	s29 =	sadd.s32 $0x80, s29;
	s2 =	smov.u32 s9;
	[sflag:s22] =	ssyncadd.s32 $0xFFFFE000  }
0x41: {  	s2 =	sadd.s32 $0xFFFFFEAA, s31;
	s0 =	ssub.s32 s0, s1  }
0x42: {  	s6 =	sshrl.u32 s2, $0x9;
	s0 =	sand.u32 $0xFF, s0  }
0x43: {  	s1 =	sand.u32 $0x7F, s6;
	s0 =	sshll.u32 s0, $0xD  }
0x44: {  	s9 =	sadd.s32 $0xFFFFD900, s30;
	s1 =	smul.u32 $0x3, s1;
	s0 =	sadd.s32 $0x5000, s0  }
0x45: {  	[tilespmem:s0], [sflag:$0x1] =	stream.indirect.gather [spmem:s3], $0x40, s9, s15, $0xb8;
	[tilespmem:$0x1F000] =	vst v63  }
0x46: {  	s9 =	sshrl.u32 s31, $0x9;
	s6 =	ssub.s32 s28, s1  }
0x47: {  	s1 =	sand.u32 $0x7F, s9;
	s0 =	sadd.s32 $0xFFFFFFFE, s6  }
0x48: {  	_ =	swait.ge [sflag:s18], $0x2000;
	s1 =	smul.u32 $0x3, s1;
	s0 =	sand.u32 $0xFF, s0  }
0x49: {  	[sflag:s18] =	ssyncset.done $0x0;
	s0 =	sshll.u32 s0, $0xD  }
0x4a: {  	[sflag:s18] =	ssyncadd.s32 $0xFFFFE000;
	s2 =	ssub.s32 s28, s1;
	s0 =	sadd.s32 $0x5000, s0  }
0x4b: {  	[spmem:s4] =	stream.indirect.scatter.add.f32 [tilespmem:s0], [sflag:$0x2], $0x40, s29, s15, $0xb8;
	[tilespmem:$0x1F000] =	vst v63  }
0x4c: {  	s0 =	sand.u32 $0xFF, s2;
	_ =	swait.ge [sflag:s22], $0x2000  }
0x4d: {  	s0 =	sshll.u32 s0, $0xD;
	[sflag:s22] =	ssyncset.done $0x0  }
0x4e: {  	s6 =	sadd.s32 $0xFFFFD900, s29;
	s0 =	sadd.s32 $0x5000, s0;
	[sflag:s22] =	ssyncadd.s32 $0xFFFFE000  }
0x4f: {  	[tilespmem:s0], [sflag:$0x1] =	stream.indirect.gather [spmem:s3], $0x40, s6, s15, $0xb8;
	[tilespmem:$0x1F000] =	vst v63  }
0x50: {  	_ =	swait.ge [sflag:s18], $0x2000  }
0x51: {  	[sflag:s18] =	ssyncset.done $0x0  }
0x52: {  	[sflag:s18] =	ssyncadd.s32 $0xFFFFE000  }
0x53: {  	[spmem:s4] =	stream.indirect.scatter.add.f32 [tilespmem:s16], [sflag:$0x2], $0x40, s23, s15, $0xb8;
	[tilespmem:$0x1F000] =	vst v63  }
0x54: {  	_ =	swait.ge [sflag:s22], $0x2000  }
0x55: {  	[sflag:s22] =	ssyncset.done $0x0  }
0x56: {  	[sflag:s22] =	ssyncadd.s32 $0xFFFFE000  }
0x57: {  	_ =	swait.ge [sflag:s18], $0x2000  }
0x58: {  	[sflag:s18] =	ssyncset.done $0x0  }
0x59: {  	[sflag:s18] =	ssyncadd.s32 $0xFFFFE000  }
0x5a: {  	[spmem:s4] =	stream.indirect.scatter.add.f32 [tilespmem:s17], [sflag:$0x2], $0x40, s24, s15, $0xb8;
	[tilespmem:$0x1F000] =	vst v63  }
0x5b: {  	_ =	swait.ge [sflag:s22], $0x2000  }
0x5c: {  	[sflag:s22] =	ssyncset.done $0x0  }
0x5d: {  	[sflag:s22] =	ssyncadd.s32 $0xFFFFE000  }
0x5e: {  	_ =	swait.ge [sflag:s22], $0x2000  }
0x5f: {  	[sflag:s22] =	ssyncset.done $0x0  }
0x60: {  	[sflag:s22] =	ssyncadd.s32 $0xFFFFE000  }
0x61: {  	[bflag:$0x0] =	sbarrier.arrive $0xFFFF  }
0x62: {  	s28 =	simm.s32 $0x3;
	s9 =	rddreg [dreg:$0x6]  }
0x63: {  	[hbm:s9], [sflag:s7] =	dma.local [spmem:s14], $0x1400  }
0x64: {  	_ =	swait.ge [sflag:s28], $0x1400  }
0x65: {  	[sflag:s28] =	ssyncset.done $0x0  }
0x66: {  	[sflag:s28] =	ssyncadd.s32 $0xFFFFEC00  }
0x67: {  	[bflag:$0x0] =	sbarrier.arrive $0xFFFF  }
0x68: {  	[spmem:s13], [sflag:s7] =	dma.local [hbm:s10], $0x1400  }
0x69: {  	_ =	swait.ge [sflag:s28], $0x1400  }
0x6a: {  	[sflag:s28] =	ssyncset.done $0x0  }
0x6b: {  	[sflag:s28] =	ssyncadd.s32 $0xFFFFEC00  }
0x6c: {  	s1 =	rddreg [dreg:$0x1]  }
0x6d: {  	[spmem:s14], [sflag:s7] =	dma.local [hbm:s1], $0x1400  }
0x6e: {  	_ =	swait.ge [sflag:s28], $0x1400  }
0x6f: {  	[sflag:s28] =	ssyncset.done $0x0  }
0x70: {  	[sflag:s28] =	ssyncadd.s32 $0xFFFFEC00  }
0x71: {  	s2 =	smul.u32 $0xAB, s28;
	[bflag:$0x0] =	sbarrier.arrive $0xFFFF  }
0x72: {  	[tilespmem:s5], [sflag:$0x3] =	stream.linear.gather [hbm4b:s8+s5], $0x5000, $0x38;
	[tilespmem:$0x1F000] =	vst v63  }
0x73: {  	_ =	swait.ge [sflag:s28], $0x5000  }
0x74: {  	s6 =	sadd.s32 $0xFFFFFEAA, s2;
	[sflag:s28] =	ssyncset.done $0x0  }
0x75: {  	s1 =	sshrl.u32 s6, $0x9;
	[sflag:s28] =	ssyncadd.s32 $0xFFFFB000  }
0x76: {  	[tilespmem:s16], [sflag:$0x1] =	stream.indirect.gather [spmem:s3], $0x40, s5, s15, $0xb8;
	[tilespmem:$0x1F000] =	vst v63  }
0x77: {  	s1 =	sand.u32 $0x7F, s1  }
0x78: {  	[tilespmem:s17], [sflag:$0x1] =	stream.indirect.gather [spmem:s3], $0x40, s15, s15, $0xb8;
	[tilespmem:$0x1F000] =	vst v63  }
0x79: {  	s1 =	smul.u32 $0x3, s1;
	_ =	swait.ge [sflag:s18], $0x2000  }
0x7a: {  	[sflag:s18] =	ssyncset.done $0x0  }
0x7b: {  	s1 =	ssub.s32 $0x3, s1;
	[sflag:s18] =	ssyncadd.s32 $0xFFFFE000  }
0x7c: {  	[spmem:s4] =	stream.indirect.scatter.add.f32 [tilespmem:s16], [sflag:$0x2], $0x40, s19, s15, $0xb8;
	[tilespmem:$0x1F000] =	vst v63  }
0x7d: {  	s1 =	sadd.s32 $0xFFFFFFFE, s1  }
0x7e: {  	[tilespmem:s21], [sflag:$0x1] =	stream.indirect.gather [spmem:s3], $0x40, s20, s15, $0xb8;
	[tilespmem:$0x1F000] =	vst v63  }
0x7f: {  	s31 =	simm.s32 $0x2880;
	s1 =	sand.u32 $0xFF, s1;
	_ =	swait.ge [sflag:s18], $0x2000  }
0x80: {  	s29 =	simm.s32 $0x4;
	s1 =	sshll.u32 s1, $0xD;
	[sflag:s18] =	ssyncset.done $0x0  }
0x81: {  	s9 =	sshrl.u32 s2, $0x9;
	s1 =	sadd.s32 $0x5000, s1;
	[sflag:s18] =	ssyncadd.s32 $0xFFFFE000  }
0x82: {  	[spmem:s4] =	stream.indirect.scatter.add.f32 [tilespmem:s1], [sflag:$0x2], $0x40, s31, s15, $0xb8;
	[tilespmem:$0x1F000] =	vst v63  }
0x83: {  	s0 =	smul.u32 $0xAB, s29;
	s2 =	sand.u32 $0x7F, s9;
	_ =	swait.ge [sflag:s22], $0x2000  }
0x84: {  	s2 =	smul.u32 $0x3, s2;
	[sflag:s22] =	ssyncset.done $0x0  }
0x85: {  	s30 =	simm.s32 $0x2900;
	s1 =	simm.s32 $0x5;
	[sflag:s22] =	ssyncadd.s32 $0xFFFFE000  }
.LBB2_4:
0x86: {  	s6 =	sadd.s32 $0xFFFFFEAA, s0;
	s2 =	ssub.s32 s28, s2  }
0x87: {  	s28 =	smov.u32 s29;
	s29 =	smov.u32 s1;
	s9 =	sadd.s32 $0x1, s1  }
0x88: {  	p0 =	sne.s32 s1, $0x4F;
	s1 =	sshrl.u32 s6, $0x9;
	s2 =	sand.u32 $0xFF, s2  }
0x89: {  	s1 =	sand.u32 $0x7F, s1;
	s2 =	sshll.u32 s2, $0xD  }
0x8a: {  	s6 =	sadd.s32 $0xFFFFD900, s31;
	s1 =	smul.u32 $0x3, s1;
	s2 =	sadd.s32 $0x5000, s2  }
0x8b: {  	[tilespmem:s2], [sflag:$0x1] =	stream.indirect.gather [spmem:s3], $0x40, s6, s15, $0xb8;
	[tilespmem:$0x1F000] =	vst v63  }
0x8c: {  	s31 =	smov.u32 s30;
	s1 =	ssub.s32 s28, s1  }
0x8d: {  	s1 =	sadd.s32 $0xFFFFFFFE, s1  }
0x8e: {  	s1 =	sand.u32 $0xFF, s1;
	_ =	swait.ge [sflag:s18], $0x2000  }
0x8f: {  	s2 =	sshrl.u32 s0, $0x9;
	s1 =	sshll.u32 s1, $0xD;
	[sflag:s18] =	ssyncset.done $0x0  }
.Ltmp1:
0x90: {  	s0 =	sadd.s32 $0x5000, s1;
	[sflag:s18] =	ssyncadd.s32 $0xFFFFE000;
	(pc) =	sbr.rel @p0 .LBB2_4-.Ltmp1, $4  }
0x91: {  	[spmem:s4] =	stream.indirect.scatter.add.f32 [tilespmem:s0], [sflag:$0x2], $0x40, s30, s15, $0xb8;
	[tilespmem:$0x1F000] =	vst v63  }
0x92: {  	s1 =	sand.u32 $0x7F, s2;
	s0 =	smul.u32 $0xAB, s29;
	_ =	swait.ge [sflag:s22], $0x2000  }
0x93: {  	s2 =	smul.u32 $0x3, s1;
	[sflag:s22] =	ssyncset.done $0x0  }
0x94: {  	s30 =	sadd.s32 $0x80, s30;
	s1 =	smov.u32 s9;
	[sflag:s22] =	ssyncadd.s32 $0xFFFFE000  }
0x95: {  	s1 =	sadd.s32 $0xFFFFFEAA, s0;
	s2 =	ssub.s32 s28, s2  }
0x96: {  	s1 =	sshrl.u32 s1, $0x9;
	s2 =	sand.u32 $0xFF, s2  }
0x97: {  	s1 =	sand.u32 $0x7F, s1;
	s2 =	sshll.u32 s2, $0xD  }
0x98: {  	s6 =	sadd.s32 $0xFFFFD900, s31;
	s1 =	smul.u32 $0x3, s1;
	s2 =	sadd.s32 $0x5000, s2  }
0x99: {  	[tilespmem:s2], [sflag:$0x1] =	stream.indirect.gather [spmem:s3], $0x40, s6, s15, $0xb8;
	[tilespmem:$0x1F000] =	vst v63  }
0x9a: {  	s28 =	sshrl.u32 s0, $0x9;
	s1 =	ssub.s32 s29, s1  }
0x9b: {  	s0 =	sand.u32 $0x7F, s28;
	s1 =	sadd.s32 $0xFFFFFFFE, s1  }
0x9c: {  	s0 =	smul.u32 $0x3, s0;
	_ =	swait.ge [sflag:s18], $0x2000;
	s1 =	sand.u32 $0xFF, s1  }
0x9d: {  	[sflag:s18] =	ssyncset.done $0x0;
	s1 =	sshll.u32 s1, $0xD  }
0x9e: {  	s0 =	ssub.s32 s29, s0;
	[sflag:s18] =	ssyncadd.s32 $0xFFFFE000;
	s1 =	sadd.s32 $0x5000, s1  }
0x9f: {  	[spmem:s4] =	stream.indirect.scatter.add.f32 [tilespmem:s1], [sflag:$0x2], $0x40, s30, s15, $0xb8;
	[tilespmem:$0x1F000] =	vst v63  }
0xa0: {  	s0 =	sand.u32 $0xFF, s0;
	_ =	swait.ge [sflag:s22], $0x2000  }
0xa1: {  	s0 =	sshll.u32 s0, $0xD;
	[sflag:s22] =	ssyncset.done $0x0  }
0xa2: {  	s31 =	sadd.s32 $0xFFFFD900, s30;
	s0 =	sadd.s32 $0x5000, s0;
	[sflag:s22] =	ssyncadd.s32 $0xFFFFE000  }
0xa3: {  	[tilespmem:s0], [sflag:$0x1] =	stream.indirect.gather [spmem:s3], $0x40, s31, s15, $0xb8;
	[tilespmem:$0x1F000] =	vst v63  }
0xa4: {  	_ =	swait.ge [sflag:s18], $0x2000  }
0xa5: {  	[sflag:s18] =	ssyncset.done $0x0  }
0xa6: {  	[sflag:s18] =	ssyncadd.s32 $0xFFFFE000  }
0xa7: {  	[spmem:s4] =	stream.indirect.scatter.add.f32 [tilespmem:s16], [sflag:$0x2], $0x40, s23, s15, $0xb8;
	[tilespmem:$0x1F000] =	vst v63  }
0xa8: {  	_ =	swait.ge [sflag:s22], $0x2000  }
0xa9: {  	[sflag:s22] =	ssyncset.done $0x0  }
0xaa: {  	[sflag:s22] =	ssyncadd.s32 $0xFFFFE000  }
0xab: {  	_ =	swait.ge [sflag:s18], $0x2000  }
0xac: {  	[sflag:s18] =	ssyncset.done $0x0  }
0xad: {  	[sflag:s18] =	ssyncadd.s32 $0xFFFFE000  }
0xae: {  	[spmem:s4] =	stream.indirect.scatter.add.f32 [tilespmem:s17], [sflag:$0x2], $0x40, s24, s15, $0xb8;
	[tilespmem:$0x1F000] =	vst v63  }
0xaf: {  	_ =	swait.ge [sflag:s22], $0x2000  }
0xb0: {  	[sflag:s22] =	ssyncset.done $0x0  }
0xb1: {  	[sflag:s22] =	ssyncadd.s32 $0xFFFFE000  }
0xb2: {  	_ =	swait.ge [sflag:s22], $0x2000  }
0xb3: {  	[sflag:s22] =	ssyncset.done $0x0  }
0xb4: {  	s26 =	sadd.s32 $0x1, s26;
	[sflag:s22] =	ssyncadd.s32 $0xFFFFE000  }
0xb5: {  	p0 =	sne.s32 s26, s12;
	[bflag:$0x0] =	sbarrier.arrive $0xFFFF  }
0xb6: {  	[hbm:s11], [sflag:s7] =	dma.local [spmem:s14], $0x1400  }
.Ltmp2:
0xb7: {  	_ =	swait.ge [sflag:s25], $0x1400;
	(pc) =	sbr.rel @p0 .LBB2_1-.Ltmp2, $3  }
0xb8: {  	[sflag:s25] =	ssyncset.done $0x0  }
0xb9: {  	[sflag:s25] =	ssyncadd.s32 $0xFFFFEC00  }
0xba: {  	[bflag:$0x0] =	sbarrier.arrive $0xFFFF;
	_ =	sdelay $0x1  }
0xbb: {  	_ =	sfence.sel $0x180000  }
0xbc: {  	[bflag:$0x0] =	sbarrier.arrive $0xFFFF  }
0xbd: {  	_ =	strace $0x90000047  }
0xbe: {  	s0 =	stileid.u32;
	[bflag:$0x2] =	sbarrier.arrive $0xFFFF  }
0xbf: {  	p0 =	sne.s32 s0, $0x0;
	s0 =	rddreg [dreg:$0x4]  }
0xc0: {  	s0 =	sadd.s32 @!p0 $0x100000, s0  }
0xc1: {  	[sflag:s0] =	ssyncadd.tile.s32 @!p0 $0x1;
	_ =	shalt  }
.Lfunc_end2:
_tile_overlayer_lowered:
.L_overlay_start_2:
0xc2: {  	(tag) =	ssettag $0x2  }
0xc3: {  	s0 =	rddreg [dreg:$0x0];
	s2 =	stileid.u32  }
0xc4: {  	s1 =	rddreg [dreg:$0x1];
	p0 =	sne.s32 s2, $0x0  }
0xc5: {  	s3 =	rddreg [dreg:$0x2];
	[bflag:$0x3] =	sbarrier.arrive $0xFFFF;
	s2 =	simm.s32 @!p0 $0x1C03  }
0xc6: {  	[timem:s3], [sflag:s2] =	dma.local @!p0 [hbm:s0], s1  }
0xc7: {  	s0 =	simm.s32 @!p0 $0x3  }
0xc8: {  	_ =	swait.ge @!p0 [sflag:s0], s1  }
0xc9: {  	s1 =	ssub.s32 @!p0 $0x0, s1;
	[sflag:s0] =	ssyncset.done @!p0 $0x0  }
0xca: {  	[sflag:s0] =	ssyncadd.s32 @!p0 s1  }
0xcb: {  	[bflag:$0x3] =	sbarrier.arrive $0xFFFF  }
0xcc: {  	_ =	shalt  }

// kernel: kernel.9.cloned.1.call-start
scs
__scs_entry_jumppad:
0x0: {  	(pc) =	sbr.rel $0x88, $3  }
0x1: {  	(tag) =	ssettag $0x0;
	lr =	simm.s32 $0x1  }
0x2: {  	[smem:$0x3F97] =	sst lr;
	_ =	strace $0xD0000000  }
0x3: {  	_ = 	snop  }
0x4: {  	_ = 	snop  }
0x5: {  	_ = 	snop  }
0x6: {  	_ = 	snop  }
0x7: {  	_ = 	snop  }
__scs_overlays_trampoline_lowered:
0x8: {  	[smem:$0x3FA6] =	sst s0  }
0x9: {  	[smem:$0x3FA7] =	sst s1  }
0xa: {  	[smem:$0x3FA8] =	sst s2  }
0xb: {  	[smem:$0x3FA9] =	sst s3  }
0xc: {  	[smem:$0x3FAA] =	sst s4  }
0xd: {  	[smem:$0x3FAB] =	sst s5  }
0xe: {  	[smem:$0x3FAC] =	sst s6  }
0xf: {  	[smem:$0x3FAD] =	sst s7  }
0x10: {  	[smem:$0x3FAE] =	sst s8  }
0x11: {  	[smem:$0x3FAF] =	sst s9;
	s0 =	simm.s32 @!p0 $0x0  }
0x12: {  	s1 =	sld [smem:$0x3F95];
	s0 =	simm.s32 @p0 $0x1  }
0x13: {  	[smem:$0x3FB0] =	sst s0;
	s0 =	simm.s32 @!p1 $0x0  }
0x14: {  	s2 =	sld [smem:$0x3F94];
	s0 =	simm.s32 @p1 $0x1  }
0x15: {  	[smem:$0x3FB1] =	sst s0;
	s0 =	simm.s32 @!p2 $0x0  }
0x16: {  	s3 =	sld [smem:$0x3FDB];
	s0 =	simm.s32 @p2 $0x1  }
0x17: {  	s4 =	simm.s32 $0x1BF5;
	[smem:$0x3FB3] =	sst s0  }
0x18: {  	s0 =	sld [smem:$0x3F96];
	_ =	swait.ge [sflag:s4], $0x0  }
0x19: {  	s7 =	sld [smem:$0x3F97]  }
0x1a: {  	s8 =	sadd.s32 $0xFFFFE003, lr  }
0x1b: {  	s9 =	sadd.s32 $0xFFFFFEF7, lr;
	s5 =	simm.s32 $0xFFFFFFFF;
	p2 =	slt.u32 s8, $0xFFFFF086  }
0x1c: {  	p1 =	slt.u32 s9, $0xF7A;
	s5 =	simm.s32 @!p2 $0x0  }
0x1d: {  	s5 =	simm.s32 @p1 $0x1;
	p0 =	seq.s32 s7, s2  }
0x1e: {  	s7 =	smul.u32 @!p0 $0xF7A, s2;
	p2 =	seq.s32 @!p0 s5, $0x0  }
0x1f: {  	s9 =	smul.u32 $0xF7A, s1;
	s8 =	simm.s32 @!p0 $0x1BF5;
	p2 =	por !p2, p0  }
0x20: {  	[sflag:s8] =	ssyncset.s32 @!p0 $0xFFFFF086;
	s6 =	sadd.s32 @!p0 s3, s7;
	s7 =	simm.s32 @!p0 $0x108  }
0x21: {  	s3 =	sadd.s32 s3, s9;
	s6 =	sadd.s32 @!p0 $0x88, s6;
	s7 =	simm.s32 @p2 $0x1082  }
0x22: {  	[simem:s7], [sflag:s8] =	dma.local @!p0 [hbm:s6], $0xF7A  }
0x23: {  	s9 =	sor.u32 $0xD0000000, s2;
	s6 =	simm.s32 $0x108;
	_ =	swait.ge @!p0 [sflag:s8], $0x0  }
0x24: {  	s3 =	sadd.s32 $0x88, s3;
	s6 =	simm.s32 @!p1 $0x1082;
	[sflag:s4] =	ssyncset.s32 $0xFFFFF086  }
0x25: {  	[simem:s6], [sflag:s4] =	dma.local [hbm:s3], $0xF7A  }
0x26: {  	[smem:$0x3F97] =	sst s1;
	(tag) =	ssettag s2;
	_ =	strace s9  }
0x27: {  	s1 =	sld [smem:$0x3FA7]  }
0x28: {  	s2 =	sld [smem:$0x3FA8]  }
0x29: {  	s4 =	sld [smem:$0x3FAA]  }
0x2a: {  	p0 =	seq.s32 s5, $0x0;
	s5 =	sld [smem:$0x3FAB]  }
0x2b: {  	s6 =	sld [smem:$0x3FAC]  }
0x2c: {  	s7 =	sld [smem:$0x3FAD]  }
0x2d: {  	s3 =	simm.s32 $0x108;
	s8 =	sld [smem:$0x3FAE]  }
0x2e: {  	s3 =	simm.s32 @!p0 $0x1082;
	s9 =	sld [smem:$0x3FAF]  }
0x2f: {  	lr =	sadd.s32 s0, s3;
	s0 =	sld [smem:$0x3FA6]  }
0x30: {  	s3 =	sld [smem:$0x3FA9]  }
0x31: {  	[smem:$0x3FB2] =	sst s10  }
0x32: {  	s10 =	sld [smem:$0x3FB0];
	_ =	sdelay $0x3  }
0x33: {  	p0 =	seq.s32 s10, $0x1;
	s10 =	sld [smem:$0x3FB2];
	_ =	sdelay $0x3  }
0x34: {  	[smem:$0x3FB2] =	sst s10  }
0x35: {  	s10 =	sld [smem:$0x3FB1];
	_ =	sdelay $0x3  }
0x36: {  	p1 =	seq.s32 s10, $0x1;
	s10 =	sld [smem:$0x3FB2];
	_ =	sdelay $0x3  }
0x37: {  	[smem:$0x3FB2] =	sst s10  }
0x38: {  	s10 =	sld [smem:$0x3FB3]  }
0x39: {  	_ = 	snop;
	(pc) =	sbr.ind lr, $3  }
0x3a: {  	_ = 	snop  }
0x3b: {  	_ = 	snop  }
0x3c: {  	p2 =	seq.s32 s10, $0x1;
	s10 =	sld [smem:$0x3FB2]  }
0x3d: {  	_ =	shalt  }
0x3e: {  	_ =	shalt  }
0x3f: {  	_ =	shalt  }
0x40: {  	_ =	shalt  }
0x41: {  	_ =	shalt  }
0x42: {  	_ =	shalt  }
0x43: {  	_ =	shalt  }
0x44: {  	_ =	shalt  }
0x45: {  	_ =	shalt  }
0x46: {  	_ =	shalt  }
0x47: {  	_ =	shalt  }
0x48: {  	_ =	shalt  }
0x49: {  	_ =	shalt  }
0x4a: {  	_ =	shalt  }
0x4b: {  	_ =	shalt  }
0x4c: {  	_ =	shalt  }
0x4d: {  	_ =	shalt  }
0x4e: {  	_ =	shalt  }
0x4f: {  	_ =	shalt  }
0x50: {  	_ =	shalt  }
0x51: {  	_ =	shalt  }
0x52: {  	_ =	shalt  }
0x53: {  	_ =	shalt  }
0x54: {  	_ =	shalt  }
0x55: {  	_ =	shalt  }
0x56: {  	_ =	shalt  }
0x57: {  	_ =	shalt  }
0x58: {  	_ =	shalt  }
0x59: {  	_ =	shalt  }
0x5a: {  	_ =	shalt  }
0x5b: {  	_ =	shalt  }
0x5c: {  	_ =	shalt  }
0x5d: {  	_ =	shalt  }
0x5e: {  	_ =	shalt  }
0x5f: {  	_ =	shalt  }
0x60: {  	_ =	shalt  }
0x61: {  	_ =	shalt  }
0x62: {  	_ =	shalt  }
0x63: {  	_ =	shalt  }
0x64: {  	_ =	shalt  }
0x65: {  	_ =	shalt  }
0x66: {  	_ =	shalt  }
0x67: {  	_ =	shalt  }
0x68: {  	_ =	shalt  }
0x69: {  	_ =	shalt  }
0x6a: {  	_ =	shalt  }
0x6b: {  	_ =	shalt  }
0x6c: {  	_ =	shalt  }
0x6d: {  	_ =	shalt  }
0x6e: {  	_ =	shalt  }
0x6f: {  	_ =	shalt  }
0x70: {  	_ =	shalt  }
0x71: {  	_ =	shalt  }
0x72: {  	_ =	shalt  }
0x73: {  	_ =	shalt  }
0x74: {  	_ =	shalt  }
0x75: {  	_ =	shalt  }
0x76: {  	_ =	shalt  }
0x77: {  	_ =	shalt  }
0x78: {  	_ =	shalt  }
0x79: {  	_ =	shalt  }
0x7a: {  	_ =	shalt  }
0x7b: {  	_ =	shalt  }
0x7c: {  	_ =	shalt  }
0x7d: {  	_ =	shalt  }
0x7e: {  	_ =	shalt  }
0x7f: {  	_ =	shalt  }
0x80: {  	_ =	shalt  }
0x81: {  	_ =	shalt  }
0x82: {  	_ =	shalt  }
0x83: {  	_ =	shalt  }
0x84: {  	_ =	shalt  }
0x85: {  	_ =	shalt  }
0x86: {  	_ =	shalt  }
0x87: {  	_ =	shalt  }
.Lfunc_end0:
.L_simem_size_0:
called_computation.1_lowered:
.L_overlay_start_0:
0x88: {  	s2 =	sld [smem:$0x3FD9]  }
0x89: {  	s3 =	sld [smem:$0x3FFE];
	_ =	sdelay $0x1  }
0x8a: {  	s1 =	srdreg.scid  }
0x8b: {  	s0 =	sand.u32 $0x1, s1  }
0x8c: {  	s17 =	sshll.u32 s0, $0xA;
	s2 =	sadd.s32 s3, s2  }
0x8d: {  	s2 =	sadd.s32 s2, s17  }
0x8e: {  	[smem:$0x3FBE] =	sst s2  }
0x8f: {  	_ = 	snop  }
0x90: {  	s2 =	sld [smem:$0x3FD0];
	(tm) =	ssettm $0x1  }
0x91: {  	s18 =	sld [smem:$0x3FFB];
	_ =	sdelay $0x3  }
0x92: {  	_ =	strace s18  }
0x93: {  	s3 =	sld [smem:$0x3FFC];
	_ =	sdelay $0x3  }
0x94: {  	_ =	strace s3  }
0x95: {  	s3 =	sld [smem:$0x3FFD];
	_ =	sdelay $0x3  }
0x96: {  	_ =	strace s3  }
0x97: {  	_ =	strace $0x8FFFFFFF  }
0x98: {  	s19 =	sld [smem:$0x3FDB];
	_ =	sdelay $0x1  }
0x99: {  	s4 =	simm.s32 $_scs_section_size  }
0x9a: {  	s5 =	simm.s32 $_size__tile_overlayer_lowered;
	s6 =	simm.s32 $_tile_overlayer_lowered  }
0x9b: {  	s22 =	simm.s32 $0x1BFF;
	s21 =	sshll.u32 s6, $0x1;
	s3 =	sadd.s32 s4, s19  }
0x9c: {  	s7 =	simm.s32 $0x0;
	s20 =	sshll.u32 s5, $0x1;
	s5 =	sadd.s32 s21, s3  }
0x9d: {  	[timem:s7], [sflag:s22] =	dma.local [hbm:s5], s20  }
0x9e: {  	_ =	swait.ge [sflag:s22], s20  }
0x9f: {  	s4 =	ssub.s32 $0x0, s20;
	[sflag:s22] =	ssyncset.done $0x0  }
0xa0: {  	[sflag:s22] =	ssyncadd.s32 s4;
	_ =	sdelay $0x1  }
0xa1: {  	s23 =	simm.s32 $0x1B8B  }
0xa2: {  	_ =	swait.ge [sflag:s23], $0x1  }
0xa3: {  	[sflag:s23] =	ssyncset.done $0x0  }
0xa4: {  	s25 =	simm.s32 $0x1B8E;
	s24 =	sld [smem:$0x3FFE];
	[sflag:s23] =	ssyncadd.s32 $0xFFFFFFFF  }
0xa5: {  	s26 =	simm.s32 $execute0_lowered;
	[smem:$0x3FD2] =	sst s25  }
0xa6: {  	s5 =	sshll.u32 s26, $0x1;
	_ =	strace $0x80000049;
	[dreg:$0x1] =	wrdreg $0xFFFFFFFF  }
0xa7: {  	s28 =	simm.s32 $_size_execute0_lowered;
	s3 =	sadd.s32 s3, s5;
	[dreg:$0x0] =	wrdreg $0x0  }
0xa8: {  	s5 =	sshll.u32 s28, $0x1;
	[dreg:$0x2] =	wrdreg s3  }
0xa9: {  	[dreg:$0x3] =	wrdreg s5  }
0xaa: {  	[dreg:$0x4] =	wrdreg $0xC0  }
0xab: {  	_ =	task [dreg:s7], $0x5FFFF  }
0xac: {  	[dreg:$0x1] =	wrdreg $0xFFFFFFFF  }
0xad: {  	[dreg:$0x0] =	wrdreg $0x60  }
0xae: {  	[dreg:$0x2] =	wrdreg s24  }
0xaf: {  	[dreg:$0x3] =	wrdreg s2  }
0xb0: {  	[dreg:$0x4] =	wrdreg $0xB0000  }
0xb1: {  	[dreg:$0x5] =	wrdreg $0x150000  }
0xb2: {  	[dreg:$0x6] =	wrdreg $0x9  }
0xb3: {  	_ =	task.clear_ibuf [dreg:s7], $0x7FFFF;
	_ =	strace $0x90000049  }
0xb4: {  	s29 =	simm.s32 $0x9;
	_ =	strace $0x8000004B  }
0xb5: {  	_ =	swait.ge [sflag:s29], $0x1  }
0xb6: {  	[sflag:s29] =	ssyncadd.s32 $0xFFFFFFFF  }
0xb7: {  	_ =	strace $0x9000004B  }
0xb8: {  	_ =	sfence  }
0xb9: {  	s30 =	sld [smem:$0x0];
	_ =	sdelay $0x2  }
0xba: {  	s31 =	sshll.u32 s1, $0xD;
	s1 =	sshrl.u32 s1, $0x2  }
0xbb: {  	s3 =	sand.u32 $0x4000, s31;
	s1 =	sadd.s32 s1, s30  }
0xbc: {  	s0 =	sor.u32 s3, s0;
	s1 =	sshll.u32 s1, $0x11  }
0xbd: {  	s0 =	sor.u32 s1, s0  }
0xbe: {  	s0 =	sadd.s32 $0x8F2B, s0  }
0xbf: {  	[sflag:s0] =	ssyncadd.remote.s32 $0x1  }
0xc0: {  	_ =	sfence.sel $0xFFFF  }
0xc1: {  	[dreg:$0x0] =	wrdreg $0xFFFFFFFF;
	(pc) =	sbr.abs _section_cstart, $3  }
0xc2: {  	[dreg:$0x1] =	wrdreg $0xFFFFFFFF  }
0xc3: {  	_ =	task.clear_ibuf [dreg:s7], $0x2FFFF;
	_ =	strace $0x9FFFFFFF  }
0xc4: {  	(tm) =	ssettm $0x7FFFFFFF  }
0xc5: {  	_ =	shalt  }
tec
execute0_lowered:
.L_overlay_start_1:
0x0: {  	(tag) =	ssettag $0x1  }
0x1: {  	s0 =	rddreg [dreg:$0x0]  }
0x2: {  	s3 =	rddreg [dreg:$0x2]  }
0x3: {  	s4 =	rddreg [dreg:$0x3];
	s11 =	stileid.u32  }
0x4: {  	s1 =	srdreg.scid;
	s5 =	simm.s32 $0x0;
	s15 =	simm.s32 $0x80  }
0x5: {  	s16 =	simm.s32 $0x5000;
	s17 =	simm.s32 $0x7000;
	s18 =	simm.s32 $0x1  }
0x6: {  	s19 =	simm.s32 $0x2800;
	s20 =	simm.s32 $0x100;
	s21 =	simm.s32 $0x9000  }
0x7: {  	s22 =	simm.s32 $0x2;
	s23 =	simm.s32 $0x4F00;
	s24 =	simm.s32 $0x4F80  }
0x8: {  	s25 =	simm.s32 $0x3;
	s26 =	simm.s32 $0x0;
	s2 =	smul.u32 $0xA000, s11  }
0x9: {  	s1 =	sand.u32 $0x1, s1;
	[smem:$0x7FF] =	sst s5;
	s30 =	sshll.u32 s11, $0x6  }
0xa: {  	s6 =	sshll.u32 s1, $0x4;
	s7 =	smul.u32 $0x140000, s1;
	_ =	strace $0x8000004A  }
0xb: {  	s1 =	ssub.s32 $0x2, s1;
	s8 =	sshrl.u32 s2, $0x3;
	s6 =	sor.u32 s11, s6  }
0xc: {  	s28 =	sshrl.u32 s1, $0x1;
	s13 =	sadd.s32 s2, s3;
	s6 =	smul.u32 $0xA00, s6  }
0xd: {  	s7 =	sadd.s32 s2, s7;
	s10 =	sadd.s32 s8, s0;
	s1 =	ssub.s32 s1, s28  }
0xe: {  	s2 =	sadd.s32 s2, s4;
	s13 =	sshrl.u32 s13, $0x3;
	s7 =	sshrl.u32 s7, $0x3  }
0xf: {  	s29 =	sadd.s32 $0x15600, s10;
	s10 =	sadd.s32 $0x1600, s10;
	s12 =	smax.u32 s1, $0x1  }
0x10: {  	s14 =	sshrl.u32 s2, $0x3;
	s9 =	sadd.s32 s6, s0;
	s0 =	sadd.s32 s7, s0  }
0x11: {  	[dreg:$0x5] =	wrdreg s29;
	s7 =	sor.u32 $0x1C03, s30;
	s31 =	sadd.s32 $0x3D600, s0  }
0x12: {  	s8 =	sadd.s32 $0x29600, s9;
	s11 =	sadd.s32 $0x51600, s0;
	[dreg:$0x6] =	wrdreg s31  }
.LBB2_1:
0x13: {  	s0 =	rddreg [dreg:$0x5]  }
0x14: {  	[spmem:s13], [sflag:s7] =	dma.local [hbm:s0], $0x1400  }
0x15: {  	_ =	swait.ge [sflag:s25], $0x1400  }
0x16: {  	[sflag:s25] =	ssyncset.done $0x0  }
0x17: {  	[sflag:s25] =	ssyncadd.s32 $0xFFFFEC00  }
0x18: {  	s6 =	rddreg [dreg:$0x1]  }
0x19: {  	[spmem:s14], [sflag:s7] =	dma.local [hbm:s6], $0x1400  }
0x1a: {  	_ =	swait.ge [sflag:s25], $0x1400  }
0x1b: {  	[sflag:s25] =	ssyncset.done $0x0  }
0x1c: {  	[sflag:s25] =	ssyncadd.s32 $0xFFFFEC00  }
0x1d: {  	s9 =	smul.u32 $0xAB, s25;
	[bflag:$0x0] =	sbarrier.arrive $0xFFFF  }
0x1e: {  	[tilespmem:s5], [sflag:$0x3] =	stream.linear.gather [hbm4b:s8+s5], $0x5000, $0x38;
	[tilespmem:$0x1F000] =	vst v63  }
0x1f: {  	_ =	swait.ge [sflag:s25], $0x5000  }
0x20: {  	s1 =	sadd.s32 $0xFFFFFEAA, s9;
	[sflag:s25] =	ssyncset.done $0x0  }
0x21: {  	s1 =	sshrl.u32 s1, $0x9;
	[sflag:s25] =	ssyncadd.s32 $0xFFFFB000  }
0x22: {  	[tilespmem:s16], [sflag:$0x1] =	stream.indirect.gather [spmem:s3], $0x40, s5, s15, $0xb8;
	[tilespmem:$0x1F000] =	vst v63  }
0x23: {  	s1 =	sand.u32 $0x7F, s1  }
0x24: {  	[tilespmem:s17], [sflag:$0x1] =	stream.indirect.gather [spmem:s3], $0x40, s15, s15, $0xb8;
	[tilespmem:$0x1F000] =	vst v63  }
0x25: {  	s1 =	smul.u32 $0x3, s1;
	_ =	swait.ge [sflag:s18], $0x2000  }
0x26: {  	[sflag:s18] =	ssyncset.done $0x0  }
0x27: {  	s1 =	ssub.s32 $0x3, s1;
	[sflag:s18] =	ssyncadd.s32 $0xFFFFE000  }
0x28: {  	[spmem:s4] =	stream.indirect.scatter.add.f32 [tilespmem:s16], [sflag:$0x2], $0x40, s19, s15, $0xb8;
	[tilespmem:$0x1F000] =	vst v63  }
0x29: {  	s1 =	sadd.s32 $0xFFFFFFFE, s1  }
0x2a: {  	[tilespmem:s21], [sflag:$0x1] =	stream.indirect.gather [spmem:s3], $0x40, s20, s15, $0xb8;
	[tilespmem:$0x1F000] =	vst v63  }
0x2b: {  	s30 =	simm.s32 $0x2880;
	s1 =	sand.u32 $0xFF, s1;
	_ =	swait.ge [sflag:s18], $0x2000  }
0x2c: {  	s28 =	simm.s32 $0x4;
	s1 =	sshll.u32 s1, $0xD;
	[sflag:s18] =	ssyncset.done $0x0  }
0x2d: {  	s0 =	sshrl.u32 s9, $0x9;
	s1 =	sadd.s32 $0x5000, s1;
	[sflag:s18] =	ssyncadd.s32 $0xFFFFE000  }
0x2e: {  	[spmem:s4] =	stream.indirect.scatter.add.f32 [tilespmem:s1], [sflag:$0x2], $0x40, s30, s15, $0xb8;
	[tilespmem:$0x1F000] =	vst v63  }
0x2f: {  	s31 =	smul.u32 $0xAB, s28;
	s0 =	sand.u32 $0x7F, s0;
	_ =	swait.ge [sflag:s22], $0x2000  }
0x30: {  	s2 =	simm.s32 $0x5;
	s1 =	smul.u32 $0x3, s0;
	[sflag:s22] =	ssyncset.done $0x0  }
0x31: {  	s29 =	simm.s32 $0x2900;
	s0 =	simm.s32 $0x3;
	[sflag:s22] =	ssyncadd.s32 $0xFFFFE000  }
.LBB2_2:
0x32: {  	s6 =	sadd.s32 $0xFFFFFEAA, s31;
	s1 =	ssub.s32 s0, s1  }
0x33: {  	s0 =	smov.u32 s28;
	s28 =	smov.u32 s2;
	s9 =	sadd.s32 $0x1, s2  }
0x34: {  	p0 =	sne.s32 s2, $0x4F;
	s2 =	sshrl.u32 s6, $0x9;
	s1 =	sand.u32 $0xFF, s1  }
0x35: {  	s2 =	sand.u32 $0x7F, s2;
	s1 =	sshll.u32 s1, $0xD  }
0x36: {  	s6 =	sadd.s32 $0xFFFFD900, s30;
	s2 =	smul.u32 $0x3, s2;
	s1 =	sadd.s32 $0x5000, s1  }
0x37: {  	[tilespmem:s1], [sflag:$0x1] =	stream.indirect.gather [spmem:s3], $0x40, s6, s15, $0xb8;
	[tilespmem:$0x1F000] =	vst v63  }
0x38: {  	s30 =	smov.u32 s29;
	s1 =	ssub.s32 s0, s2  }
0x39: {  	s1 =	sadd.s32 $0xFFFFFFFE, s1  }
0x3a: {  	s1 =	sand.u32 $0xFF, s1;
	_ =	swait.ge [sflag:s18], $0x2000  }
0x3b: {  	s2 =	sshrl.u32 s31, $0x9;
	s1 =	sshll.u32 s1, $0xD;
	[sflag:s18] =	ssyncset.done $0x0  }
.Ltmp0:
0x3c: {  	s1 =	sadd.s32 $0x5000, s1;
	[sflag:s18] =	ssyncadd.s32 $0xFFFFE000;
	(pc) =	sbr.rel @p0 .LBB2_2-.Ltmp0, $4  }
0x3d: {  	[spmem:s4] =	stream.indirect.scatter.add.f32 [tilespmem:s1], [sflag:$0x2], $0x40, s29, s15, $0xb8;
	[tilespmem:$0x1F000] =	vst v63  }
0x3e: {  	s31 =	smul.u32 $0xAB, s28;
	s1 =	sand.u32 $0x7F, s2;
	_ =	swait.ge [sflag:s22], $0x2000  }
0x3f: {  	s1 =	smul.u32 $0x3, s1;
	[sflag:s22] =	ssyncset.done $0x0  }
0x40: {  	s29 =	sadd.s32 $0x80, s29;
	s2 =	smov.u32 s9;
	[sflag:s22] =	ssyncadd.s32 $0xFFFFE000  }
0x41: {  	s2 =	sadd.s32 $0xFFFFFEAA, s31;
	s0 =	ssub.s32 s0, s1  }
0x42: {  	s6 =	sshrl.u32 s2, $0x9;
	s0 =	sand.u32 $0xFF, s0  }
0x43: {  	s1 =	sand.u32 $0x7F, s6;
	s0 =	sshll.u32 s0, $0xD  }
0x44: {  	s9 =	sadd.s32 $0xFFFFD900, s30;
	s1 =	smul.u32 $0x3, s1;
	s0 =	sadd.s32 $0x5000, s0  }
0x45: {  	[tilespmem:s0], [sflag:$0x1] =	stream.indirect.gather [spmem:s3], $0x40, s9, s15, $0xb8;
	[tilespmem:$0x1F000] =	vst v63  }
0x46: {  	s9 =	sshrl.u32 s31, $0x9;
	s6 =	ssub.s32 s28, s1  }
0x47: {  	s1 =	sand.u32 $0x7F, s9;
	s0 =	sadd.s32 $0xFFFFFFFE, s6  }
0x48: {  	_ =	swait.ge [sflag:s18], $0x2000;
	s1 =	smul.u32 $0x3, s1;
	s0 =	sand.u32 $0xFF, s0  }
0x49: {  	[sflag:s18] =	ssyncset.done $0x0;
	s0 =	sshll.u32 s0, $0xD  }
0x4a: {  	[sflag:s18] =	ssyncadd.s32 $0xFFFFE000;
	s2 =	ssub.s32 s28, s1;
	s0 =	sadd.s32 $0x5000, s0  }
0x4b: {  	[spmem:s4] =	stream.indirect.scatter.add.f32 [tilespmem:s0], [sflag:$0x2], $0x40, s29, s15, $0xb8;
	[tilespmem:$0x1F000] =	vst v63  }
0x4c: {  	s0 =	sand.u32 $0xFF, s2;
	_ =	swait.ge [sflag:s22], $0x2000  }
0x4d: {  	s0 =	sshll.u32 s0, $0xD;
	[sflag:s22] =	ssyncset.done $0x0  }
0x4e: {  	s6 =	sadd.s32 $0xFFFFD900, s29;
	s0 =	sadd.s32 $0x5000, s0;
	[sflag:s22] =	ssyncadd.s32 $0xFFFFE000  }
0x4f: {  	[tilespmem:s0], [sflag:$0x1] =	stream.indirect.gather [spmem:s3], $0x40, s6, s15, $0xb8;
	[tilespmem:$0x1F000] =	vst v63  }
0x50: {  	_ =	swait.ge [sflag:s18], $0x2000  }
0x51: {  	[sflag:s18] =	ssyncset.done $0x0  }
0x52: {  	[sflag:s18] =	ssyncadd.s32 $0xFFFFE000  }
0x53: {  	[spmem:s4] =	stream.indirect.scatter.add.f32 [tilespmem:s16], [sflag:$0x2], $0x40, s23, s15, $0xb8;
	[tilespmem:$0x1F000] =	vst v63  }
0x54: {  	_ =	swait.ge [sflag:s22], $0x2000  }
0x55: {  	[sflag:s22] =	ssyncset.done $0x0  }
0x56: {  	[sflag:s22] =	ssyncadd.s32 $0xFFFFE000  }
0x57: {  	_ =	swait.ge [sflag:s18], $0x2000  }
0x58: {  	[sflag:s18] =	ssyncset.done $0x0  }
0x59: {  	[sflag:s18] =	ssyncadd.s32 $0xFFFFE000  }
0x5a: {  	[spmem:s4] =	stream.indirect.scatter.add.f32 [tilespmem:s17], [sflag:$0x2], $0x40, s24, s15, $0xb8;
	[tilespmem:$0x1F000] =	vst v63  }
0x5b: {  	_ =	swait.ge [sflag:s22], $0x2000  }
0x5c: {  	[sflag:s22] =	ssyncset.done $0x0  }
0x5d: {  	[sflag:s22] =	ssyncadd.s32 $0xFFFFE000  }
0x5e: {  	_ =	swait.ge [sflag:s22], $0x2000  }
0x5f: {  	[sflag:s22] =	ssyncset.done $0x0  }
0x60: {  	[sflag:s22] =	ssyncadd.s32 $0xFFFFE000  }
0x61: {  	[bflag:$0x0] =	sbarrier.arrive $0xFFFF  }
0x62: {  	s28 =	simm.s32 $0x3;
	s9 =	rddreg [dreg:$0x6]  }
0x63: {  	[hbm:s9], [sflag:s7] =	dma.local [spmem:s14], $0x1400  }
0x64: {  	_ =	swait.ge [sflag:s28], $0x1400  }
0x65: {  	[sflag:s28] =	ssyncset.done $0x0  }
0x66: {  	[sflag:s28] =	ssyncadd.s32 $0xFFFFEC00  }
0x67: {  	[bflag:$0x0] =	sbarrier.arrive $0xFFFF  }
0x68: {  	[spmem:s13], [sflag:s7] =	dma.local [hbm:s10], $0x1400  }
0x69: {  	_ =	swait.ge [sflag:s28], $0x1400  }
0x6a: {  	[sflag:s28] =	ssyncset.done $0x0  }
0x6b: {  	[sflag:s28] =	ssyncadd.s32 $0xFFFFEC00  }
0x6c: {  	s1 =	rddreg [dreg:$0x1]  }
0x6d: {  	[spmem:s14], [sflag:s7] =	dma.local [hbm:s1], $0x1400  }
0x6e: {  	_ =	swait.ge [sflag:s28], $0x1400  }
0x6f: {  	[sflag:s28] =	ssyncset.done $0x0  }
0x70: {  	[sflag:s28] =	ssyncadd.s32 $0xFFFFEC00  }
0x71: {  	s2 =	smul.u32 $0xAB, s28;
	[bflag:$0x0] =	sbarrier.arrive $0xFFFF  }
0x72: {  	[tilespmem:s5], [sflag:$0x3] =	stream.linear.gather [hbm4b:s8+s5], $0x5000, $0x38;
	[tilespmem:$0x1F000] =	vst v63  }
0x73: {  	_ =	swait.ge [sflag:s28], $0x5000  }
0x74: {  	s6 =	sadd.s32 $0xFFFFFEAA, s2;
	[sflag:s28] =	ssyncset.done $0x0  }
0x75: {  	s1 =	sshrl.u32 s6, $0x9;
	[sflag:s28] =	ssyncadd.s32 $0xFFFFB000  }
0x76: {  	[tilespmem:s16], [sflag:$0x1] =	stream.indirect.gather [spmem:s3], $0x40, s5, s15, $0xb8;
	[tilespmem:$0x1F000] =	vst v63  }
0x77: {  	s1 =	sand.u32 $0x7F, s1  }
0x78: {  	[tilespmem:s17], [sflag:$0x1] =	stream.indirect.gather [spmem:s3], $0x40, s15, s15, $0xb8;
	[tilespmem:$0x1F000] =	vst v63  }
0x79: {  	s1 =	smul.u32 $0x3, s1;
	_ =	swait.ge [sflag:s18], $0x2000  }
0x7a: {  	[sflag:s18] =	ssyncset.done $0x0  }
0x7b: {  	s1 =	ssub.s32 $0x3, s1;
	[sflag:s18] =	ssyncadd.s32 $0xFFFFE000  }
0x7c: {  	[spmem:s4] =	stream.indirect.scatter.add.f32 [tilespmem:s16], [sflag:$0x2], $0x40, s19, s15, $0xb8;
	[tilespmem:$0x1F000] =	vst v63  }
0x7d: {  	s1 =	sadd.s32 $0xFFFFFFFE, s1  }
0x7e: {  	[tilespmem:s21], [sflag:$0x1] =	stream.indirect.gather [spmem:s3], $0x40, s20, s15, $0xb8;
	[tilespmem:$0x1F000] =	vst v63  }
0x7f: {  	s31 =	simm.s32 $0x2880;
	s1 =	sand.u32 $0xFF, s1;
	_ =	swait.ge [sflag:s18], $0x2000  }
0x80: {  	s29 =	simm.s32 $0x4;
	s1 =	sshll.u32 s1, $0xD;
	[sflag:s18] =	ssyncset.done $0x0  }
0x81: {  	s9 =	sshrl.u32 s2, $0x9;
	s1 =	sadd.s32 $0x5000, s1;
	[sflag:s18] =	ssyncadd.s32 $0xFFFFE000  }
0x82: {  	[spmem:s4] =	stream.indirect.scatter.add.f32 [tilespmem:s1], [sflag:$0x2], $0x40, s31, s15, $0xb8;
	[tilespmem:$0x1F000] =	vst v63  }
0x83: {  	s0 =	smul.u32 $0xAB, s29;
	s2 =	sand.u32 $0x7F, s9;
	_ =	swait.ge [sflag:s22], $0x2000  }
0x84: {  	s2 =	smul.u32 $0x3, s2;
	[sflag:s22] =	ssyncset.done $0x0  }
0x85: {  	s30 =	simm.s32 $0x2900;
	s1 =	simm.s32 $0x5;
	[sflag:s22] =	ssyncadd.s32 $0xFFFFE000  }
.LBB2_4:
0x86: {  	s6 =	sadd.s32 $0xFFFFFEAA, s0;
	s2 =	ssub.s32 s28, s2  }
0x87: {  	s28 =	smov.u32 s29;
	s29 =	smov.u32 s1;
	s9 =	sadd.s32 $0x1, s1  }
0x88: {  	p0 =	sne.s32 s1, $0x4F;
	s1 =	sshrl.u32 s6, $0x9;
	s2 =	sand.u32 $0xFF, s2  }
0x89: {  	s1 =	sand.u32 $0x7F, s1;
	s2 =	sshll.u32 s2, $0xD  }
0x8a: {  	s6 =	sadd.s32 $0xFFFFD900, s31;
	s1 =	smul.u32 $0x3, s1;
	s2 =	sadd.s32 $0x5000, s2  }
0x8b: {  	[tilespmem:s2], [sflag:$0x1] =	stream.indirect.gather [spmem:s3], $0x40, s6, s15, $0xb8;
	[tilespmem:$0x1F000] =	vst v63  }
0x8c: {  	s31 =	smov.u32 s30;
	s1 =	ssub.s32 s28, s1  }
0x8d: {  	s1 =	sadd.s32 $0xFFFFFFFE, s1  }
0x8e: {  	s1 =	sand.u32 $0xFF, s1;
	_ =	swait.ge [sflag:s18], $0x2000  }
0x8f: {  	s2 =	sshrl.u32 s0, $0x9;
	s1 =	sshll.u32 s1, $0xD;
	[sflag:s18] =	ssyncset.done $0x0  }
.Ltmp1:
0x90: {  	s0 =	sadd.s32 $0x5000, s1;
	[sflag:s18] =	ssyncadd.s32 $0xFFFFE000;
	(pc) =	sbr.rel @p0 .LBB2_4-.Ltmp1, $4  }
0x91: {  	[spmem:s4] =	stream.indirect.scatter.add.f32 [tilespmem:s0], [sflag:$0x2], $0x40, s30, s15, $0xb8;
	[tilespmem:$0x1F000] =	vst v63  }
0x92: {  	s1 =	sand.u32 $0x7F, s2;
	s0 =	smul.u32 $0xAB, s29;
	_ =	swait.ge [sflag:s22], $0x2000  }
0x93: {  	s2 =	smul.u32 $0x3, s1;
	[sflag:s22] =	ssyncset.done $0x0  }
0x94: {  	s30 =	sadd.s32 $0x80, s30;
	s1 =	smov.u32 s9;
	[sflag:s22] =	ssyncadd.s32 $0xFFFFE000  }
0x95: {  	s1 =	sadd.s32 $0xFFFFFEAA, s0;
	s2 =	ssub.s32 s28, s2  }
0x96: {  	s1 =	sshrl.u32 s1, $0x9;
	s2 =	sand.u32 $0xFF, s2  }
0x97: {  	s1 =	sand.u32 $0x7F, s1;
	s2 =	sshll.u32 s2, $0xD  }
0x98: {  	s6 =	sadd.s32 $0xFFFFD900, s31;
	s1 =	smul.u32 $0x3, s1;
	s2 =	sadd.s32 $0x5000, s2  }
0x99: {  	[tilespmem:s2], [sflag:$0x1] =	stream.indirect.gather [spmem:s3], $0x40, s6, s15, $0xb8;
	[tilespmem:$0x1F000] =	vst v63  }
0x9a: {  	s28 =	sshrl.u32 s0, $0x9;
	s1 =	ssub.s32 s29, s1  }
0x9b: {  	s0 =	sand.u32 $0x7F, s28;
	s1 =	sadd.s32 $0xFFFFFFFE, s1  }
0x9c: {  	s0 =	smul.u32 $0x3, s0;
	_ =	swait.ge [sflag:s18], $0x2000;
	s1 =	sand.u32 $0xFF, s1  }
0x9d: {  	[sflag:s18] =	ssyncset.done $0x0;
	s1 =	sshll.u32 s1, $0xD  }
0x9e: {  	s0 =	ssub.s32 s29, s0;
	[sflag:s18] =	ssyncadd.s32 $0xFFFFE000;
	s1 =	sadd.s32 $0x5000, s1  }
0x9f: {  	[spmem:s4] =	stream.indirect.scatter.add.f32 [tilespmem:s1], [sflag:$0x2], $0x40, s30, s15, $0xb8;
	[tilespmem:$0x1F000] =	vst v63  }
0xa0: {  	s0 =	sand.u32 $0xFF, s0;
	_ =	swait.ge [sflag:s22], $0x2000  }
0xa1: {  	s0 =	sshll.u32 s0, $0xD;
	[sflag:s22] =	ssyncset.done $0x0  }
0xa2: {  	s31 =	sadd.s32 $0xFFFFD900, s30;
	s0 =	sadd.s32 $0x5000, s0;
	[sflag:s22] =	ssyncadd.s32 $0xFFFFE000  }
0xa3: {  	[tilespmem:s0], [sflag:$0x1] =	stream.indirect.gather [spmem:s3], $0x40, s31, s15, $0xb8;
	[tilespmem:$0x1F000] =	vst v63  }
0xa4: {  	_ =	swait.ge [sflag:s18], $0x2000  }
0xa5: {  	[sflag:s18] =	ssyncset.done $0x0  }
0xa6: {  	[sflag:s18] =	ssyncadd.s32 $0xFFFFE000  }
0xa7: {  	[spmem:s4] =	stream.indirect.scatter.add.f32 [tilespmem:s16], [sflag:$0x2], $0x40, s23, s15, $0xb8;
	[tilespmem:$0x1F000] =	vst v63  }
0xa8: {  	_ =	swait.ge [sflag:s22], $0x2000  }
0xa9: {  	[sflag:s22] =	ssyncset.done $0x0  }
0xaa: {  	[sflag:s22] =	ssyncadd.s32 $0xFFFFE000  }
0xab: {  	_ =	swait.ge [sflag:s18], $0x2000  }
0xac: {  	[sflag:s18] =	ssyncset.done $0x0  }
0xad: {  	[sflag:s18] =	ssyncadd.s32 $0xFFFFE000  }
0xae: {  	[spmem:s4] =	stream.indirect.scatter.add.f32 [tilespmem:s17], [sflag:$0x2], $0x40, s24, s15, $0xb8;
	[tilespmem:$0x1F000] =	vst v63  }
0xaf: {  	_ =	swait.ge [sflag:s22], $0x2000  }
0xb0: {  	[sflag:s22] =	ssyncset.done $0x0  }
0xb1: {  	[sflag:s22] =	ssyncadd.s32 $0xFFFFE000  }
0xb2: {  	_ =	swait.ge [sflag:s22], $0x2000  }
0xb3: {  	[sflag:s22] =	ssyncset.done $0x0  }
0xb4: {  	s26 =	sadd.s32 $0x1, s26;
	[sflag:s22] =	ssyncadd.s32 $0xFFFFE000  }
0xb5: {  	p0 =	sne.s32 s26, s12;
	[bflag:$0x0] =	sbarrier.arrive $0xFFFF  }
0xb6: {  	[hbm:s11], [sflag:s7] =	dma.local [spmem:s14], $0x1400  }
.Ltmp2:
0xb7: {  	_ =	swait.ge [sflag:s25], $0x1400;
	(pc) =	sbr.rel @p0 .LBB2_1-.Ltmp2, $3  }
0xb8: {  	[sflag:s25] =	ssyncset.done $0x0  }
0xb9: {  	[sflag:s25] =	ssyncadd.s32 $0xFFFFEC00  }
0xba: {  	[bflag:$0x0] =	sbarrier.arrive $0xFFFF;
	_ =	sdelay $0x1  }
0xbb: {  	_ =	sfence.sel $0x180000  }
0xbc: {  	[bflag:$0x0] =	sbarrier.arrive $0xFFFF  }
0xbd: {  	_ =	strace $0x9000004A  }
0xbe: {  	s0 =	stileid.u32;
	[bflag:$0x2] =	sbarrier.arrive $0xFFFF  }
0xbf: {  	p0 =	sne.s32 s0, $0x0;
	s0 =	rddreg [dreg:$0x4]  }
0xc0: {  	s0 =	sadd.s32 @!p0 $0x100000, s0  }
0xc1: {  	[sflag:s0] =	ssyncadd.tile.s32 @!p0 $0x1;
	_ =	shalt  }
.Lfunc_end2:
_tile_overlayer_lowered:
.L_overlay_start_2:
0xc2: {  	(tag) =	ssettag $0x2  }
0xc3: {  	s0 =	rddreg [dreg:$0x0];
	s2 =	stileid.u32  }
0xc4: {  	s1 =	rddreg [dreg:$0x1];
	p0 =	sne.s32 s2, $0x0  }
0xc5: {  	s3 =	rddreg [dreg:$0x2];
	[bflag:$0x3] =	sbarrier.arrive $0xFFFF;
	s2 =	simm.s32 @!p0 $0x1C03  }
0xc6: {  	[timem:s3], [sflag:s2] =	dma.local @!p0 [hbm:s0], s1  }
0xc7: {  	s0 =	simm.s32 @!p0 $0x3  }
0xc8: {  	_ =	swait.ge @!p0 [sflag:s0], s1  }
0xc9: {  	s1 =	ssub.s32 @!p0 $0x0, s1;
	[sflag:s0] =	ssyncset.done @!p0 $0x0  }
0xca: {  	[sflag:s0] =	ssyncadd.s32 @!p0 s1  }
0xcb: {  	[bflag:$0x3] =	sbarrier.arrive $0xFFFF  }
0xcc: {  	_ =	shalt  }

</sc_bundles>
